<compile_context>
chip_gen: v7x
topology: tpu7x:2x2x1
jax: 0.10.2.dev20260603
libtpu: 0.0.44.dev20260713+nightly
codegen_flags: <defaults>
</compile_context>

<pallas_src>
import functools

import jax
import jax.numpy as jnp
from jax import lax
from jax.experimental import pallas as pl
from jax.experimental.pallas import tpu as pltpu
from jax.experimental.pallas import tpu_sc as plsc

N_DIMS = 64
NB_Q = 100000
NB_S = 1000
NB_R = 2
SEQ_LEN = 200
BATCH = 1024

TOKENS = BATCH * SEQ_LEN
NC = 2
NS = 16
NW = NC * NS
TOK_W = TOKENS // NW
NBLK = 800
NBLOCKS = TOK_W // NBLK
NCH = N_DIMS // 16


def _sc_body(e_in, s_in, rf_in, t_in, e_out, s_out,
             exe_tab, skill_tab, resp_tab, w_row, b_vec, pos_tab,
             enc_o, dec_o, out_o,
             eidx_v, sidx_v, eidx2_v, sidx2_v, rf_v, t_v,
             bufA, bufB, pos_v, resp_v, w_v, b_v, sem):
    wid = lax.axis_index("s") * NC + lax.axis_index("c")
    wbase = wid * TOK_W

    pltpu.sync_copy(pos_tab, pos_v)
    pltpu.sync_copy(resp_tab, resp_v)
    pltpu.sync_copy(w_row, w_v)
    pltpu.sync_copy(b_vec, b_v)

    WV = [w_v[0, pl.ds(c * 16, 16)] for c in range(NCH)]
    R0 = [resp_v[0, pl.ds(c * 16, 16)] + b_v[pl.ds(c * 16, 16)]
          for c in range(NCH)]
    DF = [resp_v[1, pl.ds(c * 16, 16)] - resp_v[0, pl.ds(c * 16, 16)]
          for c in range(NCH)]

    def block(blk, _):
        base = wbase + blk * NBLK

        pltpu.sync_copy(e_in.at[pl.ds(base, NBLK)], eidx_v)
        pltpu.sync_copy(s_in.at[pl.ds(base, NBLK)], sidx_v)
        pltpu.async_copy(exe_tab.at[eidx_v], bufA, sem).wait()
        pltpu.async_copy(skill_tab.at[sidx_v], bufA, sem, add=True).wait()

        def enc_row(i, _):
            l = lax.rem(i, SEQ_LEN)
            for c in range(NCH):
                sl = pl.ds(c * 16, 16)
                bufA[i, sl] = bufA[i, sl] + pos_v[l, sl]
            return 0
        lax.fori_loop(0, NBLK, enc_row, 0, unroll=8)
        pltpu.sync_copy(bufA, enc_o.at[pl.ds(base, NBLK)])

        pltpu.sync_copy(e_out.at[pl.ds(base, NBLK)], eidx2_v)
        pltpu.sync_copy(s_out.at[pl.ds(base, NBLK)], sidx2_v)
        pltpu.async_copy(exe_tab.at[eidx2_v], bufB, sem).wait()
        pltpu.async_copy(skill_tab.at[sidx2_v], bufB, sem, add=True).wait()
        pltpu.sync_copy(bufB, out_o.at[pl.ds(base, NBLK)])

        pltpu.sync_copy(rf_in.at[pl.ds(base, NBLK)], rf_v)
        pltpu.sync_copy(t_in.at[pl.ds(base, NBLK)], t_v)

        def dec_grp(g, _):
            i0 = g * 16
            rvec = rf_v[pl.ds(i0, 16)]
            tvec = t_v[pl.ds(i0, 16)]
            for j in range(16):
                i = i0 + j
                l = lax.rem(i, SEQ_LEN)
                r_i = rvec[j]
                t_i = tvec[j]
                for c in range(NCH):
                    sl = pl.ds(c * 16, 16)
                    bufB[i, sl] = (pos_v[l, sl] + R0[c]
                                   + r_i * DF[c] + t_i * WV[c])
            return 0
        lax.fori_loop(0, NBLK // 16, dec_grp, 0)
        pltpu.sync_copy(bufB, dec_o.at[pl.ds(base, NBLK)])
        return 0

    lax.fori_loop(0, NBLOCKS, block, 0)


@jax.jit
def _run(e_in, s_in, rf_in, t_in, e_out, s_out,
         exe_tab, skill_tab, resp_tab, w_row, b_vec, pos_tab):
    f32 = jnp.float32
    mesh = plsc.VectorSubcoreMesh(core_axis_name="c", subcore_axis_name="s",
                                  num_cores=NC, num_subcores=NS)
    out_type = (jax.ShapeDtypeStruct((TOKENS, N_DIMS), f32),
                jax.ShapeDtypeStruct((TOKENS, N_DIMS), f32),
                jax.ShapeDtypeStruct((TOKENS, N_DIMS), f32))
    scratch = [
        pltpu.VMEM((NBLK,), jnp.int32),
        pltpu.VMEM((NBLK,), jnp.int32),
        pltpu.VMEM((NBLK,), jnp.int32),
        pltpu.VMEM((NBLK,), jnp.int32),
        pltpu.VMEM((NBLK,), f32),
        pltpu.VMEM((NBLK,), f32),
        pltpu.VMEM((NBLK, N_DIMS), f32),
        pltpu.VMEM((NBLK, N_DIMS), f32),
        pltpu.VMEM((SEQ_LEN, N_DIMS), f32),
        pltpu.VMEM((NB_R, N_DIMS), f32),
        pltpu.VMEM((1, N_DIMS), f32),
        pltpu.VMEM((N_DIMS,), f32),
        pltpu.SemaphoreType.DMA,
    ]
    run = pl.kernel(_sc_body, out_type=out_type, mesh=mesh,
                    scratch_types=scratch,
                    compiler_params=pltpu.CompilerParams(
                        use_tc_tiling_on_sc=False))
    return run(e_in, s_in, rf_in, t_in, e_out, s_out,
               exe_tab, skill_tab, resp_tab, w_row, b_vec, pos_tab)


def kernel(input_exercise, input_skill, input_r, in_elapsed_time,
           out_exercise, out_skill, exercise_table, skill_table,
           response_table, elapsed_W, elapsed_b, position_table):
    e_in = input_exercise.reshape(TOKENS)
    s_in = input_skill.reshape(TOKENS)
    rf_in = input_r.reshape(TOKENS).astype(jnp.float32)
    t_in = in_elapsed_time.reshape(TOKENS)
    e_out = out_exercise.reshape(TOKENS)
    s_out = out_skill.reshape(TOKENS)

    enc, dec, out = _run(e_in, s_in, rf_in, t_in, e_out, s_out,
                         exercise_table, skill_table, response_table,
                         elapsed_W, elapsed_b, position_table)
    shp = (BATCH, SEQ_LEN, N_DIMS)
    return (enc.reshape(shp), dec.reshape(shp), out.reshape(shp))

# --- scband reference (transcript-rebuilt; emitter-appended) ---
"""Pipeline reference for scband-embedding-block-63582695850743 (READ-ONLY COPY).

The authoritative reference and input builder live on the scoring server;
editing this copy changes nothing except your own understanding.
"""

import jax, jax.numpy as jnp
import numpy as np

N_DIMS = 64
NB_Q = 100000
NB_S = 1000
NB_R = 2
SEQ_LEN = 200
BATCH = 1024

def setup_inputs(seed: int = 0) -> dict:
    key = jax.random.key(seed)
    ks = jax.random.split(key, 12)
    inp = {}
    inp['input_exercise'] = jax.random.randint(ks[0], (BATCH, SEQ_LEN), 0, NB_Q, dtype=jnp.int32)
    inp['input_skill'] = jax.random.randint(ks[1], (BATCH, SEQ_LEN), 0, NB_S, dtype=jnp.int32)
    inp['input_r'] = jax.random.randint(ks[2], (BATCH, SEQ_LEN), 0, NB_R, dtype=jnp.int32)
    inp['in_elapsed_time'] = jax.random.uniform(ks[3], (BATCH, SEQ_LEN, 1), dtype=jnp.float32)
    inp['out_exercise'] = jax.random.randint(ks[4], (BATCH, SEQ_LEN), 0, NB_Q, dtype=jnp.int32)
    inp['out_skill'] = jax.random.randint(ks[5], (BATCH, SEQ_LEN), 0, NB_S, dtype=jnp.int32)
    # learned parameters
    inp['exercise_table'] = jax.random.normal(ks[6], (NB_Q, N_DIMS), dtype=jnp.float32)
    inp['skill_table'] = jax.random.normal(ks[7], (NB_S, N_DIMS), dtype=jnp.float32)
    inp['response_table'] = jax.random.normal(ks[8], (NB_R, N_DIMS), dtype=jnp.float32)
    inp['elapsed_W'] = jax.random.normal(ks[9], (1, N_DIMS), dtype=jnp.float32)
    inp['elapsed_b'] = jax.random.normal(ks[10], (N_DIMS,), dtype=jnp.float32)
    inp['position_table'] = jax.random.normal(ks[11], (SEQ_LEN, N_DIMS), dtype=jnp.float32)
    return inp

def reference(input_exercise, input_skill, input_r, in_elapsed_time, out_exercise, out_skill,
              exercise_table, skill_table, response_table, elapsed_W, elapsed_b, position_table):
    position_encoded = jnp.arange(SEQ_LEN)  # pos_encode(seq_len)
    _pos = jnp.take(position_table, position_encoded, axis=0)  # [L, D]
    _exe = jnp.take(exercise_table, input_exercise, axis=0)    # [B, L, D]
    _skill = jnp.take(skill_table, input_skill, axis=0)
    _response = jnp.take(response_table, input_r, axis=0)
    _elapsed_time = in_elapsed_time @ elapsed_W + elapsed_b    # Linear(1, D)
    _out_exe = jnp.take(exercise_table, out_exercise, axis=0)
    _out_skill = jnp.take(skill_table, out_skill, axis=0)
    input_encoder = _exe + _skill + _pos[None, :, :]
    input_decoder = _response + _elapsed_time + _pos[None, :, :]
    output = _out_exe + _out_skill
    return (input_encoder, input_decoder, output)

if __name__ == "__main__":
    import jax
    _d = setup_inputs()
    print(jax.jit(kernel)(*tuple(_d.values())))

</pallas_src>

<mosaic_0001>
#map = affine_map<(d0, d1) -> (0)>
#map1 = affine_map<(d0, d1) -> (0, 0)>
module attributes {stable_mosaic.version = 14 : i64} {
  func.func @_sc_body(%arg0: i32, %arg1: i32, %arg2: memref<204800xi32, #tpu.memory_space<hbm>>, %arg3: memref<204800xi32, #tpu.memory_space<hbm>>, %arg4: memref<204800xf32, #tpu.memory_space<hbm>>, %arg5: memref<204800xf32, #tpu.memory_space<hbm>>, %arg6: memref<204800xi32, #tpu.memory_space<hbm>>, %arg7: memref<204800xi32, #tpu.memory_space<hbm>>, %arg8: memref<100000x64xf32, #tpu.memory_space<hbm>>, %arg9: memref<1000x64xf32, #tpu.memory_space<hbm>>, %arg10: memref<2x64xf32, #tpu.memory_space<hbm>>, %arg11: memref<1x64xf32, #tpu.memory_space<hbm>>, %arg12: memref<64xf32, #tpu.memory_space<hbm>>, %arg13: memref<200x64xf32, #tpu.memory_space<hbm>>, %arg14: memref<204800x64xf32, #tpu.memory_space<hbm>>, %arg15: memref<204800x64xf32, #tpu.memory_space<hbm>>, %arg16: memref<204800x64xf32, #tpu.memory_space<hbm>>, %arg17: memref<800xi32, #tpu.memory_space<vmem>>, %arg18: memref<800xi32, #tpu.memory_space<vmem>>, %arg19: memref<800xi32, #tpu.memory_space<vmem>>, %arg20: memref<800xi32, #tpu.memory_space<vmem>>, %arg21: memref<800xf32, #tpu.memory_space<vmem>>, %arg22: memref<800xf32, #tpu.memory_space<vmem>>, %arg23: memref<800x64xf32, #tpu.memory_space<vmem>>, %arg24: memref<800x64xf32, #tpu.memory_space<vmem>>, %arg25: memref<200x64xf32, #tpu.memory_space<vmem>>, %arg26: memref<2x64xf32, #tpu.memory_space<vmem>>, %arg27: memref<1x64xf32, #tpu.memory_space<vmem>>, %arg28: memref<64xf32, #tpu.memory_space<vmem>>, %arg29: memref<!tpu.dma_semaphore, #tpu.memory_space<semaphore_mem>>) attributes {dimension_semantics = [#tpu.dimension_semantics<core_parallel>, #tpu.dimension_semantics<subcore_parallel>], iteration_bounds = array<i64: 2, 16>, scalar_prefetch = 0 : i64, scratch_operands = 13 : i64, tpu.core_type = #tpu.core_type<sc_vector_subcore>, window_params = [{transform_indices = #map}, {transform_indices = #map}, {transform_indices = #map}, {transform_indices = #map}, {transform_indices = #map}, {transform_indices = #map}, {transform_indices = #map1}, {transform_indices = #map1}, {transform_indices = #map1}, {transform_indices = #map1}, {transform_indices = #map}, {transform_indices = #map1}, {transform_indices = #map1}, {transform_indices = #map1}, {transform_indices = #map1}]} {
    %mul3A = arith.constant 2 : i32
    %mul3A_0 = arith.muli %arg1, %mul3A : i32
    %add3A = arith.addi %mul3A_0, %arg0 : i32
    %mul3A_1 = arith.constant 6400 : i32
    %mul3A_2 = arith.muli %add3A, %mul3A_1 : i32
    "tpu.region"() ({
      %run_scoped3A = tpu.sem_alloc : memref<!tpu.dma_semaphore, #tpu.memory_space<semaphore_mem>>
      tpu.enqueue_dma source(%arg13 : memref<200x64xf32, #tpu.memory_space<hbm>>) target(%arg25 : memref<200x64xf32, #tpu.memory_space<vmem>>) target_semaphore(%run_scoped3A : memref<!tpu.dma_semaphore, #tpu.memory_space<semaphore_mem>>)
      tpu.wait_dma2 semaphore(%run_scoped3A : memref<!tpu.dma_semaphore, #tpu.memory_space<semaphore_mem>>) src(%arg13 : memref<200x64xf32, #tpu.memory_space<hbm>>) dst(%arg25 : memref<200x64xf32, #tpu.memory_space<vmem>>)
      tpu.yield
    }) : () -> ()
    "tpu.region"() ({
      %run_scoped3A = tpu.sem_alloc : memref<!tpu.dma_semaphore, #tpu.memory_space<semaphore_mem>>
      tpu.enqueue_dma source(%arg10 : memref<2x64xf32, #tpu.memory_space<hbm>>) target(%arg26 : memref<2x64xf32, #tpu.memory_space<vmem>>) target_semaphore(%run_scoped3A : memref<!tpu.dma_semaphore, #tpu.memory_space<semaphore_mem>>)
      tpu.wait_dma2 semaphore(%run_scoped3A : memref<!tpu.dma_semaphore, #tpu.memory_space<semaphore_mem>>) src(%arg10 : memref<2x64xf32, #tpu.memory_space<hbm>>) dst(%arg26 : memref<2x64xf32, #tpu.memory_space<vmem>>)
      tpu.yield
    }) : () -> ()
    "tpu.region"() ({
      %run_scoped3A = tpu.sem_alloc : memref<!tpu.dma_semaphore, #tpu.memory_space<semaphore_mem>>
      tpu.enqueue_dma source(%arg11 : memref<1x64xf32, #tpu.memory_space<hbm>>) target(%arg27 : memref<1x64xf32, #tpu.memory_space<vmem>>) target_semaphore(%run_scoped3A : memref<!tpu.dma_semaphore, #tpu.memory_space<semaphore_mem>>)
      tpu.wait_dma2 semaphore(%run_scoped3A : memref<!tpu.dma_semaphore, #tpu.memory_space<semaphore_mem>>) src(%arg11 : memref<1x64xf32, #tpu.memory_space<hbm>>) dst(%arg27 : memref<1x64xf32, #tpu.memory_space<vmem>>)
      tpu.yield
    }) : () -> ()
    "tpu.region"() ({
      %run_scoped3A = tpu.sem_alloc : memref<!tpu.dma_semaphore, #tpu.memory_space<semaphore_mem>>
      tpu.enqueue_dma source(%arg12 : memref<64xf32, #tpu.memory_space<hbm>>) target(%arg28 : memref<64xf32, #tpu.memory_space<vmem>>) target_semaphore(%run_scoped3A : memref<!tpu.dma_semaphore, #tpu.memory_space<semaphore_mem>>)
      tpu.wait_dma2 semaphore(%run_scoped3A : memref<!tpu.dma_semaphore, #tpu.memory_space<semaphore_mem>>) src(%arg12 : memref<64xf32, #tpu.memory_space<hbm>>) dst(%arg28 : memref<64xf32, #tpu.memory_space<vmem>>)
      tpu.yield
    }) : () -> ()
    %get3A = arith.constant 0 : i32
    %get3A_3 = arith.index_cast %get3A : i32 to index
    %get3A_4 = arith.constant 0 : index
    %get3A_5 = tpu.vector_load %arg27[%get3A_3, %get3A_4] {strides = array<i32>} : memref<1x64xf32, #tpu.memory_space<vmem>>, vector<1x16xf32>,
    %get3A_6 = vector.shape_cast %get3A_5 : vector<1x16xf32> to vector<16xf32>
    %get3A_7 = arith.constant 0 : i32
    %get3A_8 = arith.index_cast %get3A_7 : i32 to index
    %get3A_9 = arith.constant 16 : index
    %get3A_10 = tpu.vector_load %arg27[%get3A_8, %get3A_9] {strides = array<i32>} : memref<1x64xf32, #tpu.memory_space<vmem>>, vector<1x16xf32>,
    %get3A_11 = vector.shape_cast %get3A_10 : vector<1x16xf32> to vector<16xf32>
    %get3A_12 = arith.constant 0 : i32
    %get3A_13 = arith.index_cast %get3A_12 : i32 to index
    %get3A_14 = arith.constant 32 : index
    %get3A_15 = tpu.vector_load %arg27[%get3A_13, %get3A_14] {strides = array<i32>} : memref<1x64xf32, #tpu.memory_space<vmem>>, vector<1x16xf32>,
    %get3A_16 = vector.shape_cast %get3A_15 : vector<1x16xf32> to vector<16xf32>
    %get3A_17 = arith.constant 0 : i32
    %get3A_18 = arith.index_cast %get3A_17 : i32 to index
    %get3A_19 = arith.constant 48 : index
    %get3A_20 = tpu.vector_load %arg27[%get3A_18, %get3A_19] {strides = array<i32>} : memref<1x64xf32, #tpu.memory_space<vmem>>, vector<1x16xf32>,
    %get3A_21 = vector.shape_cast %get3A_20 : vector<1x16xf32> to vector<16xf32>
    %get3A_22 = arith.constant 0 : i32
    %get3A_23 = arith.index_cast %get3A_22 : i32 to index
    %get3A_24 = arith.constant 0 : index
    %get3A_25 = tpu.vector_load %arg26[%get3A_23, %get3A_24] {strides = array<i32>} : memref<2x64xf32, #tpu.memory_space<vmem>>, vector<1x16xf32>,
    %get3A_26 = vector.shape_cast %get3A_25 : vector<1x16xf32> to vector<16xf32>
    %get3A_27 = arith.constant 0 : index
    %get3A_28 = tpu.vector_load %arg28[%get3A_27] {strides = array<i32>} : memref<64xf32, #tpu.memory_space<vmem>>, vector<16xf32>,
    %get3A_29 = vector.shape_cast %get3A_28 : vector<16xf32> to vector<16xf32>
    %add3A_30 = arith.addf %get3A_26, %get3A_29 : vector<16xf32>
    %get3A_31 = arith.constant 0 : i32
    %get3A_32 = arith.index_cast %get3A_31 : i32 to index
    %get3A_33 = arith.constant 16 : index
    %get3A_34 = tpu.vector_load %arg26[%get3A_32, %get3A_33] {strides = array<i32>} : memref<2x64xf32, #tpu.memory_space<vmem>>, vector<1x16xf32>,
    %get3A_35 = vector.shape_cast %get3A_34 : vector<1x16xf32> to vector<16xf32>
    %get3A_36 = arith.constant 16 : index
    %get3A_37 = tpu.vector_load %arg28[%get3A_36] {strides = array<i32>} : memref<64xf32, #tpu.memory_space<vmem>>, vector<16xf32>,
    %get3A_38 = vector.shape_cast %get3A_37 : vector<16xf32> to vector<16xf32>
    %add3A_39 = arith.addf %get3A_35, %get3A_38 : vector<16xf32>
    %get3A_40 = arith.constant 0 : i32
    %get3A_41 = arith.index_cast %get3A_40 : i32 to index
    %get3A_42 = arith.constant 32 : index
    %get3A_43 = tpu.vector_load %arg26[%get3A_41, %get3A_42] {strides = array<i32>} : memref<2x64xf32, #tpu.memory_space<vmem>>, vector<1x16xf32>,
    %get3A_44 = vector.shape_cast %get3A_43 : vector<1x16xf32> to vector<16xf32>
    %get3A_45 = arith.constant 32 : index
    %get3A_46 = tpu.vector_load %arg28[%get3A_45] {strides = array<i32>} : memref<64xf32, #tpu.memory_space<vmem>>, vector<16xf32>,
    %get3A_47 = vector.shape_cast %get3A_46 : vector<16xf32> to vector<16xf32>
    %add3A_48 = arith.addf %get3A_44, %get3A_47 : vector<16xf32>
    %get3A_49 = arith.constant 0 : i32
    %get3A_50 = arith.index_cast %get3A_49 : i32 to index
    %get3A_51 = arith.constant 48 : index
    %get3A_52 = tpu.vector_load %arg26[%get3A_50, %get3A_51] {strides = array<i32>} : memref<2x64xf32, #tpu.memory_space<vmem>>, vector<1x16xf32>,
    %get3A_53 = vector.shape_cast %get3A_52 : vector<1x16xf32> to vector<16xf32>
    %get3A_54 = arith.constant 48 : index
    %get3A_55 = tpu.vector_load %arg28[%get3A_54] {strides = array<i32>} : memref<64xf32, #tpu.memory_space<vmem>>, vector<16xf32>,
    %get3A_56 = vector.shape_cast %get3A_55 : vector<16xf32> to vector<16xf32>
    %add3A_57 = arith.addf %get3A_53, %get3A_56 : vector<16xf32>
    %get3A_58 = arith.constant 1 : i32
    %get3A_59 = arith.index_cast %get3A_58 : i32 to index
    %get3A_60 = arith.constant 0 : index
    %get3A_61 = tpu.vector_load %arg26[%get3A_59, %get3A_60] {strides = array<i32>} : memref<2x64xf32, #tpu.memory_space<vmem>>, vector<1x16xf32>,
    %get3A_62 = vector.shape_cast %get3A_61 : vector<1x16xf32> to vector<16xf32>
    %get3A_63 = arith.constant 0 : i32
    %get3A_64 = arith.index_cast %get3A_63 : i32 to index
    %get3A_65 = arith.constant 0 : index
    %get3A_66 = tpu.vector_load %arg26[%get3A_64, %get3A_65] {strides = array<i32>} : memref<2x64xf32, #tpu.memory_space<vmem>>, vector<1x16xf32>,
    %get3A_67 = vector.shape_cast %get3A_66 : vector<1x16xf32> to vector<16xf32>
    %sub3A = arith.subf %get3A_62, %get3A_67 : vector<16xf32>
    %get3A_68 = arith.constant 1 : i32
    %get3A_69 = arith.index_cast %get3A_68 : i32 to index
    %get3A_70 = arith.constant 16 : index
    %get3A_71 = tpu.vector_load %arg26[%get3A_69, %get3A_70] {strides = array<i32>} : memref<2x64xf32, #tpu.memory_space<vmem>>, vector<1x16xf32>,
    %get3A_72 = vector.shape_cast %get3A_71 : vector<1x16xf32> to vector<16xf32>
    %get3A_73 = arith.constant 0 : i32
    %get3A_74 = arith.index_cast %get3A_73 : i32 to index
    %get3A_75 = arith.constant 16 : index
    %get3A_76 = tpu.vector_load %arg26[%get3A_74, %get3A_75] {strides = array<i32>} : memref<2x64xf32, #tpu.memory_space<vmem>>, vector<1x16xf32>,
    %get3A_77 = vector.shape_cast %get3A_76 : vector<1x16xf32> to vector<16xf32>
    %sub3A_78 = arith.subf %get3A_72, %get3A_77 : vector<16xf32>
    %get3A_79 = arith.constant 1 : i32
    %get3A_80 = arith.index_cast %get3A_79 : i32 to index
    %get3A_81 = arith.constant 32 : index
    %get3A_82 = tpu.vector_load %arg26[%get3A_80, %get3A_81] {strides = array<i32>} : memref<2x64xf32, #tpu.memory_space<vmem>>, vector<1x16xf32>,
    %get3A_83 = vector.shape_cast %get3A_82 : vector<1x16xf32> to vector<16xf32>
    %get3A_84 = arith.constant 0 : i32
    %get3A_85 = arith.index_cast %get3A_84 : i32 to index
    %get3A_86 = arith.constant 32 : index
    %get3A_87 = tpu.vector_load %arg26[%get3A_85, %get3A_86] {strides = array<i32>} : memref<2x64xf32, #tpu.memory_space<vmem>>, vector<1x16xf32>,
    %get3A_88 = vector.shape_cast %get3A_87 : vector<1x16xf32> to vector<16xf32>
    %sub3A_89 = arith.subf %get3A_83, %get3A_88 : vector<16xf32>
    %get3A_90 = arith.constant 1 : i32
    %get3A_91 = arith.index_cast %get3A_90 : i32 to index
    %get3A_92 = arith.constant 48 : index
    %get3A_93 = tpu.vector_load %arg26[%get3A_91, %get3A_92] {strides = array<i32>} : memref<2x64xf32, #tpu.memory_space<vmem>>, vector<1x16xf32>,
    %get3A_94 = vector.shape_cast %get3A_93 : vector<1x16xf32> to vector<16xf32>
    %get3A_95 = arith.constant 0 : i32
    %get3A_96 = arith.index_cast %get3A_95 : i32 to index
    %get3A_97 = arith.constant 48 : index
    %get3A_98 = tpu.vector_load %arg26[%get3A_96, %get3A_97] {strides = array<i32>} : memref<2x64xf32, #tpu.memory_space<vmem>>, vector<1x16xf32>,
    %get3A_99 = vector.shape_cast %get3A_98 : vector<1x16xf32> to vector<16xf32>
    %sub3A_100 = arith.subf %get3A_94, %get3A_99 : vector<16xf32>
    %scan3A = arith.constant 0 : i32
    %scan3A_101 = arith.constant 0 : i32
    %scan3A_102 = arith.constant 8 : i32
    %scan3A_103 = arith.addi %scan3A_101, %scan3A_102 : i32
    %scan3A_104 = arith.constant 1 : i32
    %scan3A_105 = scf.for %scan3A_107 = %scan3A_101 to %scan3A_103 step %scan3A_104 iter_args(%scan3A_108 = %scan3A) -> (i32)  : i32 {
      %mul3A_109 = arith.constant 800 : i32
      %mul3A_110 = arith.muli %scan3A_107, %mul3A_109 : i32
      %add3A_111 = arith.addi %mul3A_2, %mul3A_110 : i32
      "tpu.region"() ({
        %run_scoped3A = tpu.sem_alloc : memref<!tpu.dma_semaphore, #tpu.memory_space<semaphore_mem>>
        %dma_start3A_149 = tpu.memref_slice %arg2[%add3A_111] : memref<204800xi32, #tpu.memory_space<hbm>> -> memref<800xi32, #tpu.memory_space<hbm>>
        %dma_start3A_150 = tpu.memref_slice %arg2[%add3A_111] : memref<204800xi32, #tpu.memory_space<hbm>> -> memref<800xi32, #tpu.memory_space<hbm>>
        tpu.enqueue_dma source(%dma_start3A_150 : memref<800xi32, #tpu.memory_space<hbm>>) target(%arg17 : memref<800xi32, #tpu.memory_space<vmem>>) target_semaphore(%run_scoped3A : memref<!tpu.dma_semaphore, #tpu.memory_space<semaphore_mem>>)
        %dma_wait3A_151 = tpu.memref_slice %arg2[%add3A_111] : memref<204800xi32, #tpu.memory_space<hbm>> -> memref<800xi32, #tpu.memory_space<hbm>>
        %dma_wait3A_152 = tpu.memref_slice %arg2[%add3A_111] : memref<204800xi32, #tpu.memory_space<hbm>> -> memref<800xi32, #tpu.memory_space<hbm>>
        tpu.wait_dma2 semaphore(%run_scoped3A : memref<!tpu.dma_semaphore, #tpu.memory_space<semaphore_mem>>) src(%dma_wait3A_152 : memref<800xi32, #tpu.memory_space<hbm>>) dst(%arg17 : memref<800xi32, #tpu.memory_space<vmem>>)
        tpu.yield
      }) : () -> ()
      "tpu.region"() ({
        %run_scoped3A = tpu.sem_alloc : memref<!tpu.dma_semaphore, #tpu.memory_space<semaphore_mem>>
        %dma_start3A_149 = tpu.memref_slice %arg3[%add3A_111] : memref<204800xi32, #tpu.memory_space<hbm>> -> memref<800xi32, #tpu.memory_space<hbm>>
        %dma_start3A_150 = tpu.memref_slice %arg3[%add3A_111] : memref<204800xi32, #tpu.memory_space<hbm>> -> memref<800xi32, #tpu.memory_space<hbm>>
        tpu.enqueue_dma source(%dma_start3A_150 : memref<800xi32, #tpu.memory_space<hbm>>) target(%arg18 : memref<800xi32, #tpu.memory_space<vmem>>) target_semaphore(%run_scoped3A : memref<!tpu.dma_semaphore, #tpu.memory_space<semaphore_mem>>)
        %dma_wait3A_151 = tpu.memref_slice %arg3[%add3A_111] : memref<204800xi32, #tpu.memory_space<hbm>> -> memref<800xi32, #tpu.memory_space<hbm>>
        %dma_wait3A_152 = tpu.memref_slice %arg3[%add3A_111] : memref<204800xi32, #tpu.memory_space<hbm>> -> memref<800xi32, #tpu.memory_space<hbm>>
        tpu.wait_dma2 semaphore(%run_scoped3A : memref<!tpu.dma_semaphore, #tpu.memory_space<semaphore_mem>>) src(%dma_wait3A_152 : memref<800xi32, #tpu.memory_space<hbm>>) dst(%arg18 : memref<800xi32, #tpu.memory_space<vmem>>)
        tpu.yield
      }) : () -> ()
      %dma_start3A = arith.constant 0 : i32
      %dma_start3A_112 = arith.constant 0 : i32
      %dma_start3A_113 = tpu.memref_slice %arg8[%dma_start3A, %dma_start3A_112] : memref<100000x64xf32, #tpu.memory_space<hbm>> -> memref<100000x64xf32, #tpu.memory_space<hbm>>
      tpu.enqueue_indirect_dma source(%dma_start3A_113 : memref<100000x64xf32, #tpu.memory_space<hbm>>) target(%arg23 : memref<800x64xf32, #tpu.memory_space<vmem>>) offsets(%arg17 : memref<800xi32, #tpu.memory_space<vmem>>) semaphore(%arg29 : memref<!tpu.dma_semaphore, #tpu.memory_space<semaphore_mem>>)
      %dma_wait3A = arith.constant 0 : i32
      %dma_wait3A_114 = arith.constant 0 : i32
      %dma_wait3A_115 = tpu.memref_slice %arg8[%dma_wait3A, %dma_wait3A_114] : memref<100000x64xf32, #tpu.memory_space<hbm>> -> memref<100000x64xf32, #tpu.memory_space<hbm>>
      tpu.wait_indirect_dma semaphore(%arg29 : memref<!tpu.dma_semaphore, #tpu.memory_space<semaphore_mem>>) src(%dma_wait3A_115 : memref<100000x64xf32, #tpu.memory_space<hbm>>) dst(%arg23 : memref<800x64xf32, #tpu.memory_space<vmem>>)
      %dma_start3A_116 = arith.constant 0 : i32
      %dma_start3A_117 = arith.constant 0 : i32
      %dma_start3A_118 = tpu.memref_slice %arg9[%dma_start3A_116, %dma_start3A_117] : memref<1000x64xf32, #tpu.memory_space<hbm>> -> memref<1000x64xf32, #tpu.memory_space<hbm>>
      tpu.enqueue_indirect_dma source(%dma_start3A_118 : memref<1000x64xf32, #tpu.memory_space<hbm>>) target(%arg23 : memref<800x64xf32, #tpu.memory_space<vmem>>) offsets(%arg18 : memref<800xi32, #tpu.memory_space<vmem>>) semaphore(%arg29 : memref<!tpu.dma_semaphore, #tpu.memory_space<semaphore_mem>>) {add = true}
      %dma_wait3A_119 = arith.constant 0 : i32
      %dma_wait3A_120 = arith.constant 0 : i32
      %dma_wait3A_121 = tpu.memref_slice %arg9[%dma_wait3A_119, %dma_wait3A_120] : memref<1000x64xf32, #tpu.memory_space<hbm>> -> memref<1000x64xf32, #tpu.memory_space<hbm>>
      tpu.wait_indirect_dma semaphore(%arg29 : memref<!tpu.dma_semaphore, #tpu.memory_space<semaphore_mem>>) src(%dma_wait3A_121 : memref<1000x64xf32, #tpu.memory_space<hbm>>) dst(%arg23 : memref<800x64xf32, #tpu.memory_space<vmem>>)
      %scan3A_122 = arith.constant 0 : i32
      %scan3A_123 = arith.constant 0 : i32
      %scan3A_124 = arith.constant 800 : i32
      %scan3A_125 = arith.addi %scan3A_123, %scan3A_124 : i32
      %scan3A_126 = arith.constant 8 : i32
      %scan3A_127 = scf.for %scan3A_149 = %scan3A_123 to %scan3A_125 step %scan3A_126 iter_args(%scan3A_150 = %scan3A_122) -> (i32)  : i32 {
        %rem3A = arith.constant 200 : i32
        %rem3A_151 = arith.remsi %scan3A_149, %rem3A : i32
        %get3A_152 = arith.index_cast %scan3A_149 : i32 to index
        %get3A_153 = arith.constant 0 : index
        %get3A_154 = tpu.vector_load %arg23[%get3A_152, %get3A_153] {strides = array<i32>} : memref<800x64xf32, #tpu.memory_space<vmem>>, vector<1x16xf32>,
        %get3A_155 = vector.shape_cast %get3A_154 : vector<1x16xf32> to vector<16xf32>
        %get3A_156 = arith.index_cast %rem3A_151 : i32 to index
        %get3A_157 = arith.constant 0 : index
        %get3A_158 = tpu.vector_load %arg25[%get3A_156, %get3A_157] {strides = array<i32>} : memref<200x64xf32, #tpu.memory_space<vmem>>, vector<1x16xf32>,
        %get3A_159 = vector.shape_cast %get3A_158 : vector<1x16xf32> to vector<16xf32>
        %add3A_160 = arith.addf %get3A_155, %get3A_159 : vector<16xf32>
        %swap3A = arith.index_cast %scan3A_149 : i32 to index
        %swap3A_161 = arith.constant 0 : index
        %swap3A_162 = tpu.vector_load %arg23[%swap3A, %swap3A_161] {strides = array<i32>} : memref<800x64xf32, #tpu.memory_space<vmem>>, vector<1x16xf32>,
        %swap3A_163 = vector.shape_cast %swap3A_162 : vector<1x16xf32> to vector<16xf32>
        %swap3A_164 = vector.shape_cast %add3A_160 : vector<16xf32> to vector<1x16xf32>
        tpu.vector_store %arg23[%swap3A, %swap3A_161], %swap3A_164 {strides = array<i32>} : memref<800x64xf32, #tpu.memory_space<vmem>>, vector<1x16xf32>,
        %get3A_165 = arith.index_cast %scan3A_149 : i32 to index
        %get3A_166 = arith.constant 16 : index
        %get3A_167 = tpu.vector_load %arg23[%get3A_165, %get3A_166] {strides = array<i32>} : memref<800x64xf32, #tpu.memory_space<vmem>>, vector<1x16xf32>,
        %get3A_168 = vector.shape_cast %get3A_167 : vector<1x16xf32> to vector<16xf32>
        %get3A_169 = arith.index_cast %rem3A_151 : i32 to index
        %get3A_170 = arith.constant 16 : index
        %get3A_171 = tpu.vector_load %arg25[%get3A_169, %get3A_170] {strides = array<i32>} : memref<200x64xf32, #tpu.memory_space<vmem>>, vector<1x16xf32>,
        %get3A_172 = vector.shape_cast %get3A_171 : vector<1x16xf32> to vector<16xf32>
        %add3A_173 = arith.addf %get3A_168, %get3A_172 : vector<16xf32>
        %swap3A_174 = arith.index_cast %scan3A_149 : i32 to index
        %swap3A_175 = arith.constant 16 : index
        %swap3A_176 = tpu.vector_load %arg23[%swap3A_174, %swap3A_175] {strides = array<i32>} : memref<800x64xf32, #tpu.memory_space<vmem>>, vector<1x16xf32>,
        %swap3A_177 = vector.shape_cast %swap3A_176 : vector<1x16xf32> to vector<16xf32>
        %swap3A_178 = vector.shape_cast %add3A_173 : vector<16xf32> to vector<1x16xf32>
        tpu.vector_store %arg23[%swap3A_174, %swap3A_175], %swap3A_178 {strides = array<i32>} : memref<800x64xf32, #tpu.memory_space<vmem>>, vector<1x16xf32>,
        %get3A_179 = arith.index_cast %scan3A_149 : i32 to index
        %get3A_180 = arith.constant 32 : index
        %get3A_181 = tpu.vector_load %arg23[%get3A_179, %get3A_180] {strides = array<i32>} : memref<800x64xf32, #tpu.memory_space<vmem>>, vector<1x16xf32>,
        %get3A_182 = vector.shape_cast %get3A_181 : vector<1x16xf32> to vector<16xf32>
        %get3A_183 = arith.index_cast %rem3A_151 : i32 to index
        %get3A_184 = arith.constant 32 : index
        %get3A_185 = tpu.vector_load %arg25[%get3A_183, %get3A_184] {strides = array<i32>} : memref<200x64xf32, #tpu.memory_space<vmem>>, vector<1x16xf32>,
        %get3A_186 = vector.shape_cast %get3A_185 : vector<1x16xf32> to vector<16xf32>
        %add3A_187 = arith.addf %get3A_182, %get3A_186 : vector<16xf32>
        %swap3A_188 = arith.index_cast %scan3A_149 : i32 to index
        %swap3A_189 = arith.constant 32 : index
        %swap3A_190 = tpu.vector_load %arg23[%swap3A_188, %swap3A_189] {strides = array<i32>} : memref<800x64xf32, #tpu.memory_space<vmem>>, vector<1x16xf32>,
        %swap3A_191 = vector.shape_cast %swap3A_190 : vector<1x16xf32> to vector<16xf32>
        %swap3A_192 = vector.shape_cast %add3A_187 : vector<16xf32> to vector<1x16xf32>
        tpu.vector_store %arg23[%swap3A_188, %swap3A_189], %swap3A_192 {strides = array<i32>} : memref<800x64xf32, #tpu.memory_space<vmem>>, vector<1x16xf32>,
        %get3A_193 = arith.index_cast %scan3A_149 : i32 to index
        %get3A_194 = arith.constant 48 : index
        %get3A_195 = tpu.vector_load %arg23[%get3A_193, %get3A_194] {strides = array<i32>} : memref<800x64xf32, #tpu.memory_space<vmem>>, vector<1x16xf32>,
        %get3A_196 = vector.shape_cast %get3A_195 : vector<1x16xf32> to vector<16xf32>
        %get3A_197 = arith.index_cast %rem3A_151 : i32 to index
        %get3A_198 = arith.constant 48 : index
        %get3A_199 = tpu.vector_load %arg25[%get3A_197, %get3A_198] {strides = array<i32>} : memref<200x64xf32, #tpu.memory_space<vmem>>, vector<1x16xf32>,
        %get3A_200 = vector.shape_cast %get3A_199 : vector<1x16xf32> to vector<16xf32>
        %add3A_201 = arith.addf %get3A_196, %get3A_200 : vector<16xf32>
        %swap3A_202 = arith.index_cast %scan3A_149 : i32 to index
        %swap3A_203 = arith.constant 48 : index
        %swap3A_204 = tpu.vector_load %arg23[%swap3A_202, %swap3A_203] {strides = array<i32>} : memref<800x64xf32, #tpu.memory_space<vmem>>, vector<1x16xf32>,
        %swap3A_205 = vector.shape_cast %swap3A_204 : vector<1x16xf32> to vector<16xf32>
        %swap3A_206 = vector.shape_cast %add3A_201 : vector<16xf32> to vector<1x16xf32>
        tpu.vector_store %arg23[%swap3A_202, %swap3A_203], %swap3A_206 {strides = array<i32>} : memref<800x64xf32, #tpu.memory_space<vmem>>, vector<1x16xf32>,
        %scan3A_207 = arith.constant 0 : i32
        %scan3A_208 = arith.constant 1 : i32
        %scan3A_209 = arith.addi %scan3A_149, %scan3A_208 : i32
        %rem3A_210 = arith.constant 200 : i32
        %rem3A_211 = arith.remsi %scan3A_209, %rem3A_210 : i32
        %get3A_212 = arith.index_cast %scan3A_209 : i32 to index
        %get3A_213 = arith.constant 0 : index
        %get3A_214 = tpu.vector_load %arg23[%get3A_212, %get3A_213] {strides = array<i32>} : memref<800x64xf32, #tpu.memory_space<vmem>>, vector<1x16xf32>,
        %get3A_215 = vector.shape_cast %get3A_214 : vector<1x16xf32> to vector<16xf32>
        %get3A_216 = arith.index_cast %rem3A_211 : i32 to index
        %get3A_217 = arith.constant 0 : index
        %get3A_218 = tpu.vector_load %arg25[%get3A_216, %get3A_217] {strides = array<i32>} : memref<200x64xf32, #tpu.memory_space<vmem>>, vector<1x16xf32>,
        %get3A_219 = vector.shape_cast %get3A_218 : vector<1x16xf32> to vector<16xf32>
        %add3A_220 = arith.addf %get3A_215, %get3A_219 : vector<16xf32>
        %swap3A_221 = arith.index_cast %scan3A_209 : i32 to index
        %swap3A_222 = arith.constant 0 : index
        %swap3A_223 = tpu.vector_load %arg23[%swap3A_221, %swap3A_222] {strides = array<i32>} : memref<800x64xf32, #tpu.memory_space<vmem>>, vector<1x16xf32>,
        %swap3A_224 = vector.shape_cast %swap3A_223 : vector<1x16xf32> to vector<16xf32>
        %swap3A_225 = vector.shape_cast %add3A_220 : vector<16xf32> to vector<1x16xf32>
        tpu.vector_store %arg23[%swap3A_221, %swap3A_222], %swap3A_225 {strides = array<i32>} : memref<800x64xf32, #tpu.memory_space<vmem>>, vector<1x16xf32>,
        %get3A_226 = arith.index_cast %scan3A_209 : i32 to index
        %get3A_227 = arith.constant 16 : index
        %get3A_228 = tpu.vector_load %arg23[%get3A_226, %get3A_227] {strides = array<i32>} : memref<800x64xf32, #tpu.memory_space<vmem>>, vector<1x16xf32>,
        %get3A_229 = vector.shape_cast %get3A_228 : vector<1x16xf32> to vector<16xf32>
        %get3A_230 = arith.index_cast %rem3A_211 : i32 to index
        %get3A_231 = arith.constant 16 : index
        %get3A_232 = tpu.vector_load %arg25[%get3A_230, %get3A_231] {strides = array<i32>} : memref<200x64xf32, #tpu.memory_space<vmem>>, vector<1x16xf32>,
        %get3A_233 = vector.shape_cast %get3A_232 : vector<1x16xf32> to vector<16xf32>
        %add3A_234 = arith.addf %get3A_229, %get3A_233 : vector<16xf32>
        %swap3A_235 = arith.index_cast %scan3A_209 : i32 to index
        %swap3A_236 = arith.constant 16 : index
        %swap3A_237 = tpu.vector_load %arg23[%swap3A_235, %swap3A_236] {strides = array<i32>} : memref<800x64xf32, #tpu.memory_space<vmem>>, vector<1x16xf32>,
        %swap3A_238 = vector.shape_cast %swap3A_237 : vector<1x16xf32> to vector<16xf32>
        %swap3A_239 = vector.shape_cast %add3A_234 : vector<16xf32> to vector<1x16xf32>
        tpu.vector_store %arg23[%swap3A_235, %swap3A_236], %swap3A_239 {strides = array<i32>} : memref<800x64xf32, #tpu.memory_space<vmem>>, vector<1x16xf32>,
        %get3A_240 = arith.index_cast %scan3A_209 : i32 to index
        %get3A_241 = arith.constant 32 : index
        %get3A_242 = tpu.vector_load %arg23[%get3A_240, %get3A_241] {strides = array<i32>} : memref<800x64xf32, #tpu.memory_space<vmem>>, vector<1x16xf32>,
        %get3A_243 = vector.shape_cast %get3A_242 : vector<1x16xf32> to vector<16xf32>
        %get3A_244 = arith.index_cast %rem3A_211 : i32 to index
        %get3A_245 = arith.constant 32 : index
        %get3A_246 = tpu.vector_load %arg25[%get3A_244, %get3A_245] {strides = array<i32>} : memref<200x64xf32, #tpu.memory_space<vmem>>, vector<1x16xf32>,
        %get3A_247 = vector.shape_cast %get3A_246 : vector<1x16xf32> to vector<16xf32>
        %add3A_248 = arith.addf %get3A_243, %get3A_247 : vector<16xf32>
        %swap3A_249 = arith.index_cast %scan3A_209 : i32 to index
        %swap3A_250 = arith.constant 32 : index
        %swap3A_251 = tpu.vector_load %arg23[%swap3A_249, %swap3A_250] {strides = array<i32>} : memref<800x64xf32, #tpu.memory_space<vmem>>, vector<1x16xf32>,
        %swap3A_252 = vector.shape_cast %swap3A_251 : vector<1x16xf32> to vector<16xf32>
        %swap3A_253 = vector.shape_cast %add3A_248 : vector<16xf32> to vector<1x16xf32>
        tpu.vector_store %arg23[%swap3A_249, %swap3A_250], %swap3A_253 {strides = array<i32>} : memref<800x64xf32, #tpu.memory_space<vmem>>, vector<1x16xf32>,
        %get3A_254 = arith.index_cast %scan3A_209 : i32 to index
        %get3A_255 = arith.constant 48 : index
        %get3A_256 = tpu.vector_load %arg23[%get3A_254, %get3A_255] {strides = array<i32>} : memref<800x64xf32, #tpu.memory_space<vmem>>, vector<1x16xf32>,
        %get3A_257 = vector.shape_cast %get3A_256 : vector<1x16xf32> to vector<16xf32>
        %get3A_258 = arith.index_cast %rem3A_211 : i32 to index
        %get3A_259 = arith.constant 48 : index
        %get3A_260 = tpu.vector_load %arg25[%get3A_258, %get3A_259] {strides = array<i32>} : memref<200x64xf32, #tpu.memory_space<vmem>>, vector<1x16xf32>,
        %get3A_261 = vector.shape_cast %get3A_260 : vector<1x16xf32> to vector<16xf32>
        %add3A_262 = arith.addf %get3A_257, %get3A_261 : vector<16xf32>
        %swap3A_263 = arith.index_cast %scan3A_209 : i32 to index
        %swap3A_264 = arith.constant 48 : index
        %swap3A_265 = tpu.vector_load %arg23[%swap3A_263, %swap3A_264] {strides = array<i32>} : memref<800x64xf32, #tpu.memory_space<vmem>>, vector<1x16xf32>,
        %swap3A_266 = vector.shape_cast %swap3A_265 : vector<1x16xf32> to vector<16xf32>
        %swap3A_267 = vector.shape_cast %add3A_262 : vector<16xf32> to vector<1x16xf32>
        tpu.vector_store %arg23[%swap3A_263, %swap3A_264], %swap3A_267 {strides = array<i32>} : memref<800x64xf32, #tpu.memory_space<vmem>>, vector<1x16xf32>,
        %scan3A_268 = arith.constant 0 : i32
        %scan3A_269 = arith.constant 2 : i32
        %scan3A_270 = arith.addi %scan3A_149, %scan3A_269 : i32
        %rem3A_271 = arith.constant 200 : i32
        %rem3A_272 = arith.remsi %scan3A_270, %rem3A_271 : i32
        %get3A_273 = arith.index_cast %scan3A_270 : i32 to index
        %get3A_274 = arith.constant 0 : index
        %get3A_275 = tpu.vector_load %arg23[%get3A_273, %get3A_274] {strides = array<i32>} : memref<800x64xf32, #tpu.memory_space<vmem>>, vector<1x16xf32>,
        %get3A_276 = vector.shape_cast %get3A_275 : vector<1x16xf32> to vector<16xf32>
        %get3A_277 = arith.index_cast %rem3A_272 : i32 to index
        %get3A_278 = arith.constant 0 : index
        %get3A_279 = tpu.vector_load %arg25[%get3A_277, %get3A_278] {strides = array<i32>} : memref<200x64xf32, #tpu.memory_space<vmem>>, vector<1x16xf32>,
        %get3A_280 = vector.shape_cast %get3A_279 : vector<1x16xf32> to vector<16xf32>
        %add3A_281 = arith.addf %get3A_276, %get3A_280 : vector<16xf32>
        %swap3A_282 = arith.index_cast %scan3A_270 : i32 to index
        %swap3A_283 = arith.constant 0 : index
        %swap3A_284 = tpu.vector_load %arg23[%swap3A_282, %swap3A_283] {strides = array<i32>} : memref<800x64xf32, #tpu.memory_space<vmem>>, vector<1x16xf32>,
        %swap3A_285 = vector.shape_cast %swap3A_284 : vector<1x16xf32> to vector<16xf32>
        %swap3A_286 = vector.shape_cast %add3A_281 : vector<16xf32> to vector<1x16xf32>
        tpu.vector_store %arg23[%swap3A_282, %swap3A_283], %swap3A_286 {strides = array<i32>} : memref<800x64xf32, #tpu.memory_space<vmem>>, vector<1x16xf32>,
        %get3A_287 = arith.index_cast %scan3A_270 : i32 to index
        %get3A_288 = arith.constant 16 : index
        %get3A_289 = tpu.vector_load %arg23[%get3A_287, %get3A_288] {strides = array<i32>} : memref<800x64xf32, #tpu.memory_space<vmem>>, vector<1x16xf32>,
        %get3A_290 = vector.shape_cast %get3A_289 : vector<1x16xf32> to vector<16xf32>
        %get3A_291 = arith.index_cast %rem3A_272 : i32 to index
        %get3A_292 = arith.constant 16 : index
        %get3A_293 = tpu.vector_load %arg25[%get3A_291, %get3A_292] {strides = array<i32>} : memref<200x64xf32, #tpu.memory_space<vmem>>, vector<1x16xf32>,
        %get3A_294 = vector.shape_cast %get3A_293 : vector<1x16xf32> to vector<16xf32>
        %add3A_295 = arith.addf %get3A_290, %get3A_294 : vector<16xf32>
        %swap3A_296 = arith.index_cast %scan3A_270 : i32 to index
        %swap3A_297 = arith.constant 16 : index
        %swap3A_298 = tpu.vector_load %arg23[%swap3A_296, %swap3A_297] {strides = array<i32>} : memref<800x64xf32, #tpu.memory_space<vmem>>, vector<1x16xf32>,
        %swap3A_299 = vector.shape_cast %swap3A_298 : vector<1x16xf32> to vector<16xf32>
        %swap3A_300 = vector.shape_cast %add3A_295 : vector<16xf32> to vector<1x16xf32>
        tpu.vector_store %arg23[%swap3A_296, %swap3A_297], %swap3A_300 {strides = array<i32>} : memref<800x64xf32, #tpu.memory_space<vmem>>, vector<1x16xf32>,
        %get3A_301 = arith.index_cast %scan3A_270 : i32 to index
        %get3A_302 = arith.constant 32 : index
        %get3A_303 = tpu.vector_load %arg23[%get3A_301, %get3A_302] {strides = array<i32>} : memref<800x64xf32, #tpu.memory_space<vmem>>, vector<1x16xf32>,
        %get3A_304 = vector.shape_cast %get3A_303 : vector<1x16xf32> to vector<16xf32>
        %get3A_305 = arith.index_cast %rem3A_272 : i32 to index
        %get3A_306 = arith.constant 32 : index
        %get3A_307 = tpu.vector_load %arg25[%get3A_305, %get3A_306] {strides = array<i32>} : memref<200x64xf32, #tpu.memory_space<vmem>>, vector<1x16xf32>,
        %get3A_308 = vector.shape_cast %get3A_307 : vector<1x16xf32> to vector<16xf32>
        %add3A_309 = arith.addf %get3A_304, %get3A_308 : vector<16xf32>
        %swap3A_310 = arith.index_cast %scan3A_270 : i32 to index
        %swap3A_311 = arith.constant 32 : index
        %swap3A_312 = tpu.vector_load %arg23[%swap3A_310, %swap3A_311] {strides = array<i32>} : memref<800x64xf32, #tpu.memory_space<vmem>>, vector<1x16xf32>,
        %swap3A_313 = vector.shape_cast %swap3A_312 : vector<1x16xf32> to vector<16xf32>
        %swap3A_314 = vector.shape_cast %add3A_309 : vector<16xf32> to vector<1x16xf32>
        tpu.vector_store %arg23[%swap3A_310, %swap3A_311], %swap3A_314 {strides = array<i32>} : memref<800x64xf32, #tpu.memory_space<vmem>>, vector<1x16xf32>,
        %get3A_315 = arith.index_cast %scan3A_270 : i32 to index
        %get3A_316 = arith.constant 48 : index
        %get3A_317 = tpu.vector_load %arg23[%get3A_315, %get3A_316] {strides = array<i32>} : memref<800x64xf32, #tpu.memory_space<vmem>>, vector<1x16xf32>,
        %get3A_318 = vector.shape_cast %get3A_317 : vector<1x16xf32> to vector<16xf32>
        %get3A_319 = arith.index_cast %rem3A_272 : i32 to index
        %get3A_320 = arith.constant 48 : index
        %get3A_321 = tpu.vector_load %arg25[%get3A_319, %get3A_320] {strides = array<i32>} : memref<200x64xf32, #tpu.memory_space<vmem>>, vector<1x16xf32>,
        %get3A_322 = vector.shape_cast %get3A_321 : vector<1x16xf32> to vector<16xf32>
        %add3A_323 = arith.addf %get3A_318, %get3A_322 : vector<16xf32>
        %swap3A_324 = arith.index_cast %scan3A_270 : i32 to index
        %swap3A_325 = arith.constant 48 : index
        %swap3A_326 = tpu.vector_load %arg23[%swap3A_324, %swap3A_325] {strides = array<i32>} : memref<800x64xf32, #tpu.memory_space<vmem>>, vector<1x16xf32>,
        %swap3A_327 = vector.shape_cast %swap3A_326 : vector<1x16xf32> to vector<16xf32>
        %swap3A_328 = vector.shape_cast %add3A_323 : vector<16xf32> to vector<1x16xf32>
        tpu.vector_store %arg23[%swap3A_324, %swap3A_325], %swap3A_328 {strides = array<i32>} : memref<800x64xf32, #tpu.memory_space<vmem>>, vector<1x16xf32>,
        %scan3A_329 = arith.constant 0 : i32
        %scan3A_330 = arith.constant 3 : i32
        %scan3A_331 = arith.addi %scan3A_149, %scan3A_330 : i32
        %rem3A_332 = arith.constant 200 : i32
        %rem3A_333 = arith.remsi %scan3A_331, %rem3A_332 : i32
        %get3A_334 = arith.index_cast %scan3A_331 : i32 to index
        %get3A_335 = arith.constant 0 : index
        %get3A_336 = tpu.vector_load %arg23[%get3A_334, %get3A_335] {strides = array<i32>} : memref<800x64xf32, #tpu.memory_space<vmem>>, vector<1x16xf32>,
        %get3A_337 = vector.shape_cast %get3A_336 : vector<1x16xf32> to vector<16xf32>
        %get3A_338 = arith.index_cast %rem3A_333 : i32 to index
        %get3A_339 = arith.constant 0 : index
        %get3A_340 = tpu.vector_load %arg25[%get3A_338, %get3A_339] {strides = array<i32>} : memref<200x64xf32, #tpu.memory_space<vmem>>, vector<1x16xf32>,
        %get3A_341 = vector.shape_cast %get3A_340 : vector<1x16xf32> to vector<16xf32>
        %add3A_342 = arith.addf %get3A_337, %get3A_341 : vector<16xf32>
        %swap3A_343 = arith.index_cast %scan3A_331 : i32 to index
        %swap3A_344 = arith.constant 0 : index
        %swap3A_345 = tpu.vector_load %arg23[%swap3A_343, %swap3A_344] {strides = array<i32>} : memref<800x64xf32, #tpu.memory_space<vmem>>, vector<1x16xf32>,
        %swap3A_346 = vector.shape_cast %swap3A_345 : vector<1x16xf32> to vector<16xf32>
        %swap3A_347 = vector.shape_cast %add3A_342 : vector<16xf32> to vector<1x16xf32>
        tpu.vector_store %arg23[%swap3A_343, %swap3A_344], %swap3A_347 {strides = array<i32>} : memref<800x64xf32, #tpu.memory_space<vmem>>, vector<1x16xf32>,
        %get3A_348 = arith.index_cast %scan3A_331 : i32 to index
        %get3A_349 = arith.constant 16 : index
        %get3A_350 = tpu.vector_load %arg23[%get3A_348, %get3A_349] {strides = array<i32>} : memref<800x64xf32, #tpu.memory_space<vmem>>, vector<1x16xf32>,
        %get3A_351 = vector.shape_cast %get3A_350 : vector<1x16xf32> to vector<16xf32>
        %get3A_352 = arith.index_cast %rem3A_333 : i32 to index
        %get3A_353 = arith.constant 16 : index
        %get3A_354 = tpu.vector_load %arg25[%get3A_352, %get3A_353] {strides = array<i32>} : memref<200x64xf32, #tpu.memory_space<vmem>>, vector<1x16xf32>,
        %get3A_355 = vector.shape_cast %get3A_354 : vector<1x16xf32> to vector<16xf32>
        %add3A_356 = arith.addf %get3A_351, %get3A_355 : vector<16xf32>
        %swap3A_357 = arith.index_cast %scan3A_331 : i32 to index
        %swap3A_358 = arith.constant 16 : index
        %swap3A_359 = tpu.vector_load %arg23[%swap3A_357, %swap3A_358] {strides = array<i32>} : memref<800x64xf32, #tpu.memory_space<vmem>>, vector<1x16xf32>,
        %swap3A_360 = vector.shape_cast %swap3A_359 : vector<1x16xf32> to vector<16xf32>
        %swap3A_361 = vector.shape_cast %add3A_356 : vector<16xf32> to vector<1x16xf32>
        tpu.vector_store %arg23[%swap3A_357, %swap3A_358], %swap3A_361 {strides = array<i32>} : memref<800x64xf32, #tpu.memory_space<vmem>>, vector<1x16xf32>,
        %get3A_362 = arith.index_cast %scan3A_331 : i32 to index
        %get3A_363 = arith.constant 32 : index
        %get3A_364 = tpu.vector_load %arg23[%get3A_362, %get3A_363] {strides = array<i32>} : memref<800x64xf32, #tpu.memory_space<vmem>>, vector<1x16xf32>,
        %get3A_365 = vector.shape_cast %get3A_364 : vector<1x16xf32> to vector<16xf32>
        %get3A_366 = arith.index_cast %rem3A_333 : i32 to index
        %get3A_367 = arith.constant 32 : index
        %get3A_368 = tpu.vector_load %arg25[%get3A_366, %get3A_367] {strides = array<i32>} : memref<200x64xf32, #tpu.memory_space<vmem>>, vector<1x16xf32>,
        %get3A_369 = vector.shape_cast %get3A_368 : vector<1x16xf32> to vector<16xf32>
        %add3A_370 = arith.addf %get3A_365, %get3A_369 : vector<16xf32>
        %swap3A_371 = arith.index_cast %scan3A_331 : i32 to index
        %swap3A_372 = arith.constant 32 : index
        %swap3A_373 = tpu.vector_load %arg23[%swap3A_371, %swap3A_372] {strides = array<i32>} : memref<800x64xf32, #tpu.memory_space<vmem>>, vector<1x16xf32>,
        %swap3A_374 = vector.shape_cast %swap3A_373 : vector<1x16xf32> to vector<16xf32>
        %swap3A_375 = vector.shape_cast %add3A_370 : vector<16xf32> to vector<1x16xf32>
        tpu.vector_store %arg23[%swap3A_371, %swap3A_372], %swap3A_375 {strides = array<i32>} : memref<800x64xf32, #tpu.memory_space<vmem>>, vector<1x16xf32>,
        %get3A_376 = arith.index_cast %scan3A_331 : i32 to index
        %get3A_377 = arith.constant 48 : index
        %get3A_378 = tpu.vector_load %arg23[%get3A_376, %get3A_377] {strides = array<i32>} : memref<800x64xf32, #tpu.memory_space<vmem>>, vector<1x16xf32>,
        %get3A_379 = vector.shape_cast %get3A_378 : vector<1x16xf32> to vector<16xf32>
        %get3A_380 = arith.index_cast %rem3A_333 : i32 to index
        %get3A_381 = arith.constant 48 : index
        %get3A_382 = tpu.vector_load %arg25[%get3A_380, %get3A_381] {strides = array<i32>} : memref<200x64xf32, #tpu.memory_space<vmem>>, vector<1x16xf32>,
        %get3A_383 = vector.shape_cast %get3A_382 : vector<1x16xf32> to vector<16xf32>
        %add3A_384 = arith.addf %get3A_379, %get3A_383 : vector<16xf32>
        %swap3A_385 = arith.index_cast %scan3A_331 : i32 to index
        %swap3A_386 = arith.constant 48 : index
        %swap3A_387 = tpu.vector_load %arg23[%swap3A_385, %swap3A_386] {strides = array<i32>} : memref<800x64xf32, #tpu.memory_space<vmem>>, vector<1x16xf32>,
        %swap3A_388 = vector.shape_cast %swap3A_387 : vector<1x16xf32> to vector<16xf32>
        %swap3A_389 = vector.shape_cast %add3A_384 : vector<16xf32> to vector<1x16xf32>
        tpu.vector_store %arg23[%swap3A_385, %swap3A_386], %swap3A_389 {strides = array<i32>} : memref<800x64xf32, #tpu.memory_space<vmem>>, vector<1x16xf32>,
        %scan3A_390 = arith.constant 0 : i32
        %scan3A_391 = arith.constant 4 : i32
        %scan3A_392 = arith.addi %scan3A_149, %scan3A_391 : i32
        %rem3A_393 = arith.constant 200 : i32
        %rem3A_394 = arith.remsi %scan3A_392, %rem3A_393 : i32
        %get3A_395 = arith.index_cast %scan3A_392 : i32 to index
        %get3A_396 = arith.constant 0 : index
        %get3A_397 = tpu.vector_load %arg23[%get3A_395, %get3A_396] {strides = array<i32>} : memref<800x64xf32, #tpu.memory_space<vmem>>, vector<1x16xf32>,
        %get3A_398 = vector.shape_cast %get3A_397 : vector<1x16xf32> to vector<16xf32>
        %get3A_399 = arith.index_cast %rem3A_394 : i32 to index
        %get3A_400 = arith.constant 0 : index
        %get3A_401 = tpu.vector_load %arg25[%get3A_399, %get3A_400] {strides = array<i32>} : memref<200x64xf32, #tpu.memory_space<vmem>>, vector<1x16xf32>,
        %get3A_402 = vector.shape_cast %get3A_401 : vector<1x16xf32> to vector<16xf32>
        %add3A_403 = arith.addf %get3A_398, %get3A_402 : vector<16xf32>
        %swap3A_404 = arith.index_cast %scan3A_392 : i32 to index
        %swap3A_405 = arith.constant 0 : index
        %swap3A_406 = tpu.vector_load %arg23[%swap3A_404, %swap3A_405] {strides = array<i32>} : memref<800x64xf32, #tpu.memory_space<vmem>>, vector<1x16xf32>,
        %swap3A_407 = vector.shape_cast %swap3A_406 : vector<1x16xf32> to vector<16xf32>
        %swap3A_408 = vector.shape_cast %add3A_403 : vector<16xf32> to vector<1x16xf32>
        tpu.vector_store %arg23[%swap3A_404, %swap3A_405], %swap3A_408 {strides = array<i32>} : memref<800x64xf32, #tpu.memory_space<vmem>>, vector<1x16xf32>,
        %get3A_409 = arith.index_cast %scan3A_392 : i32 to index
        %get3A_410 = arith.constant 16 : index
        %get3A_411 = tpu.vector_load %arg23[%get3A_409, %get3A_410] {strides = array<i32>} : memref<800x64xf32, #tpu.memory_space<vmem>>, vector<1x16xf32>,
        %get3A_412 = vector.shape_cast %get3A_411 : vector<1x16xf32> to vector<16xf32>
        %get3A_413 = arith.index_cast %rem3A_394 : i32 to index
        %get3A_414 = arith.constant 16 : index
        %get3A_415 = tpu.vector_load %arg25[%get3A_413, %get3A_414] {strides = array<i32>} : memref<200x64xf32, #tpu.memory_space<vmem>>, vector<1x16xf32>,
        %get3A_416 = vector.shape_cast %get3A_415 : vector<1x16xf32> to vector<16xf32>
        %add3A_417 = arith.addf %get3A_412, %get3A_416 : vector<16xf32>
        %swap3A_418 = arith.index_cast %scan3A_392 : i32 to index
        %swap3A_419 = arith.constant 16 : index
        %swap3A_420 = tpu.vector_load %arg23[%swap3A_418, %swap3A_419] {strides = array<i32>} : memref<800x64xf32, #tpu.memory_space<vmem>>, vector<1x16xf32>,
        %swap3A_421 = vector.shape_cast %swap3A_420 : vector<1x16xf32> to vector<16xf32>
        %swap3A_422 = vector.shape_cast %add3A_417 : vector<16xf32> to vector<1x16xf32>
        tpu.vector_store %arg23[%swap3A_418, %swap3A_419], %swap3A_422 {strides = array<i32>} : memref<800x64xf32, #tpu.memory_space<vmem>>, vector<1x16xf32>,
        %get3A_423 = arith.index_cast %scan3A_392 : i32 to index
        %get3A_424 = arith.constant 32 : index
        %get3A_425 = tpu.vector_load %arg23[%get3A_423, %get3A_424] {strides = array<i32>} : memref<800x64xf32, #tpu.memory_space<vmem>>, vector<1x16xf32>,
        %get3A_426 = vector.shape_cast %get3A_425 : vector<1x16xf32> to vector<16xf32>
        %get3A_427 = arith.index_cast %rem3A_394 : i32 to index
        %get3A_428 = arith.constant 32 : index
        %get3A_429 = tpu.vector_load %arg25[%get3A_427, %get3A_428] {strides = array<i32>} : memref<200x64xf32, #tpu.memory_space<vmem>>, vector<1x16xf32>,
        %get3A_430 = vector.shape_cast %get3A_429 : vector<1x16xf32> to vector<16xf32>
        %add3A_431 = arith.addf %get3A_426, %get3A_430 : vector<16xf32>
        %swap3A_432 = arith.index_cast %scan3A_392 : i32 to index
        %swap3A_433 = arith.constant 32 : index
        %swap3A_434 = tpu.vector_load %arg23[%swap3A_432, %swap3A_433] {strides = array<i32>} : memref<800x64xf32, #tpu.memory_space<vmem>>, vector<1x16xf32>,
        %swap3A_435 = vector.shape_cast %swap3A_434 : vector<1x16xf32> to vector<16xf32>
        %swap3A_436 = vector.shape_cast %add3A_431 : vector<16xf32> to vector<1x16xf32>
        tpu.vector_store %arg23[%swap3A_432, %swap3A_433], %swap3A_436 {strides = array<i32>} : memref<800x64xf32, #tpu.memory_space<vmem>>, vector<1x16xf32>,
        %get3A_437 = arith.index_cast %scan3A_392 : i32 to index
        %get3A_438 = arith.constant 48 : index
        %get3A_439 = tpu.vector_load %arg23[%get3A_437, %get3A_438] {strides = array<i32>} : memref<800x64xf32, #tpu.memory_space<vmem>>, vector<1x16xf32>,
        %get3A_440 = vector.shape_cast %get3A_439 : vector<1x16xf32> to vector<16xf32>
        %get3A_441 = arith.index_cast %rem3A_394 : i32 to index
        %get3A_442 = arith.constant 48 : index
        %get3A_443 = tpu.vector_load %arg25[%get3A_441, %get3A_442] {strides = array<i32>} : memref<200x64xf32, #tpu.memory_space<vmem>>, vector<1x16xf32>,
        %get3A_444 = vector.shape_cast %get3A_443 : vector<1x16xf32> to vector<16xf32>
        %add3A_445 = arith.addf %get3A_440, %get3A_444 : vector<16xf32>
        %swap3A_446 = arith.index_cast %scan3A_392 : i32 to index
        %swap3A_447 = arith.constant 48 : index
        %swap3A_448 = tpu.vector_load %arg23[%swap3A_446, %swap3A_447] {strides = array<i32>} : memref<800x64xf32, #tpu.memory_space<vmem>>, vector<1x16xf32>,
        %swap3A_449 = vector.shape_cast %swap3A_448 : vector<1x16xf32> to vector<16xf32>
        %swap3A_450 = vector.shape_cast %add3A_445 : vector<16xf32> to vector<1x16xf32>
        tpu.vector_store %arg23[%swap3A_446, %swap3A_447], %swap3A_450 {strides = array<i32>} : memref<800x64xf32, #tpu.memory_space<vmem>>, vector<1x16xf32>,
        %scan3A_451 = arith.constant 0 : i32
        %scan3A_452 = arith.constant 5 : i32
        %scan3A_453 = arith.addi %scan3A_149, %scan3A_452 : i32
        %rem3A_454 = arith.constant 200 : i32
        %rem3A_455 = arith.remsi %scan3A_453, %rem3A_454 : i32
        %get3A_456 = arith.index_cast %scan3A_453 : i32 to index
        %get3A_457 = arith.constant 0 : index
        %get3A_458 = tpu.vector_load %arg23[%get3A_456, %get3A_457] {strides = array<i32>} : memref<800x64xf32, #tpu.memory_space<vmem>>, vector<1x16xf32>,
        %get3A_459 = vector.shape_cast %get3A_458 : vector<1x16xf32> to vector<16xf32>
        %get3A_460 = arith.index_cast %rem3A_455 : i32 to index
        %get3A_461 = arith.constant 0 : index
        %get3A_462 = tpu.vector_load %arg25[%get3A_460, %get3A_461] {strides = array<i32>} : memref<200x64xf32, #tpu.memory_space<vmem>>, vector<1x16xf32>,
        %get3A_463 = vector.shape_cast %get3A_462 : vector<1x16xf32> to vector<16xf32>
        %add3A_464 = arith.addf %get3A_459, %get3A_463 : vector<16xf32>
        %swap3A_465 = arith.index_cast %scan3A_453 : i32 to index
        %swap3A_466 = arith.constant 0 : index
        %swap3A_467 = tpu.vector_load %arg23[%swap3A_465, %swap3A_466] {strides = array<i32>} : memref<800x64xf32, #tpu.memory_space<vmem>>, vector<1x16xf32>,
        %swap3A_468 = vector.shape_cast %swap3A_467 : vector<1x16xf32> to vector<16xf32>
        %swap3A_469 = vector.shape_cast %add3A_464 : vector<16xf32> to vector<1x16xf32>
        tpu.vector_store %arg23[%swap3A_465, %swap3A_466], %swap3A_469 {strides = array<i32>} : memref<800x64xf32, #tpu.memory_space<vmem>>, vector<1x16xf32>,
        %get3A_470 = arith.index_cast %scan3A_453 : i32 to index
        %get3A_471 = arith.constant 16 : index
        %get3A_472 = tpu.vector_load %arg23[%get3A_470, %get3A_471] {strides = array<i32>} : memref<800x64xf32, #tpu.memory_space<vmem>>, vector<1x16xf32>,
        %get3A_473 = vector.shape_cast %get3A_472 : vector<1x16xf32> to vector<16xf32>
        %get3A_474 = arith.index_cast %rem3A_455 : i32 to index
        %get3A_475 = arith.constant 16 : index
        %get3A_476 = tpu.vector_load %arg25[%get3A_474, %get3A_475] {strides = array<i32>} : memref<200x64xf32, #tpu.memory_space<vmem>>, vector<1x16xf32>,
        %get3A_477 = vector.shape_cast %get3A_476 : vector<1x16xf32> to vector<16xf32>
        %add3A_478 = arith.addf %get3A_473, %get3A_477 : vector<16xf32>
        %swap3A_479 = arith.index_cast %scan3A_453 : i32 to index
        %swap3A_480 = arith.constant 16 : index
        %swap3A_481 = tpu.vector_load %arg23[%swap3A_479, %swap3A_480] {strides = array<i32>} : memref<800x64xf32, #tpu.memory_space<vmem>>, vector<1x16xf32>,
        %swap3A_482 = vector.shape_cast %swap3A_481 : vector<1x16xf32> to vector<16xf32>
        %swap3A_483 = vector.shape_cast %add3A_478 : vector<16xf32> to vector<1x16xf32>
        tpu.vector_store %arg23[%swap3A_479, %swap3A_480], %swap3A_483 {strides = array<i32>} : memref<800x64xf32, #tpu.memory_space<vmem>>, vector<1x16xf32>,
        %get3A_484 = arith.index_cast %scan3A_453 : i32 to index
        %get3A_485 = arith.constant 32 : index
        %get3A_486 = tpu.vector_load %arg23[%get3A_484, %get3A_485] {strides = array<i32>} : memref<800x64xf32, #tpu.memory_space<vmem>>, vector<1x16xf32>,
        %get3A_487 = vector.shape_cast %get3A_486 : vector<1x16xf32> to vector<16xf32>
        %get3A_488 = arith.index_cast %rem3A_455 : i32 to index
        %get3A_489 = arith.constant 32 : index
        %get3A_490 = tpu.vector_load %arg25[%get3A_488, %get3A_489] {strides = array<i32>} : memref<200x64xf32, #tpu.memory_space<vmem>>, vector<1x16xf32>,
        %get3A_491 = vector.shape_cast %get3A_490 : vector<1x16xf32> to vector<16xf32>
        %add3A_492 = arith.addf %get3A_487, %get3A_491 : vector<16xf32>
        %swap3A_493 = arith.index_cast %scan3A_453 : i32 to index
        %swap3A_494 = arith.constant 32 : index
        %swap3A_495 = tpu.vector_load %arg23[%swap3A_493, %swap3A_494] {strides = array<i32>} : memref<800x64xf32, #tpu.memory_space<vmem>>, vector<1x16xf32>,
        %swap3A_496 = vector.shape_cast %swap3A_495 : vector<1x16xf32> to vector<16xf32>
        %swap3A_497 = vector.shape_cast %add3A_492 : vector<16xf32> to vector<1x16xf32>
        tpu.vector_store %arg23[%swap3A_493, %swap3A_494], %swap3A_497 {strides = array<i32>} : memref<800x64xf32, #tpu.memory_space<vmem>>, vector<1x16xf32>,
        %get3A_498 = arith.index_cast %scan3A_453 : i32 to index
        %get3A_499 = arith.constant 48 : index
        %get3A_500 = tpu.vector_load %arg23[%get3A_498, %get3A_499] {strides = array<i32>} : memref<800x64xf32, #tpu.memory_space<vmem>>, vector<1x16xf32>,
        %get3A_501 = vector.shape_cast %get3A_500 : vector<1x16xf32> to vector<16xf32>
        %get3A_502 = arith.index_cast %rem3A_455 : i32 to index
        %get3A_503 = arith.constant 48 : index
        %get3A_504 = tpu.vector_load %arg25[%get3A_502, %get3A_503] {strides = array<i32>} : memref<200x64xf32, #tpu.memory_space<vmem>>, vector<1x16xf32>,
        %get3A_505 = vector.shape_cast %get3A_504 : vector<1x16xf32> to vector<16xf32>
        %add3A_506 = arith.addf %get3A_501, %get3A_505 : vector<16xf32>
        %swap3A_507 = arith.index_cast %scan3A_453 : i32 to index
        %swap3A_508 = arith.constant 48 : index
        %swap3A_509 = tpu.vector_load %arg23[%swap3A_507, %swap3A_508] {strides = array<i32>} : memref<800x64xf32, #tpu.memory_space<vmem>>, vector<1x16xf32>,
        %swap3A_510 = vector.shape_cast %swap3A_509 : vector<1x16xf32> to vector<16xf32>
        %swap3A_511 = vector.shape_cast %add3A_506 : vector<16xf32> to vector<1x16xf32>
        tpu.vector_store %arg23[%swap3A_507, %swap3A_508], %swap3A_511 {strides = array<i32>} : memref<800x64xf32, #tpu.memory_space<vmem>>, vector<1x16xf32>,
        %scan3A_512 = arith.constant 0 : i32
        %scan3A_513 = arith.constant 6 : i32
        %scan3A_514 = arith.addi %scan3A_149, %scan3A_513 : i32
        %rem3A_515 = arith.constant 200 : i32
        %rem3A_516 = arith.remsi %scan3A_514, %rem3A_515 : i32
        %get3A_517 = arith.index_cast %scan3A_514 : i32 to index
        %get3A_518 = arith.constant 0 : index
        %get3A_519 = tpu.vector_load %arg23[%get3A_517, %get3A_518] {strides = array<i32>} : memref<800x64xf32, #tpu.memory_space<vmem>>, vector<1x16xf32>,
        %get3A_520 = vector.shape_cast %get3A_519 : vector<1x16xf32> to vector<16xf32>
        %get3A_521 = arith.index_cast %rem3A_516 : i32 to index
        %get3A_522 = arith.constant 0 : index
        %get3A_523 = tpu.vector_load %arg25[%get3A_521, %get3A_522] {strides = array<i32>} : memref<200x64xf32, #tpu.memory_space<vmem>>, vector<1x16xf32>,
        %get3A_524 = vector.shape_cast %get3A_523 : vector<1x16xf32> to vector<16xf32>
        %add3A_525 = arith.addf %get3A_520, %get3A_524 : vector<16xf32>
        %swap3A_526 = arith.index_cast %scan3A_514 : i32 to index
        %swap3A_527 = arith.constant 0 : index
        %swap3A_528 = tpu.vector_load %arg23[%swap3A_526, %swap3A_527] {strides = array<i32>} : memref<800x64xf32, #tpu.memory_space<vmem>>, vector<1x16xf32>,
        %swap3A_529 = vector.shape_cast %swap3A_528 : vector<1x16xf32> to vector<16xf32>
        %swap3A_530 = vector.shape_cast %add3A_525 : vector<16xf32> to vector<1x16xf32>
        tpu.vector_store %arg23[%swap3A_526, %swap3A_527], %swap3A_530 {strides = array<i32>} : memref<800x64xf32, #tpu.memory_space<vmem>>, vector<1x16xf32>,
        %get3A_531 = arith.index_cast %scan3A_514 : i32 to index
        %get3A_532 = arith.constant 16 : index
        %get3A_533 = tpu.vector_load %arg23[%get3A_531, %get3A_532] {strides = array<i32>} : memref<800x64xf32, #tpu.memory_space<vmem>>, vector<1x16xf32>,
        %get3A_534 = vector.shape_cast %get3A_533 : vector<1x16xf32> to vector<16xf32>
        %get3A_535 = arith.index_cast %rem3A_516 : i32 to index
        %get3A_536 = arith.constant 16 : index
        %get3A_537 = tpu.vector_load %arg25[%get3A_535, %get3A_536] {strides = array<i32>} : memref<200x64xf32, #tpu.memory_space<vmem>>, vector<1x16xf32>,
        %get3A_538 = vector.shape_cast %get3A_537 : vector<1x16xf32> to vector<16xf32>
        %add3A_539 = arith.addf %get3A_534, %get3A_538 : vector<16xf32>
        %swap3A_540 = arith.index_cast %scan3A_514 : i32 to index
        %swap3A_541 = arith.constant 16 : index
        %swap3A_542 = tpu.vector_load %arg23[%swap3A_540, %swap3A_541] {strides = array<i32>} : memref<800x64xf32, #tpu.memory_space<vmem>>, vector<1x16xf32>,
        %swap3A_543 = vector.shape_cast %swap3A_542 : vector<1x16xf32> to vector<16xf32>
        %swap3A_544 = vector.shape_cast %add3A_539 : vector<16xf32> to vector<1x16xf32>
        tpu.vector_store %arg23[%swap3A_540, %swap3A_541], %swap3A_544 {strides = array<i32>} : memref<800x64xf32, #tpu.memory_space<vmem>>, vector<1x16xf32>,
        %get3A_545 = arith.index_cast %scan3A_514 : i32 to index
        %get3A_546 = arith.constant 32 : index
        %get3A_547 = tpu.vector_load %arg23[%get3A_545, %get3A_546] {strides = array<i32>} : memref<800x64xf32, #tpu.memory_space<vmem>>, vector<1x16xf32>,
        %get3A_548 = vector.shape_cast %get3A_547 : vector<1x16xf32> to vector<16xf32>
        %get3A_549 = arith.index_cast %rem3A_516 : i32 to index
        %get3A_550 = arith.constant 32 : index
        %get3A_551 = tpu.vector_load %arg25[%get3A_549, %get3A_550] {strides = array<i32>} : memref<200x64xf32, #tpu.memory_space<vmem>>, vector<1x16xf32>,
        %get3A_552 = vector.shape_cast %get3A_551 : vector<1x16xf32> to vector<16xf32>
        %add3A_553 = arith.addf %get3A_548, %get3A_552 : vector<16xf32>
        %swap3A_554 = arith.index_cast %scan3A_514 : i32 to index
        %swap3A_555 = arith.constant 32 : index
        %swap3A_556 = tpu.vector_load %arg23[%swap3A_554, %swap3A_555] {strides = array<i32>} : memref<800x64xf32, #tpu.memory_space<vmem>>, vector<1x16xf32>,
        %swap3A_557 = vector.shape_cast %swap3A_556 : vector<1x16xf32> to vector<16xf32>
        %swap3A_558 = vector.shape_cast %add3A_553 : vector<16xf32> to vector<1x16xf32>
        tpu.vector_store %arg23[%swap3A_554, %swap3A_555], %swap3A_558 {strides = array<i32>} : memref<800x64xf32, #tpu.memory_space<vmem>>, vector<1x16xf32>,
        %get3A_559 = arith.index_cast %scan3A_514 : i32 to index
        %get3A_560 = arith.constant 48 : index
        %get3A_561 = tpu.vector_load %arg23[%get3A_559, %get3A_560] {strides = array<i32>} : memref<800x64xf32, #tpu.memory_space<vmem>>, vector<1x16xf32>,
        %get3A_562 = vector.shape_cast %get3A_561 : vector<1x16xf32> to vector<16xf32>
        %get3A_563 = arith.index_cast %rem3A_516 : i32 to index
        %get3A_564 = arith.constant 48 : index
        %get3A_565 = tpu.vector_load %arg25[%get3A_563, %get3A_564] {strides = array<i32>} : memref<200x64xf32, #tpu.memory_space<vmem>>, vector<1x16xf32>,
        %get3A_566 = vector.shape_cast %get3A_565 : vector<1x16xf32> to vector<16xf32>
        %add3A_567 = arith.addf %get3A_562, %get3A_566 : vector<16xf32>
        %swap3A_568 = arith.index_cast %scan3A_514 : i32 to index
        %swap3A_569 = arith.constant 48 : index
        %swap3A_570 = tpu.vector_load %arg23[%swap3A_568, %swap3A_569] {strides = array<i32>} : memref<800x64xf32, #tpu.memory_space<vmem>>, vector<1x16xf32>,
        %swap3A_571 = vector.shape_cast %swap3A_570 : vector<1x16xf32> to vector<16xf32>
        %swap3A_572 = vector.shape_cast %add3A_567 : vector<16xf32> to vector<1x16xf32>
        tpu.vector_store %arg23[%swap3A_568, %swap3A_569], %swap3A_572 {strides = array<i32>} : memref<800x64xf32, #tpu.memory_space<vmem>>, vector<1x16xf32>,
        %scan3A_573 = arith.constant 0 : i32
        %scan3A_574 = arith.constant 7 : i32
        %scan3A_575 = arith.addi %scan3A_149, %scan3A_574 : i32
        %rem3A_576 = arith.constant 200 : i32
        %rem3A_577 = arith.remsi %scan3A_575, %rem3A_576 : i32
        %get3A_578 = arith.index_cast %scan3A_575 : i32 to index
        %get3A_579 = arith.constant 0 : index
        %get3A_580 = tpu.vector_load %arg23[%get3A_578, %get3A_579] {strides = array<i32>} : memref<800x64xf32, #tpu.memory_space<vmem>>, vector<1x16xf32>,
        %get3A_581 = vector.shape_cast %get3A_580 : vector<1x16xf32> to vector<16xf32>
        %get3A_582 = arith.index_cast %rem3A_577 : i32 to index
        %get3A_583 = arith.constant 0 : index
        %get3A_584 = tpu.vector_load %arg25[%get3A_582, %get3A_583] {strides = array<i32>} : memref<200x64xf32, #tpu.memory_space<vmem>>, vector<1x16xf32>,
        %get3A_585 = vector.shape_cast %get3A_584 : vector<1x16xf32> to vector<16xf32>
        %add3A_586 = arith.addf %get3A_581, %get3A_585 : vector<16xf32>
        %swap3A_587 = arith.index_cast %scan3A_575 : i32 to index
        %swap3A_588 = arith.constant 0 : index
        %swap3A_589 = tpu.vector_load %arg23[%swap3A_587, %swap3A_588] {strides = array<i32>} : memref<800x64xf32, #tpu.memory_space<vmem>>, vector<1x16xf32>,
        %swap3A_590 = vector.shape_cast %swap3A_589 : vector<1x16xf32> to vector<16xf32>
        %swap3A_591 = vector.shape_cast %add3A_586 : vector<16xf32> to vector<1x16xf32>
        tpu.vector_store %arg23[%swap3A_587, %swap3A_588], %swap3A_591 {strides = array<i32>} : memref<800x64xf32, #tpu.memory_space<vmem>>, vector<1x16xf32>,
        %get3A_592 = arith.index_cast %scan3A_575 : i32 to index
        %get3A_593 = arith.constant 16 : index
        %get3A_594 = tpu.vector_load %arg23[%get3A_592, %get3A_593] {strides = array<i32>} : memref<800x64xf32, #tpu.memory_space<vmem>>, vector<1x16xf32>,
        %get3A_595 = vector.shape_cast %get3A_594 : vector<1x16xf32> to vector<16xf32>
        %get3A_596 = arith.index_cast %rem3A_577 : i32 to index
        %get3A_597 = arith.constant 16 : index
        %get3A_598 = tpu.vector_load %arg25[%get3A_596, %get3A_597] {strides = array<i32>} : memref<200x64xf32, #tpu.memory_space<vmem>>, vector<1x16xf32>,
        %get3A_599 = vector.shape_cast %get3A_598 : vector<1x16xf32> to vector<16xf32>
        %add3A_600 = arith.addf %get3A_595, %get3A_599 : vector<16xf32>
        %swap3A_601 = arith.index_cast %scan3A_575 : i32 to index
        %swap3A_602 = arith.constant 16 : index
        %swap3A_603 = tpu.vector_load %arg23[%swap3A_601, %swap3A_602] {strides = array<i32>} : memref<800x64xf32, #tpu.memory_space<vmem>>, vector<1x16xf32>,
        %swap3A_604 = vector.shape_cast %swap3A_603 : vector<1x16xf32> to vector<16xf32>
        %swap3A_605 = vector.shape_cast %add3A_600 : vector<16xf32> to vector<1x16xf32>
        tpu.vector_store %arg23[%swap3A_601, %swap3A_602], %swap3A_605 {strides = array<i32>} : memref<800x64xf32, #tpu.memory_space<vmem>>, vector<1x16xf32>,
        %get3A_606 = arith.index_cast %scan3A_575 : i32 to index
        %get3A_607 = arith.constant 32 : index
        %get3A_608 = tpu.vector_load %arg23[%get3A_606, %get3A_607] {strides = array<i32>} : memref<800x64xf32, #tpu.memory_space<vmem>>, vector<1x16xf32>,
        %get3A_609 = vector.shape_cast %get3A_608 : vector<1x16xf32> to vector<16xf32>
        %get3A_610 = arith.index_cast %rem3A_577 : i32 to index
        %get3A_611 = arith.constant 32 : index
        %get3A_612 = tpu.vector_load %arg25[%get3A_610, %get3A_611] {strides = array<i32>} : memref<200x64xf32, #tpu.memory_space<vmem>>, vector<1x16xf32>,
        %get3A_613 = vector.shape_cast %get3A_612 : vector<1x16xf32> to vector<16xf32>
        %add3A_614 = arith.addf %get3A_609, %get3A_613 : vector<16xf32>
        %swap3A_615 = arith.index_cast %scan3A_575 : i32 to index
        %swap3A_616 = arith.constant 32 : index
        %swap3A_617 = tpu.vector_load %arg23[%swap3A_615, %swap3A_616] {strides = array<i32>} : memref<800x64xf32, #tpu.memory_space<vmem>>, vector<1x16xf32>,
        %swap3A_618 = vector.shape_cast %swap3A_617 : vector<1x16xf32> to vector<16xf32>
        %swap3A_619 = vector.shape_cast %add3A_614 : vector<16xf32> to vector<1x16xf32>
        tpu.vector_store %arg23[%swap3A_615, %swap3A_616], %swap3A_619 {strides = array<i32>} : memref<800x64xf32, #tpu.memory_space<vmem>>, vector<1x16xf32>,
        %get3A_620 = arith.index_cast %scan3A_575 : i32 to index
        %get3A_621 = arith.constant 48 : index
        %get3A_622 = tpu.vector_load %arg23[%get3A_620, %get3A_621] {strides = array<i32>} : memref<800x64xf32, #tpu.memory_space<vmem>>, vector<1x16xf32>,
        %get3A_623 = vector.shape_cast %get3A_622 : vector<1x16xf32> to vector<16xf32>
        %get3A_624 = arith.index_cast %rem3A_577 : i32 to index
        %get3A_625 = arith.constant 48 : index
        %get3A_626 = tpu.vector_load %arg25[%get3A_624, %get3A_625] {strides = array<i32>} : memref<200x64xf32, #tpu.memory_space<vmem>>, vector<1x16xf32>,
        %get3A_627 = vector.shape_cast %get3A_626 : vector<1x16xf32> to vector<16xf32>
        %add3A_628 = arith.addf %get3A_623, %get3A_627 : vector<16xf32>
        %swap3A_629 = arith.index_cast %scan3A_575 : i32 to index
        %swap3A_630 = arith.constant 48 : index
        %swap3A_631 = tpu.vector_load %arg23[%swap3A_629, %swap3A_630] {strides = array<i32>} : memref<800x64xf32, #tpu.memory_space<vmem>>, vector<1x16xf32>,
        %swap3A_632 = vector.shape_cast %swap3A_631 : vector<1x16xf32> to vector<16xf32>
        %swap3A_633 = vector.shape_cast %add3A_628 : vector<16xf32> to vector<1x16xf32>
        tpu.vector_store %arg23[%swap3A_629, %swap3A_630], %swap3A_633 {strides = array<i32>} : memref<800x64xf32, #tpu.memory_space<vmem>>, vector<1x16xf32>,
        %scan3A_634 = arith.constant 0 : i32
        scf.yield %scan3A_634 : i32
      }
      %scan3A_128 = arith.constant 800 : i32
      "tpu.region"() ({
        %run_scoped3A = tpu.sem_alloc : memref<!tpu.dma_semaphore, #tpu.memory_space<semaphore_mem>>
        %dma_start3A_149 = arith.constant 0 : i32
        %dma_start3A_150 = tpu.memref_slice %arg14[%add3A_111, %dma_start3A_149] : memref<204800x64xf32, #tpu.memory_space<hbm>> -> memref<800x64xf32, #tpu.memory_space<hbm>>
        %dma_start3A_151 = arith.constant 0 : i32
        %dma_start3A_152 = tpu.memref_slice %arg14[%add3A_111, %dma_start3A_151] : memref<204800x64xf32, #tpu.memory_space<hbm>> -> memref<800x64xf32, #tpu.memory_space<hbm>>
        tpu.enqueue_dma source(%arg23 : memref<800x64xf32, #tpu.memory_space<vmem>>) target(%dma_start3A_152 : memref<800x64xf32, #tpu.memory_space<hbm>>) target_semaphore(%run_scoped3A : memref<!tpu.dma_semaphore, #tpu.memory_space<semaphore_mem>>)
        %dma_wait3A_153 = arith.constant 0 : i32
        %dma_wait3A_154 = tpu.memref_slice %arg14[%add3A_111, %dma_wait3A_153] : memref<204800x64xf32, #tpu.memory_space<hbm>> -> memref<800x64xf32, #tpu.memory_space<hbm>>
        %dma_wait3A_155 = arith.constant 0 : i32
        %dma_wait3A_156 = tpu.memref_slice %arg14[%add3A_111, %dma_wait3A_155] : memref<204800x64xf32, #tpu.memory_space<hbm>> -> memref<800x64xf32, #tpu.memory_space<hbm>>
        tpu.wait_dma2 semaphore(%run_scoped3A : memref<!tpu.dma_semaphore, #tpu.memory_space<semaphore_mem>>) src(%arg23 : memref<800x64xf32, #tpu.memory_space<vmem>>) dst(%dma_wait3A_156 : memref<800x64xf32, #tpu.memory_space<hbm>>)
        tpu.yield
      }) : () -> ()
      "tpu.region"() ({
        %run_scoped3A = tpu.sem_alloc : memref<!tpu.dma_semaphore, #tpu.memory_space<semaphore_mem>>
        %dma_start3A_149 = tpu.memref_slice %arg6[%add3A_111] : memref<204800xi32, #tpu.memory_space<hbm>> -> memref<800xi32, #tpu.memory_space<hbm>>
        %dma_start3A_150 = tpu.memref_slice %arg6[%add3A_111] : memref<204800xi32, #tpu.memory_space<hbm>> -> memref<800xi32, #tpu.memory_space<hbm>>
        tpu.enqueue_dma source(%dma_start3A_150 : memref<800xi32, #tpu.memory_space<hbm>>) target(%arg19 : memref<800xi32, #tpu.memory_space<vmem>>) target_semaphore(%run_scoped3A : memref<!tpu.dma_semaphore, #tpu.memory_space<semaphore_mem>>)
        %dma_wait3A_151 = tpu.memref_slice %arg6[%add3A_111] : memref<204800xi32, #tpu.memory_space<hbm>> -> memref<800xi32, #tpu.memory_space<hbm>>
        %dma_wait3A_152 = tpu.memref_slice %arg6[%add3A_111] : memref<204800xi32, #tpu.memory_space<hbm>> -> memref<800xi32, #tpu.memory_space<hbm>>
        tpu.wait_dma2 semaphore(%run_scoped3A : memref<!tpu.dma_semaphore, #tpu.memory_space<semaphore_mem>>) src(%dma_wait3A_152 : memref<800xi32, #tpu.memory_space<hbm>>) dst(%arg19 : memref<800xi32, #tpu.memory_space<vmem>>)
        tpu.yield
      }) : () -> ()
      "tpu.region"() ({
        %run_scoped3A = tpu.sem_alloc : memref<!tpu.dma_semaphore, #tpu.memory_space<semaphore_mem>>
        %dma_start3A_149 = tpu.memref_slice %arg7[%add3A_111] : memref<204800xi32, #tpu.memory_space<hbm>> -> memref<800xi32, #tpu.memory_space<hbm>>
        %dma_start3A_150 = tpu.memref_slice %arg7[%add3A_111] : memref<204800xi32, #tpu.memory_space<hbm>> -> memref<800xi32, #tpu.memory_space<hbm>>
        tpu.enqueue_dma source(%dma_start3A_150 : memref<800xi32, #tpu.memory_space<hbm>>) target(%arg20 : memref<800xi32, #tpu.memory_space<vmem>>) target_semaphore(%run_scoped3A : memref<!tpu.dma_semaphore, #tpu.memory_space<semaphore_mem>>)
        %dma_wait3A_151 = tpu.memref_slice %arg7[%add3A_111] : memref<204800xi32, #tpu.memory_space<hbm>> -> memref<800xi32, #tpu.memory_space<hbm>>
        %dma_wait3A_152 = tpu.memref_slice %arg7[%add3A_111] : memref<204800xi32, #tpu.memory_space<hbm>> -> memref<800xi32, #tpu.memory_space<hbm>>
        tpu.wait_dma2 semaphore(%run_scoped3A : memref<!tpu.dma_semaphore, #tpu.memory_space<semaphore_mem>>) src(%dma_wait3A_152 : memref<800xi32, #tpu.memory_space<hbm>>) dst(%arg20 : memref<800xi32, #tpu.memory_space<vmem>>)
        tpu.yield
      }) : () -> ()
      %dma_start3A_129 = arith.constant 0 : i32
      %dma_start3A_130 = arith.constant 0 : i32
      %dma_start3A_131 = tpu.memref_slice %arg8[%dma_start3A_129, %dma_start3A_130] : memref<100000x64xf32, #tpu.memory_space<hbm>> -> memref<100000x64xf32, #tpu.memory_space<hbm>>
      tpu.enqueue_indirect_dma source(%dma_start3A_131 : memref<100000x64xf32, #tpu.memory_space<hbm>>) target(%arg24 : memref<800x64xf32, #tpu.memory_space<vmem>>) offsets(%arg19 : memref<800xi32, #tpu.memory_space<vmem>>) semaphore(%arg29 : memref<!tpu.dma_semaphore, #tpu.memory_space<semaphore_mem>>)
      %dma_wait3A_132 = arith.constant 0 : i32
      %dma_wait3A_133 = arith.constant 0 : i32
      %dma_wait3A_134 = tpu.memref_slice %arg8[%dma_wait3A_132, %dma_wait3A_133] : memref<100000x64xf32, #tpu.memory_space<hbm>> -> memref<100000x64xf32, #tpu.memory_space<hbm>>
      tpu.wait_indirect_dma semaphore(%arg29 : memref<!tpu.dma_semaphore, #tpu.memory_space<semaphore_mem>>) src(%dma_wait3A_134 : memref<100000x64xf32, #tpu.memory_space<hbm>>) dst(%arg24 : memref<800x64xf32, #tpu.memory_space<vmem>>)
      %dma_start3A_135 = arith.constant 0 : i32
      %dma_start3A_136 = arith.constant 0 : i32
      %dma_start3A_137 = tpu.memref_slice %arg9[%dma_start3A_135, %dma_start3A_136] : memref<1000x64xf32, #tpu.memory_space<hbm>> -> memref<1000x64xf32, #tpu.memory_space<hbm>>
      tpu.enqueue_indirect_dma source(%dma_start3A_137 : memref<1000x64xf32, #tpu.memory_space<hbm>>) target(%arg24 : memref<800x64xf32, #tpu.memory_space<vmem>>) offsets(%arg20 : memref<800xi32, #tpu.memory_space<vmem>>) semaphore(%arg29 : memref<!tpu.dma_semaphore, #tpu.memory_space<semaphore_mem>>) {add = true}
      %dma_wait3A_138 = arith.constant 0 : i32
      %dma_wait3A_139 = arith.constant 0 : i32
      %dma_wait3A_140 = tpu.memref_slice %arg9[%dma_wait3A_138, %dma_wait3A_139] : memref<1000x64xf32, #tpu.memory_space<hbm>> -> memref<1000x64xf32, #tpu.memory_space<hbm>>
      tpu.wait_indirect_dma semaphore(%arg29 : memref<!tpu.dma_semaphore, #tpu.memory_space<semaphore_mem>>) src(%dma_wait3A_140 : memref<1000x64xf32, #tpu.memory_space<hbm>>) dst(%arg24 : memref<800x64xf32, #tpu.memory_space<vmem>>)
      "tpu.region"() ({
        %run_scoped3A = tpu.sem_alloc : memref<!tpu.dma_semaphore, #tpu.memory_space<semaphore_mem>>
        %dma_start3A_149 = arith.constant 0 : i32
        %dma_start3A_150 = tpu.memref_slice %arg16[%add3A_111, %dma_start3A_149] : memref<204800x64xf32, #tpu.memory_space<hbm>> -> memref<800x64xf32, #tpu.memory_space<hbm>>
        %dma_start3A_151 = arith.constant 0 : i32
        %dma_start3A_152 = tpu.memref_slice %arg16[%add3A_111, %dma_start3A_151] : memref<204800x64xf32, #tpu.memory_space<hbm>> -> memref<800x64xf32, #tpu.memory_space<hbm>>
        tpu.enqueue_dma source(%arg24 : memref<800x64xf32, #tpu.memory_space<vmem>>) target(%dma_start3A_152 : memref<800x64xf32, #tpu.memory_space<hbm>>) target_semaphore(%run_scoped3A : memref<!tpu.dma_semaphore, #tpu.memory_space<semaphore_mem>>)
        %dma_wait3A_153 = arith.constant 0 : i32
        %dma_wait3A_154 = tpu.memref_slice %arg16[%add3A_111, %dma_wait3A_153] : memref<204800x64xf32, #tpu.memory_space<hbm>> -> memref<800x64xf32, #tpu.memory_space<hbm>>
        %dma_wait3A_155 = arith.constant 0 : i32
        %dma_wait3A_156 = tpu.memref_slice %arg16[%add3A_111, %dma_wait3A_155] : memref<204800x64xf32, #tpu.memory_space<hbm>> -> memref<800x64xf32, #tpu.memory_space<hbm>>
        tpu.wait_dma2 semaphore(%run_scoped3A : memref<!tpu.dma_semaphore, #tpu.memory_space<semaphore_mem>>) src(%arg24 : memref<800x64xf32, #tpu.memory_space<vmem>>) dst(%dma_wait3A_156 : memref<800x64xf32, #tpu.memory_space<hbm>>)
        tpu.yield
      }) : () -> ()
      "tpu.region"() ({
        %run_scoped3A = tpu.sem_alloc : memref<!tpu.dma_semaphore, #tpu.memory_space<semaphore_mem>>
        %dma_start3A_149 = tpu.memref_slice %arg4[%add3A_111] : memref<204800xf32, #tpu.memory_space<hbm>> -> memref<800xf32, #tpu.memory_space<hbm>>
        %dma_start3A_150 = tpu.memref_slice %arg4[%add3A_111] : memref<204800xf32, #tpu.memory_space<hbm>> -> memref<800xf32, #tpu.memory_space<hbm>>
        tpu.enqueue_dma source(%dma_start3A_150 : memref<800xf32, #tpu.memory_space<hbm>>) target(%arg21 : memref<800xf32, #tpu.memory_space<vmem>>) target_semaphore(%run_scoped3A : memref<!tpu.dma_semaphore, #tpu.memory_space<semaphore_mem>>)
        %dma_wait3A_151 = tpu.memref_slice %arg4[%add3A_111] : memref<204800xf32, #tpu.memory_space<hbm>> -> memref<800xf32, #tpu.memory_space<hbm>>
        %dma_wait3A_152 = tpu.memref_slice %arg4[%add3A_111] : memref<204800xf32, #tpu.memory_space<hbm>> -> memref<800xf32, #tpu.memory_space<hbm>>
        tpu.wait_dma2 semaphore(%run_scoped3A : memref<!tpu.dma_semaphore, #tpu.memory_space<semaphore_mem>>) src(%dma_wait3A_152 : memref<800xf32, #tpu.memory_space<hbm>>) dst(%arg21 : memref<800xf32, #tpu.memory_space<vmem>>)
        tpu.yield
      }) : () -> ()
      "tpu.region"() ({
        %run_scoped3A = tpu.sem_alloc : memref<!tpu.dma_semaphore, #tpu.memory_space<semaphore_mem>>
        %dma_start3A_149 = tpu.memref_slice %arg5[%add3A_111] : memref<204800xf32, #tpu.memory_space<hbm>> -> memref<800xf32, #tpu.memory_space<hbm>>
        %dma_start3A_150 = tpu.memref_slice %arg5[%add3A_111] : memref<204800xf32, #tpu.memory_space<hbm>> -> memref<800xf32, #tpu.memory_space<hbm>>
        tpu.enqueue_dma source(%dma_start3A_150 : memref<800xf32, #tpu.memory_space<hbm>>) target(%arg22 : memref<800xf32, #tpu.memory_space<vmem>>) target_semaphore(%run_scoped3A : memref<!tpu.dma_semaphore, #tpu.memory_space<semaphore_mem>>)
        %dma_wait3A_151 = tpu.memref_slice %arg5[%add3A_111] : memref<204800xf32, #tpu.memory_space<hbm>> -> memref<800xf32, #tpu.memory_space<hbm>>
        %dma_wait3A_152 = tpu.memref_slice %arg5[%add3A_111] : memref<204800xf32, #tpu.memory_space<hbm>> -> memref<800xf32, #tpu.memory_space<hbm>>
        tpu.wait_dma2 semaphore(%run_scoped3A : memref<!tpu.dma_semaphore, #tpu.memory_space<semaphore_mem>>) src(%dma_wait3A_152 : memref<800xf32, #tpu.memory_space<hbm>>) dst(%arg22 : memref<800xf32, #tpu.memory_space<vmem>>)
        tpu.yield
      }) : () -> ()
      %scan3A_141 = arith.constant 0 : i32
      %scan3A_142 = arith.constant 0 : i32
      %scan3A_143 = arith.constant 50 : i32
      %scan3A_144 = arith.addi %scan3A_142, %scan3A_143 : i32
      %scan3A_145 = arith.constant 1 : i32
      %scan3A_146 = scf.for %scan3A_149 = %scan3A_142 to %scan3A_144 step %scan3A_145 iter_args(%scan3A_150 = %scan3A_141) -> (i32)  : i32 {
        %mul3A_151 = arith.constant 16 : i32
        %mul3A_152 = arith.muli %scan3A_149, %mul3A_151 : i32
        %get3A_153 = arith.index_cast %mul3A_152 : i32 to index
        %get3A_154 = tpu.vector_load %arg21[%get3A_153] {strides = array<i32>} : memref<800xf32, #tpu.memory_space<vmem>>, vector<16xf32>,
        %get3A_155 = vector.shape_cast %get3A_154 : vector<16xf32> to vector<16xf32>
        %get3A_156 = arith.index_cast %mul3A_152 : i32 to index
        %get3A_157 = tpu.vector_load %arg22[%get3A_156] {strides = array<i32>} : memref<800xf32, #tpu.memory_space<vmem>>, vector<16xf32>,
        %get3A_158 = vector.shape_cast %get3A_157 : vector<16xf32> to vector<16xf32>
        %add3A_159 = arith.constant 0 : i32
        %add3A_160 = arith.addi %mul3A_152, %add3A_159 : i32
        %rem3A = arith.constant 200 : i32
        %rem3A_161 = arith.remsi %add3A_160, %rem3A : i32
        %slice3A = vector.extract_strided_slice %get3A_155 {offsets = [0], sizes = [1], strides = [1]} : vector<16xf32> to vector<1xf32>
        %squeeze3A = vector.extract %slice3A[0] : f32 from vector<1xf32>
        %slice3A_162 = vector.extract_strided_slice %get3A_158 {offsets = [0], sizes = [1], strides = [1]} : vector<16xf32> to vector<1xf32>
        %squeeze3A_163 = vector.extract %slice3A_162[0] : f32 from vector<1xf32>
        %get3A_164 = arith.index_cast %rem3A_161 : i32 to index
        %get3A_165 = arith.constant 0 : index
        %get3A_166 = tpu.vector_load %arg25[%get3A_164, %get3A_165] {strides = array<i32>} : memref<200x64xf32, #tpu.memory_space<vmem>>, vector<1x16xf32>,
        %get3A_167 = vector.shape_cast %get3A_166 : vector<1x16xf32> to vector<16xf32>
        %add3A_168 = arith.addf %get3A_167, %add3A_30 : vector<16xf32>
        %mul3A_169 = vector.broadcast %squeeze3A : f32 to vector<16xf32>
        %mul3A_170 = arith.mulf %mul3A_169, %sub3A : vector<16xf32>
        %add3A_171 = arith.addf %add3A_168, %mul3A_170 : vector<16xf32>
        %mul3A_172 = vector.broadcast %squeeze3A_163 : f32 to vector<16xf32>
        %mul3A_173 = arith.mulf %mul3A_172, %get3A_6 : vector<16xf32>
        %add3A_174 = arith.addf %add3A_171, %mul3A_173 : vector<16xf32>
        %swap3A = arith.index_cast %add3A_160 : i32 to index
        %swap3A_175 = arith.constant 0 : index
        %swap3A_176 = tpu.vector_load %arg24[%swap3A, %swap3A_175] {strides = array<i32>} : memref<800x64xf32, #tpu.memory_space<vmem>>, vector<1x16xf32>,
        %swap3A_177 = vector.shape_cast %swap3A_176 : vector<1x16xf32> to vector<16xf32>
        %swap3A_178 = vector.shape_cast %add3A_174 : vector<16xf32> to vector<1x16xf32>
        tpu.vector_store %arg24[%swap3A, %swap3A_175], %swap3A_178 {strides = array<i32>} : memref<800x64xf32, #tpu.memory_space<vmem>>, vector<1x16xf32>,
        %get3A_179 = arith.index_cast %rem3A_161 : i32 to index
        %get3A_180 = arith.constant 16 : index
        %get3A_181 = tpu.vector_load %arg25[%get3A_179, %get3A_180] {strides = array<i32>} : memref<200x64xf32, #tpu.memory_space<vmem>>, vector<1x16xf32>,
        %get3A_182 = vector.shape_cast %get3A_181 : vector<1x16xf32> to vector<16xf32>
        %add3A_183 = arith.addf %get3A_182, %add3A_39 : vector<16xf32>
        %mul3A_184 = vector.broadcast %squeeze3A : f32 to vector<16xf32>
        %mul3A_185 = arith.mulf %mul3A_184, %sub3A_78 : vector<16xf32>
        %add3A_186 = arith.addf %add3A_183, %mul3A_185 : vector<16xf32>
        %mul3A_187 = vector.broadcast %squeeze3A_163 : f32 to vector<16xf32>
        %mul3A_188 = arith.mulf %mul3A_187, %get3A_11 : vector<16xf32>
        %add3A_189 = arith.addf %add3A_186, %mul3A_188 : vector<16xf32>
        %swap3A_190 = arith.index_cast %add3A_160 : i32 to index
        %swap3A_191 = arith.constant 16 : index
        %swap3A_192 = tpu.vector_load %arg24[%swap3A_190, %swap3A_191] {strides = array<i32>} : memref<800x64xf32, #tpu.memory_space<vmem>>, vector<1x16xf32>,
        %swap3A_193 = vector.shape_cast %swap3A_192 : vector<1x16xf32> to vector<16xf32>
        %swap3A_194 = vector.shape_cast %add3A_189 : vector<16xf32> to vector<1x16xf32>
        tpu.vector_store %arg24[%swap3A_190, %swap3A_191], %swap3A_194 {strides = array<i32>} : memref<800x64xf32, #tpu.memory_space<vmem>>, vector<1x16xf32>,
        %get3A_195 = arith.index_cast %rem3A_161 : i32 to index
        %get3A_196 = arith.constant 32 : index
        %get3A_197 = tpu.vector_load %arg25[%get3A_195, %get3A_196] {strides = array<i32>} : memref<200x64xf32, #tpu.memory_space<vmem>>, vector<1x16xf32>,
        %get3A_198 = vector.shape_cast %get3A_197 : vector<1x16xf32> to vector<16xf32>
        %add3A_199 = arith.addf %get3A_198, %add3A_48 : vector<16xf32>
        %mul3A_200 = vector.broadcast %squeeze3A : f32 to vector<16xf32>
        %mul3A_201 = arith.mulf %mul3A_200, %sub3A_89 : vector<16xf32>
        %add3A_202 = arith.addf %add3A_199, %mul3A_201 : vector<16xf32>
        %mul3A_203 = vector.broadcast %squeeze3A_163 : f32 to vector<16xf32>
        %mul3A_204 = arith.mulf %mul3A_203, %get3A_16 : vector<16xf32>
        %add3A_205 = arith.addf %add3A_202, %mul3A_204 : vector<16xf32>
        %swap3A_206 = arith.index_cast %add3A_160 : i32 to index
        %swap3A_207 = arith.constant 32 : index
        %swap3A_208 = tpu.vector_load %arg24[%swap3A_206, %swap3A_207] {strides = array<i32>} : memref<800x64xf32, #tpu.memory_space<vmem>>, vector<1x16xf32>,
        %swap3A_209 = vector.shape_cast %swap3A_208 : vector<1x16xf32> to vector<16xf32>
        %swap3A_210 = vector.shape_cast %add3A_205 : vector<16xf32> to vector<1x16xf32>
        tpu.vector_store %arg24[%swap3A_206, %swap3A_207], %swap3A_210 {strides = array<i32>} : memref<800x64xf32, #tpu.memory_space<vmem>>, vector<1x16xf32>,
        %get3A_211 = arith.index_cast %rem3A_161 : i32 to index
        %get3A_212 = arith.constant 48 : index
        %get3A_213 = tpu.vector_load %arg25[%get3A_211, %get3A_212] {strides = array<i32>} : memref<200x64xf32, #tpu.memory_space<vmem>>, vector<1x16xf32>,
        %get3A_214 = vector.shape_cast %get3A_213 : vector<1x16xf32> to vector<16xf32>
        %add3A_215 = arith.addf %get3A_214, %add3A_57 : vector<16xf32>
        %mul3A_216 = vector.broadcast %squeeze3A : f32 to vector<16xf32>
        %mul3A_217 = arith.mulf %mul3A_216, %sub3A_100 : vector<16xf32>
        %add3A_218 = arith.addf %add3A_215, %mul3A_217 : vector<16xf32>
        %mul3A_219 = vector.broadcast %squeeze3A_163 : f32 to vector<16xf32>
        %mul3A_220 = arith.mulf %mul3A_219, %get3A_21 : vector<16xf32>
        %add3A_221 = arith.addf %add3A_218, %mul3A_220 : vector<16xf32>
        %swap3A_222 = arith.index_cast %add3A_160 : i32 to index
        %swap3A_223 = arith.constant 48 : index
        %swap3A_224 = tpu.vector_load %arg24[%swap3A_222, %swap3A_223] {strides = array<i32>} : memref<800x64xf32, #tpu.memory_space<vmem>>, vector<1x16xf32>,
        %swap3A_225 = vector.shape_cast %swap3A_224 : vector<1x16xf32> to vector<16xf32>
        %swap3A_226 = vector.shape_cast %add3A_221 : vector<16xf32> to vector<1x16xf32>
        tpu.vector_store %arg24[%swap3A_222, %swap3A_223], %swap3A_226 {strides = array<i32>} : memref<800x64xf32, #tpu.memory_space<vmem>>, vector<1x16xf32>,
        %add3A_227 = arith.constant 1 : i32
        %add3A_228 = arith.addi %mul3A_152, %add3A_227 : i32
        %rem3A_229 = arith.constant 200 : i32
        %rem3A_230 = arith.remsi %add3A_228, %rem3A_229 : i32
        %slice3A_231 = vector.extract_strided_slice %get3A_155 {offsets = [1], sizes = [1], strides = [1]} : vector<16xf32> to vector<1xf32>
        %squeeze3A_232 = vector.extract %slice3A_231[0] : f32 from vector<1xf32>
        %slice3A_233 = vector.extract_strided_slice %get3A_158 {offsets = [1], sizes = [1], strides = [1]} : vector<16xf32> to vector<1xf32>
        %squeeze3A_234 = vector.extract %slice3A_233[0] : f32 from vector<1xf32>
        %get3A_235 = arith.index_cast %rem3A_230 : i32 to index
        %get3A_236 = arith.constant 0 : index
        %get3A_237 = tpu.vector_load %arg25[%get3A_235, %get3A_236] {strides = array<i32>} : memref<200x64xf32, #tpu.memory_space<vmem>>, vector<1x16xf32>,
        %get3A_238 = vector.shape_cast %get3A_237 : vector<1x16xf32> to vector<16xf32>
        %add3A_239 = arith.addf %get3A_238, %add3A_30 : vector<16xf32>
        %mul3A_240 = vector.broadcast %squeeze3A_232 : f32 to vector<16xf32>
        %mul3A_241 = arith.mulf %mul3A_240, %sub3A : vector<16xf32>
        %add3A_242 = arith.addf %add3A_239, %mul3A_241 : vector<16xf32>
        %mul3A_243 = vector.broadcast %squeeze3A_234 : f32 to vector<16xf32>
        %mul3A_244 = arith.mulf %mul3A_243, %get3A_6 : vector<16xf32>
        %add3A_245 = arith.addf %add3A_242, %mul3A_244 : vector<16xf32>
        %swap3A_246 = arith.index_cast %add3A_228 : i32 to index
        %swap3A_247 = arith.constant 0 : index
        %swap3A_248 = tpu.vector_load %arg24[%swap3A_246, %swap3A_247] {strides = array<i32>} : memref<800x64xf32, #tpu.memory_space<vmem>>, vector<1x16xf32>,
        %swap3A_249 = vector.shape_cast %swap3A_248 : vector<1x16xf32> to vector<16xf32>
        %swap3A_250 = vector.shape_cast %add3A_245 : vector<16xf32> to vector<1x16xf32>
        tpu.vector_store %arg24[%swap3A_246, %swap3A_247], %swap3A_250 {strides = array<i32>} : memref<800x64xf32, #tpu.memory_space<vmem>>, vector<1x16xf32>,
        %get3A_251 = arith.index_cast %rem3A_230 : i32 to index
        %get3A_252 = arith.constant 16 : index
        %get3A_253 = tpu.vector_load %arg25[%get3A_251, %get3A_252] {strides = array<i32>} : memref<200x64xf32, #tpu.memory_space<vmem>>, vector<1x16xf32>,
        %get3A_254 = vector.shape_cast %get3A_253 : vector<1x16xf32> to vector<16xf32>
        %add3A_255 = arith.addf %get3A_254, %add3A_39 : vector<16xf32>
        %mul3A_256 = vector.broadcast %squeeze3A_232 : f32 to vector<16xf32>
        %mul3A_257 = arith.mulf %mul3A_256, %sub3A_78 : vector<16xf32>
        %add3A_258 = arith.addf %add3A_255, %mul3A_257 : vector<16xf32>
        %mul3A_259 = vector.broadcast %squeeze3A_234 : f32 to vector<16xf32>
        %mul3A_260 = arith.mulf %mul3A_259, %get3A_11 : vector<16xf32>
        %add3A_261 = arith.addf %add3A_258, %mul3A_260 : vector<16xf32>
        %swap3A_262 = arith.index_cast %add3A_228 : i32 to index
        %swap3A_263 = arith.constant 16 : index
        %swap3A_264 = tpu.vector_load %arg24[%swap3A_262, %swap3A_263] {strides = array<i32>} : memref<800x64xf32, #tpu.memory_space<vmem>>, vector<1x16xf32>,
        %swap3A_265 = vector.shape_cast %swap3A_264 : vector<1x16xf32> to vector<16xf32>
        %swap3A_266 = vector.shape_cast %add3A_261 : vector<16xf32> to vector<1x16xf32>
        tpu.vector_store %arg24[%swap3A_262, %swap3A_263], %swap3A_266 {strides = array<i32>} : memref<800x64xf32, #tpu.memory_space<vmem>>, vector<1x16xf32>,
        %get3A_267 = arith.index_cast %rem3A_230 : i32 to index
        %get3A_268 = arith.constant 32 : index
        %get3A_269 = tpu.vector_load %arg25[%get3A_267, %get3A_268] {strides = array<i32>} : memref<200x64xf32, #tpu.memory_space<vmem>>, vector<1x16xf32>,
        %get3A_270 = vector.shape_cast %get3A_269 : vector<1x16xf32> to vector<16xf32>
        %add3A_271 = arith.addf %get3A_270, %add3A_48 : vector<16xf32>
        %mul3A_272 = vector.broadcast %squeeze3A_232 : f32 to vector<16xf32>
        %mul3A_273 = arith.mulf %mul3A_272, %sub3A_89 : vector<16xf32>
        %add3A_274 = arith.addf %add3A_271, %mul3A_273 : vector<16xf32>
        %mul3A_275 = vector.broadcast %squeeze3A_234 : f32 to vector<16xf32>
        %mul3A_276 = arith.mulf %mul3A_275, %get3A_16 : vector<16xf32>
        %add3A_277 = arith.addf %add3A_274, %mul3A_276 : vector<16xf32>
        %swap3A_278 = arith.index_cast %add3A_228 : i32 to index
        %swap3A_279 = arith.constant 32 : index
        %swap3A_280 = tpu.vector_load %arg24[%swap3A_278, %swap3A_279] {strides = array<i32>} : memref<800x64xf32, #tpu.memory_space<vmem>>, vector<1x16xf32>,
        %swap3A_281 = vector.shape_cast %swap3A_280 : vector<1x16xf32> to vector<16xf32>
        %swap3A_282 = vector.shape_cast %add3A_277 : vector<16xf32> to vector<1x16xf32>
        tpu.vector_store %arg24[%swap3A_278, %swap3A_279], %swap3A_282 {strides = array<i32>} : memref<800x64xf32, #tpu.memory_space<vmem>>, vector<1x16xf32>,
        %get3A_283 = arith.index_cast %rem3A_230 : i32 to index
        %get3A_284 = arith.constant 48 : index
        %get3A_285 = tpu.vector_load %arg25[%get3A_283, %get3A_284] {strides = array<i32>} : memref<200x64xf32, #tpu.memory_space<vmem>>, vector<1x16xf32>,
        %get3A_286 = vector.shape_cast %get3A_285 : vector<1x16xf32> to vector<16xf32>
        %add3A_287 = arith.addf %get3A_286, %add3A_57 : vector<16xf32>
        %mul3A_288 = vector.broadcast %squeeze3A_232 : f32 to vector<16xf32>
        %mul3A_289 = arith.mulf %mul3A_288, %sub3A_100 : vector<16xf32>
        %add3A_290 = arith.addf %add3A_287, %mul3A_289 : vector<16xf32>
        %mul3A_291 = vector.broadcast %squeeze3A_234 : f32 to vector<16xf32>
        %mul3A_292 = arith.mulf %mul3A_291, %get3A_21 : vector<16xf32>
        %add3A_293 = arith.addf %add3A_290, %mul3A_292 : vector<16xf32>
        %swap3A_294 = arith.index_cast %add3A_228 : i32 to index
        %swap3A_295 = arith.constant 48 : index
        %swap3A_296 = tpu.vector_load %arg24[%swap3A_294, %swap3A_295] {strides = array<i32>} : memref<800x64xf32, #tpu.memory_space<vmem>>, vector<1x16xf32>,
        %swap3A_297 = vector.shape_cast %swap3A_296 : vector<1x16xf32> to vector<16xf32>
        %swap3A_298 = vector.shape_cast %add3A_293 : vector<16xf32> to vector<1x16xf32>
        tpu.vector_store %arg24[%swap3A_294, %swap3A_295], %swap3A_298 {strides = array<i32>} : memref<800x64xf32, #tpu.memory_space<vmem>>, vector<1x16xf32>,
        %add3A_299 = arith.constant 2 : i32
        %add3A_300 = arith.addi %mul3A_152, %add3A_299 : i32
        %rem3A_301 = arith.constant 200 : i32
        %rem3A_302 = arith.remsi %add3A_300, %rem3A_301 : i32
        %slice3A_303 = vector.extract_strided_slice %get3A_155 {offsets = [2], sizes = [1], strides = [1]} : vector<16xf32> to vector<1xf32>
        %squeeze3A_304 = vector.extract %slice3A_303[0] : f32 from vector<1xf32>
        %slice3A_305 = vector.extract_strided_slice %get3A_158 {offsets = [2], sizes = [1], strides = [1]} : vector<16xf32> to vector<1xf32>
        %squeeze3A_306 = vector.extract %slice3A_305[0] : f32 from vector<1xf32>
        %get3A_307 = arith.index_cast %rem3A_302 : i32 to index
        %get3A_308 = arith.constant 0 : index
        %get3A_309 = tpu.vector_load %arg25[%get3A_307, %get3A_308] {strides = array<i32>} : memref<200x64xf32, #tpu.memory_space<vmem>>, vector<1x16xf32>,
        %get3A_310 = vector.shape_cast %get3A_309 : vector<1x16xf32> to vector<16xf32>
        %add3A_311 = arith.addf %get3A_310, %add3A_30 : vector<16xf32>
        %mul3A_312 = vector.broadcast %squeeze3A_304 : f32 to vector<16xf32>
        %mul3A_313 = arith.mulf %mul3A_312, %sub3A : vector<16xf32>
        %add3A_314 = arith.addf %add3A_311, %mul3A_313 : vector<16xf32>
        %mul3A_315 = vector.broadcast %squeeze3A_306 : f32 to vector<16xf32>
        %mul3A_316 = arith.mulf %mul3A_315, %get3A_6 : vector<16xf32>
        %add3A_317 = arith.addf %add3A_314, %mul3A_316 : vector<16xf32>
        %swap3A_318 = arith.index_cast %add3A_300 : i32 to index
        %swap3A_319 = arith.constant 0 : index
        %swap3A_320 = tpu.vector_load %arg24[%swap3A_318, %swap3A_319] {strides = array<i32>} : memref<800x64xf32, #tpu.memory_space<vmem>>, vector<1x16xf32>,
        %swap3A_321 = vector.shape_cast %swap3A_320 : vector<1x16xf32> to vector<16xf32>
        %swap3A_322 = vector.shape_cast %add3A_317 : vector<16xf32> to vector<1x16xf32>
        tpu.vector_store %arg24[%swap3A_318, %swap3A_319], %swap3A_322 {strides = array<i32>} : memref<800x64xf32, #tpu.memory_space<vmem>>, vector<1x16xf32>,
        %get3A_323 = arith.index_cast %rem3A_302 : i32 to index
        %get3A_324 = arith.constant 16 : index
        %get3A_325 = tpu.vector_load %arg25[%get3A_323, %get3A_324] {strides = array<i32>} : memref<200x64xf32, #tpu.memory_space<vmem>>, vector<1x16xf32>,
        %get3A_326 = vector.shape_cast %get3A_325 : vector<1x16xf32> to vector<16xf32>
        %add3A_327 = arith.addf %get3A_326, %add3A_39 : vector<16xf32>
        %mul3A_328 = vector.broadcast %squeeze3A_304 : f32 to vector<16xf32>
        %mul3A_329 = arith.mulf %mul3A_328, %sub3A_78 : vector<16xf32>
        %add3A_330 = arith.addf %add3A_327, %mul3A_329 : vector<16xf32>
        %mul3A_331 = vector.broadcast %squeeze3A_306 : f32 to vector<16xf32>
        %mul3A_332 = arith.mulf %mul3A_331, %get3A_11 : vector<16xf32>
        %add3A_333 = arith.addf %add3A_330, %mul3A_332 : vector<16xf32>
        %swap3A_334 = arith.index_cast %add3A_300 : i32 to index
        %swap3A_335 = arith.constant 16 : index
        %swap3A_336 = tpu.vector_load %arg24[%swap3A_334, %swap3A_335] {strides = array<i32>} : memref<800x64xf32, #tpu.memory_space<vmem>>, vector<1x16xf32>,
        %swap3A_337 = vector.shape_cast %swap3A_336 : vector<1x16xf32> to vector<16xf32>
        %swap3A_338 = vector.shape_cast %add3A_333 : vector<16xf32> to vector<1x16xf32>
        tpu.vector_store %arg24[%swap3A_334, %swap3A_335], %swap3A_338 {strides = array<i32>} : memref<800x64xf32, #tpu.memory_space<vmem>>, vector<1x16xf32>,
        %get3A_339 = arith.index_cast %rem3A_302 : i32 to index
        %get3A_340 = arith.constant 32 : index
        %get3A_341 = tpu.vector_load %arg25[%get3A_339, %get3A_340] {strides = array<i32>} : memref<200x64xf32, #tpu.memory_space<vmem>>, vector<1x16xf32>,
        %get3A_342 = vector.shape_cast %get3A_341 : vector<1x16xf32> to vector<16xf32>
        %add3A_343 = arith.addf %get3A_342, %add3A_48 : vector<16xf32>
        %mul3A_344 = vector.broadcast %squeeze3A_304 : f32 to vector<16xf32>
        %mul3A_345 = arith.mulf %mul3A_344, %sub3A_89 : vector<16xf32>
        %add3A_346 = arith.addf %add3A_343, %mul3A_345 : vector<16xf32>
        %mul3A_347 = vector.broadcast %squeeze3A_306 : f32 to vector<16xf32>
        %mul3A_348 = arith.mulf %mul3A_347, %get3A_16 : vector<16xf32>
        %add3A_349 = arith.addf %add3A_346, %mul3A_348 : vector<16xf32>
        %swap3A_350 = arith.index_cast %add3A_300 : i32 to index
        %swap3A_351 = arith.constant 32 : index
        %swap3A_352 = tpu.vector_load %arg24[%swap3A_350, %swap3A_351] {strides = array<i32>} : memref<800x64xf32, #tpu.memory_space<vmem>>, vector<1x16xf32>,
        %swap3A_353 = vector.shape_cast %swap3A_352 : vector<1x16xf32> to vector<16xf32>
        %swap3A_354 = vector.shape_cast %add3A_349 : vector<16xf32> to vector<1x16xf32>
        tpu.vector_store %arg24[%swap3A_350, %swap3A_351], %swap3A_354 {strides = array<i32>} : memref<800x64xf32, #tpu.memory_space<vmem>>, vector<1x16xf32>,
        %get3A_355 = arith.index_cast %rem3A_302 : i32 to index
        %get3A_356 = arith.constant 48 : index
        %get3A_357 = tpu.vector_load %arg25[%get3A_355, %get3A_356] {strides = array<i32>} : memref<200x64xf32, #tpu.memory_space<vmem>>, vector<1x16xf32>,
        %get3A_358 = vector.shape_cast %get3A_357 : vector<1x16xf32> to vector<16xf32>
        %add3A_359 = arith.addf %get3A_358, %add3A_57 : vector<16xf32>
        %mul3A_360 = vector.broadcast %squeeze3A_304 : f32 to vector<16xf32>
        %mul3A_361 = arith.mulf %mul3A_360, %sub3A_100 : vector<16xf32>
        %add3A_362 = arith.addf %add3A_359, %mul3A_361 : vector<16xf32>
        %mul3A_363 = vector.broadcast %squeeze3A_306 : f32 to vector<16xf32>
        %mul3A_364 = arith.mulf %mul3A_363, %get3A_21 : vector<16xf32>
        %add3A_365 = arith.addf %add3A_362, %mul3A_364 : vector<16xf32>
        %swap3A_366 = arith.index_cast %add3A_300 : i32 to index
        %swap3A_367 = arith.constant 48 : index
        %swap3A_368 = tpu.vector_load %arg24[%swap3A_366, %swap3A_367] {strides = array<i32>} : memref<800x64xf32, #tpu.memory_space<vmem>>, vector<1x16xf32>,
        %swap3A_369 = vector.shape_cast %swap3A_368 : vector<1x16xf32> to vector<16xf32>
        %swap3A_370 = vector.shape_cast %add3A_365 : vector<16xf32> to vector<1x16xf32>
        tpu.vector_store %arg24[%swap3A_366, %swap3A_367], %swap3A_370 {strides = array<i32>} : memref<800x64xf32, #tpu.memory_space<vmem>>, vector<1x16xf32>,
        %add3A_371 = arith.constant 3 : i32
        %add3A_372 = arith.addi %mul3A_152, %add3A_371 : i32
        %rem3A_373 = arith.constant 200 : i32
        %rem3A_374 = arith.remsi %add3A_372, %rem3A_373 : i32
        %slice3A_375 = vector.extract_strided_slice %get3A_155 {offsets = [3], sizes = [1], strides = [1]} : vector<16xf32> to vector<1xf32>
        %squeeze3A_376 = vector.extract %slice3A_375[0] : f32 from vector<1xf32>
        %slice3A_377 = vector.extract_strided_slice %get3A_158 {offsets = [3], sizes = [1], strides = [1]} : vector<16xf32> to vector<1xf32>
        %squeeze3A_378 = vector.extract %slice3A_377[0] : f32 from vector<1xf32>
        %get3A_379 = arith.index_cast %rem3A_374 : i32 to index
        %get3A_380 = arith.constant 0 : index
        %get3A_381 = tpu.vector_load %arg25[%get3A_379, %get3A_380] {strides = array<i32>} : memref<200x64xf32, #tpu.memory_space<vmem>>, vector<1x16xf32>,
        %get3A_382 = vector.shape_cast %get3A_381 : vector<1x16xf32> to vector<16xf32>
        %add3A_383 = arith.addf %get3A_382, %add3A_30 : vector<16xf32>
        %mul3A_384 = vector.broadcast %squeeze3A_376 : f32 to vector<16xf32>
        %mul3A_385 = arith.mulf %mul3A_384, %sub3A : vector<16xf32>
        %add3A_386 = arith.addf %add3A_383, %mul3A_385 : vector<16xf32>
        %mul3A_387 = vector.broadcast %squeeze3A_378 : f32 to vector<16xf32>
        %mul3A_388 = arith.mulf %mul3A_387, %get3A_6 : vector<16xf32>
        %add3A_389 = arith.addf %add3A_386, %mul3A_388 : vector<16xf32>
        %swap3A_390 = arith.index_cast %add3A_372 : i32 to index
        %swap3A_391 = arith.constant 0 : index
        %swap3A_392 = tpu.vector_load %arg24[%swap3A_390, %swap3A_391] {strides = array<i32>} : memref<800x64xf32, #tpu.memory_space<vmem>>, vector<1x16xf32>,
        %swap3A_393 = vector.shape_cast %swap3A_392 : vector<1x16xf32> to vector<16xf32>
        %swap3A_394 = vector.shape_cast %add3A_389 : vector<16xf32> to vector<1x16xf32>
        tpu.vector_store %arg24[%swap3A_390, %swap3A_391], %swap3A_394 {strides = array<i32>} : memref<800x64xf32, #tpu.memory_space<vmem>>, vector<1x16xf32>,
        %get3A_395 = arith.index_cast %rem3A_374 : i32 to index
        %get3A_396 = arith.constant 16 : index
        %get3A_397 = tpu.vector_load %arg25[%get3A_395, %get3A_396] {strides = array<i32>} : memref<200x64xf32, #tpu.memory_space<vmem>>, vector<1x16xf32>,
        %get3A_398 = vector.shape_cast %get3A_397 : vector<1x16xf32> to vector<16xf32>
        %add3A_399 = arith.addf %get3A_398, %add3A_39 : vector<16xf32>
        %mul3A_400 = vector.broadcast %squeeze3A_376 : f32 to vector<16xf32>
        %mul3A_401 = arith.mulf %mul3A_400, %sub3A_78 : vector<16xf32>
        %add3A_402 = arith.addf %add3A_399, %mul3A_401 : vector<16xf32>
        %mul3A_403 = vector.broadcast %squeeze3A_378 : f32 to vector<16xf32>
        %mul3A_404 = arith.mulf %mul3A_403, %get3A_11 : vector<16xf32>
        %add3A_405 = arith.addf %add3A_402, %mul3A_404 : vector<16xf32>
        %swap3A_406 = arith.index_cast %add3A_372 : i32 to index
        %swap3A_407 = arith.constant 16 : index
        %swap3A_408 = tpu.vector_load %arg24[%swap3A_406, %swap3A_407] {strides = array<i32>} : memref<800x64xf32, #tpu.memory_space<vmem>>, vector<1x16xf32>,
        %swap3A_409 = vector.shape_cast %swap3A_408 : vector<1x16xf32> to vector<16xf32>
        %swap3A_410 = vector.shape_cast %add3A_405 : vector<16xf32> to vector<1x16xf32>
        tpu.vector_store %arg24[%swap3A_406, %swap3A_407], %swap3A_410 {strides = array<i32>} : memref<800x64xf32, #tpu.memory_space<vmem>>, vector<1x16xf32>,
        %get3A_411 = arith.index_cast %rem3A_374 : i32 to index
        %get3A_412 = arith.constant 32 : index
        %get3A_413 = tpu.vector_load %arg25[%get3A_411, %get3A_412] {strides = array<i32>} : memref<200x64xf32, #tpu.memory_space<vmem>>, vector<1x16xf32>,
        %get3A_414 = vector.shape_cast %get3A_413 : vector<1x16xf32> to vector<16xf32>
        %add3A_415 = arith.addf %get3A_414, %add3A_48 : vector<16xf32>
        %mul3A_416 = vector.broadcast %squeeze3A_376 : f32 to vector<16xf32>
        %mul3A_417 = arith.mulf %mul3A_416, %sub3A_89 : vector<16xf32>
        %add3A_418 = arith.addf %add3A_415, %mul3A_417 : vector<16xf32>
        %mul3A_419 = vector.broadcast %squeeze3A_378 : f32 to vector<16xf32>
        %mul3A_420 = arith.mulf %mul3A_419, %get3A_16 : vector<16xf32>
        %add3A_421 = arith.addf %add3A_418, %mul3A_420 : vector<16xf32>
        %swap3A_422 = arith.index_cast %add3A_372 : i32 to index
        %swap3A_423 = arith.constant 32 : index
        %swap3A_424 = tpu.vector_load %arg24[%swap3A_422, %swap3A_423] {strides = array<i32>} : memref<800x64xf32, #tpu.memory_space<vmem>>, vector<1x16xf32>,
        %swap3A_425 = vector.shape_cast %swap3A_424 : vector<1x16xf32> to vector<16xf32>
        %swap3A_426 = vector.shape_cast %add3A_421 : vector<16xf32> to vector<1x16xf32>
        tpu.vector_store %arg24[%swap3A_422, %swap3A_423], %swap3A_426 {strides = array<i32>} : memref<800x64xf32, #tpu.memory_space<vmem>>, vector<1x16xf32>,
        %get3A_427 = arith.index_cast %rem3A_374 : i32 to index
        %get3A_428 = arith.constant 48 : index
        %get3A_429 = tpu.vector_load %arg25[%get3A_427, %get3A_428] {strides = array<i32>} : memref<200x64xf32, #tpu.memory_space<vmem>>, vector<1x16xf32>,
        %get3A_430 = vector.shape_cast %get3A_429 : vector<1x16xf32> to vector<16xf32>
        %add3A_431 = arith.addf %get3A_430, %add3A_57 : vector<16xf32>
        %mul3A_432 = vector.broadcast %squeeze3A_376 : f32 to vector<16xf32>
        %mul3A_433 = arith.mulf %mul3A_432, %sub3A_100 : vector<16xf32>
        %add3A_434 = arith.addf %add3A_431, %mul3A_433 : vector<16xf32>
        %mul3A_435 = vector.broadcast %squeeze3A_378 : f32 to vector<16xf32>
        %mul3A_436 = arith.mulf %mul3A_435, %get3A_21 : vector<16xf32>
        %add3A_437 = arith.addf %add3A_434, %mul3A_436 : vector<16xf32>
        %swap3A_438 = arith.index_cast %add3A_372 : i32 to index
        %swap3A_439 = arith.constant 48 : index
        %swap3A_440 = tpu.vector_load %arg24[%swap3A_438, %swap3A_439] {strides = array<i32>} : memref<800x64xf32, #tpu.memory_space<vmem>>, vector<1x16xf32>,
        %swap3A_441 = vector.shape_cast %swap3A_440 : vector<1x16xf32> to vector<16xf32>
        %swap3A_442 = vector.shape_cast %add3A_437 : vector<16xf32> to vector<1x16xf32>
        tpu.vector_store %arg24[%swap3A_438, %swap3A_439], %swap3A_442 {strides = array<i32>} : memref<800x64xf32, #tpu.memory_space<vmem>>, vector<1x16xf32>,
        %add3A_443 = arith.constant 4 : i32
        %add3A_444 = arith.addi %mul3A_152, %add3A_443 : i32
        %rem3A_445 = arith.constant 200 : i32
        %rem3A_446 = arith.remsi %add3A_444, %rem3A_445 : i32
        %slice3A_447 = vector.extract_strided_slice %get3A_155 {offsets = [4], sizes = [1], strides = [1]} : vector<16xf32> to vector<1xf32>
        %squeeze3A_448 = vector.extract %slice3A_447[0] : f32 from vector<1xf32>
        %slice3A_449 = vector.extract_strided_slice %get3A_158 {offsets = [4], sizes = [1], strides = [1]} : vector<16xf32> to vector<1xf32>
        %squeeze3A_450 = vector.extract %slice3A_449[0] : f32 from vector<1xf32>
        %get3A_451 = arith.index_cast %rem3A_446 : i32 to index
        %get3A_452 = arith.constant 0 : index
        %get3A_453 = tpu.vector_load %arg25[%get3A_451, %get3A_452] {strides = array<i32>} : memref<200x64xf32, #tpu.memory_space<vmem>>, vector<1x16xf32>,
        %get3A_454 = vector.shape_cast %get3A_453 : vector<1x16xf32> to vector<16xf32>
        %add3A_455 = arith.addf %get3A_454, %add3A_30 : vector<16xf32>
        %mul3A_456 = vector.broadcast %squeeze3A_448 : f32 to vector<16xf32>
        %mul3A_457 = arith.mulf %mul3A_456, %sub3A : vector<16xf32>
        %add3A_458 = arith.addf %add3A_455, %mul3A_457 : vector<16xf32>
        %mul3A_459 = vector.broadcast %squeeze3A_450 : f32 to vector<16xf32>
        %mul3A_460 = arith.mulf %mul3A_459, %get3A_6 : vector<16xf32>
        %add3A_461 = arith.addf %add3A_458, %mul3A_460 : vector<16xf32>
        %swap3A_462 = arith.index_cast %add3A_444 : i32 to index
        %swap3A_463 = arith.constant 0 : index
        %swap3A_464 = tpu.vector_load %arg24[%swap3A_462, %swap3A_463] {strides = array<i32>} : memref<800x64xf32, #tpu.memory_space<vmem>>, vector<1x16xf32>,
        %swap3A_465 = vector.shape_cast %swap3A_464 : vector<1x16xf32> to vector<16xf32>
        %swap3A_466 = vector.shape_cast %add3A_461 : vector<16xf32> to vector<1x16xf32>
        tpu.vector_store %arg24[%swap3A_462, %swap3A_463], %swap3A_466 {strides = array<i32>} : memref<800x64xf32, #tpu.memory_space<vmem>>, vector<1x16xf32>,
        %get3A_467 = arith.index_cast %rem3A_446 : i32 to index
        %get3A_468 = arith.constant 16 : index
        %get3A_469 = tpu.vector_load %arg25[%get3A_467, %get3A_468] {strides = array<i32>} : memref<200x64xf32, #tpu.memory_space<vmem>>, vector<1x16xf32>,
        %get3A_470 = vector.shape_cast %get3A_469 : vector<1x16xf32> to vector<16xf32>
        %add3A_471 = arith.addf %get3A_470, %add3A_39 : vector<16xf32>
        %mul3A_472 = vector.broadcast %squeeze3A_448 : f32 to vector<16xf32>
        %mul3A_473 = arith.mulf %mul3A_472, %sub3A_78 : vector<16xf32>
        %add3A_474 = arith.addf %add3A_471, %mul3A_473 : vector<16xf32>
        %mul3A_475 = vector.broadcast %squeeze3A_450 : f32 to vector<16xf32>
        %mul3A_476 = arith.mulf %mul3A_475, %get3A_11 : vector<16xf32>
        %add3A_477 = arith.addf %add3A_474, %mul3A_476 : vector<16xf32>
        %swap3A_478 = arith.index_cast %add3A_444 : i32 to index
        %swap3A_479 = arith.constant 16 : index
        %swap3A_480 = tpu.vector_load %arg24[%swap3A_478, %swap3A_479] {strides = array<i32>} : memref<800x64xf32, #tpu.memory_space<vmem>>, vector<1x16xf32>,
        %swap3A_481 = vector.shape_cast %swap3A_480 : vector<1x16xf32> to vector<16xf32>
        %swap3A_482 = vector.shape_cast %add3A_477 : vector<16xf32> to vector<1x16xf32>
        tpu.vector_store %arg24[%swap3A_478, %swap3A_479], %swap3A_482 {strides = array<i32>} : memref<800x64xf32, #tpu.memory_space<vmem>>, vector<1x16xf32>,
        %get3A_483 = arith.index_cast %rem3A_446 : i32 to index
        %get3A_484 = arith.constant 32 : index
        %get3A_485 = tpu.vector_load %arg25[%get3A_483, %get3A_484] {strides = array<i32>} : memref<200x64xf32, #tpu.memory_space<vmem>>, vector<1x16xf32>,
        %get3A_486 = vector.shape_cast %get3A_485 : vector<1x16xf32> to vector<16xf32>
        %add3A_487 = arith.addf %get3A_486, %add3A_48 : vector<16xf32>
        %mul3A_488 = vector.broadcast %squeeze3A_448 : f32 to vector<16xf32>
        %mul3A_489 = arith.mulf %mul3A_488, %sub3A_89 : vector<16xf32>
        %add3A_490 = arith.addf %add3A_487, %mul3A_489 : vector<16xf32>
        %mul3A_491 = vector.broadcast %squeeze3A_450 : f32 to vector<16xf32>
        %mul3A_492 = arith.mulf %mul3A_491, %get3A_16 : vector<16xf32>
        %add3A_493 = arith.addf %add3A_490, %mul3A_492 : vector<16xf32>
        %swap3A_494 = arith.index_cast %add3A_444 : i32 to index
        %swap3A_495 = arith.constant 32 : index
        %swap3A_496 = tpu.vector_load %arg24[%swap3A_494, %swap3A_495] {strides = array<i32>} : memref<800x64xf32, #tpu.memory_space<vmem>>, vector<1x16xf32>,
        %swap3A_497 = vector.shape_cast %swap3A_496 : vector<1x16xf32> to vector<16xf32>
        %swap3A_498 = vector.shape_cast %add3A_493 : vector<16xf32> to vector<1x16xf32>
        tpu.vector_store %arg24[%swap3A_494, %swap3A_495], %swap3A_498 {strides = array<i32>} : memref<800x64xf32, #tpu.memory_space<vmem>>, vector<1x16xf32>,
        %get3A_499 = arith.index_cast %rem3A_446 : i32 to index
        %get3A_500 = arith.constant 48 : index
        %get3A_501 = tpu.vector_load %arg25[%get3A_499, %get3A_500] {strides = array<i32>} : memref<200x64xf32, #tpu.memory_space<vmem>>, vector<1x16xf32>,
        %get3A_502 = vector.shape_cast %get3A_501 : vector<1x16xf32> to vector<16xf32>
        %add3A_503 = arith.addf %get3A_502, %add3A_57 : vector<16xf32>
        %mul3A_504 = vector.broadcast %squeeze3A_448 : f32 to vector<16xf32>
        %mul3A_505 = arith.mulf %mul3A_504, %sub3A_100 : vector<16xf32>
        %add3A_506 = arith.addf %add3A_503, %mul3A_505 : vector<16xf32>
        %mul3A_507 = vector.broadcast %squeeze3A_450 : f32 to vector<16xf32>
        %mul3A_508 = arith.mulf %mul3A_507, %get3A_21 : vector<16xf32>
        %add3A_509 = arith.addf %add3A_506, %mul3A_508 : vector<16xf32>
        %swap3A_510 = arith.index_cast %add3A_444 : i32 to index
        %swap3A_511 = arith.constant 48 : index
        %swap3A_512 = tpu.vector_load %arg24[%swap3A_510, %swap3A_511] {strides = array<i32>} : memref<800x64xf32, #tpu.memory_space<vmem>>, vector<1x16xf32>,
        %swap3A_513 = vector.shape_cast %swap3A_512 : vector<1x16xf32> to vector<16xf32>
        %swap3A_514 = vector.shape_cast %add3A_509 : vector<16xf32> to vector<1x16xf32>
        tpu.vector_store %arg24[%swap3A_510, %swap3A_511], %swap3A_514 {strides = array<i32>} : memref<800x64xf32, #tpu.memory_space<vmem>>, vector<1x16xf32>,
        %add3A_515 = arith.constant 5 : i32
        %add3A_516 = arith.addi %mul3A_152, %add3A_515 : i32
        %rem3A_517 = arith.constant 200 : i32
        %rem3A_518 = arith.remsi %add3A_516, %rem3A_517 : i32
        %slice3A_519 = vector.extract_strided_slice %get3A_155 {offsets = [5], sizes = [1], strides = [1]} : vector<16xf32> to vector<1xf32>
        %squeeze3A_520 = vector.extract %slice3A_519[0] : f32 from vector<1xf32>
        %slice3A_521 = vector.extract_strided_slice %get3A_158 {offsets = [5], sizes = [1], strides = [1]} : vector<16xf32> to vector<1xf32>
        %squeeze3A_522 = vector.extract %slice3A_521[0] : f32 from vector<1xf32>
        %get3A_523 = arith.index_cast %rem3A_518 : i32 to index
        %get3A_524 = arith.constant 0 : index
        %get3A_525 = tpu.vector_load %arg25[%get3A_523, %get3A_524] {strides = array<i32>} : memref<200x64xf32, #tpu.memory_space<vmem>>, vector<1x16xf32>,
        %get3A_526 = vector.shape_cast %get3A_525 : vector<1x16xf32> to vector<16xf32>
        %add3A_527 = arith.addf %get3A_526, %add3A_30 : vector<16xf32>
        %mul3A_528 = vector.broadcast %squeeze3A_520 : f32 to vector<16xf32>
        %mul3A_529 = arith.mulf %mul3A_528, %sub3A : vector<16xf32>
        %add3A_530 = arith.addf %add3A_527, %mul3A_529 : vector<16xf32>
        %mul3A_531 = vector.broadcast %squeeze3A_522 : f32 to vector<16xf32>
        %mul3A_532 = arith.mulf %mul3A_531, %get3A_6 : vector<16xf32>
        %add3A_533 = arith.addf %add3A_530, %mul3A_532 : vector<16xf32>
        %swap3A_534 = arith.index_cast %add3A_516 : i32 to index
        %swap3A_535 = arith.constant 0 : index
        %swap3A_536 = tpu.vector_load %arg24[%swap3A_534, %swap3A_535] {strides = array<i32>} : memref<800x64xf32, #tpu.memory_space<vmem>>, vector<1x16xf32>,
        %swap3A_537 = vector.shape_cast %swap3A_536 : vector<1x16xf32> to vector<16xf32>
        %swap3A_538 = vector.shape_cast %add3A_533 : vector<16xf32> to vector<1x16xf32>
        tpu.vector_store %arg24[%swap3A_534, %swap3A_535], %swap3A_538 {strides = array<i32>} : memref<800x64xf32, #tpu.memory_space<vmem>>, vector<1x16xf32>,
        %get3A_539 = arith.index_cast %rem3A_518 : i32 to index
        %get3A_540 = arith.constant 16 : index
        %get3A_541 = tpu.vector_load %arg25[%get3A_539, %get3A_540] {strides = array<i32>} : memref<200x64xf32, #tpu.memory_space<vmem>>, vector<1x16xf32>,
        %get3A_542 = vector.shape_cast %get3A_541 : vector<1x16xf32> to vector<16xf32>
        %add3A_543 = arith.addf %get3A_542, %add3A_39 : vector<16xf32>
        %mul3A_544 = vector.broadcast %squeeze3A_520 : f32 to vector<16xf32>
        %mul3A_545 = arith.mulf %mul3A_544, %sub3A_78 : vector<16xf32>
        %add3A_546 = arith.addf %add3A_543, %mul3A_545 : vector<16xf32>
        %mul3A_547 = vector.broadcast %squeeze3A_522 : f32 to vector<16xf32>
        %mul3A_548 = arith.mulf %mul3A_547, %get3A_11 : vector<16xf32>
        %add3A_549 = arith.addf %add3A_546, %mul3A_548 : vector<16xf32>
        %swap3A_550 = arith.index_cast %add3A_516 : i32 to index
        %swap3A_551 = arith.constant 16 : index
        %swap3A_552 = tpu.vector_load %arg24[%swap3A_550, %swap3A_551] {strides = array<i32>} : memref<800x64xf32, #tpu.memory_space<vmem>>, vector<1x16xf32>,
        %swap3A_553 = vector.shape_cast %swap3A_552 : vector<1x16xf32> to vector<16xf32>
        %swap3A_554 = vector.shape_cast %add3A_549 : vector<16xf32> to vector<1x16xf32>
        tpu.vector_store %arg24[%swap3A_550, %swap3A_551], %swap3A_554 {strides = array<i32>} : memref<800x64xf32, #tpu.memory_space<vmem>>, vector<1x16xf32>,
        %get3A_555 = arith.index_cast %rem3A_518 : i32 to index
        %get3A_556 = arith.constant 32 : index
        %get3A_557 = tpu.vector_load %arg25[%get3A_555, %get3A_556] {strides = array<i32>} : memref<200x64xf32, #tpu.memory_space<vmem>>, vector<1x16xf32>,
        %get3A_558 = vector.shape_cast %get3A_557 : vector<1x16xf32> to vector<16xf32>
        %add3A_559 = arith.addf %get3A_558, %add3A_48 : vector<16xf32>
        %mul3A_560 = vector.broadcast %squeeze3A_520 : f32 to vector<16xf32>
        %mul3A_561 = arith.mulf %mul3A_560, %sub3A_89 : vector<16xf32>
        %add3A_562 = arith.addf %add3A_559, %mul3A_561 : vector<16xf32>
        %mul3A_563 = vector.broadcast %squeeze3A_522 : f32 to vector<16xf32>
        %mul3A_564 = arith.mulf %mul3A_563, %get3A_16 : vector<16xf32>
        %add3A_565 = arith.addf %add3A_562, %mul3A_564 : vector<16xf32>
        %swap3A_566 = arith.index_cast %add3A_516 : i32 to index
        %swap3A_567 = arith.constant 32 : index
        %swap3A_568 = tpu.vector_load %arg24[%swap3A_566, %swap3A_567] {strides = array<i32>} : memref<800x64xf32, #tpu.memory_space<vmem>>, vector<1x16xf32>,
        %swap3A_569 = vector.shape_cast %swap3A_568 : vector<1x16xf32> to vector<16xf32>
        %swap3A_570 = vector.shape_cast %add3A_565 : vector<16xf32> to vector<1x16xf32>
        tpu.vector_store %arg24[%swap3A_566, %swap3A_567], %swap3A_570 {strides = array<i32>} : memref<800x64xf32, #tpu.memory_space<vmem>>, vector<1x16xf32>,
        %get3A_571 = arith.index_cast %rem3A_518 : i32 to index
        %get3A_572 = arith.constant 48 : index
        %get3A_573 = tpu.vector_load %arg25[%get3A_571, %get3A_572] {strides = array<i32>} : memref<200x64xf32, #tpu.memory_space<vmem>>, vector<1x16xf32>,
        %get3A_574 = vector.shape_cast %get3A_573 : vector<1x16xf32> to vector<16xf32>
        %add3A_575 = arith.addf %get3A_574, %add3A_57 : vector<16xf32>
        %mul3A_576 = vector.broadcast %squeeze3A_520 : f32 to vector<16xf32>
        %mul3A_577 = arith.mulf %mul3A_576, %sub3A_100 : vector<16xf32>
        %add3A_578 = arith.addf %add3A_575, %mul3A_577 : vector<16xf32>
        %mul3A_579 = vector.broadcast %squeeze3A_522 : f32 to vector<16xf32>
        %mul3A_580 = arith.mulf %mul3A_579, %get3A_21 : vector<16xf32>
        %add3A_581 = arith.addf %add3A_578, %mul3A_580 : vector<16xf32>
        %swap3A_582 = arith.index_cast %add3A_516 : i32 to index
        %swap3A_583 = arith.constant 48 : index
        %swap3A_584 = tpu.vector_load %arg24[%swap3A_582, %swap3A_583] {strides = array<i32>} : memref<800x64xf32, #tpu.memory_space<vmem>>, vector<1x16xf32>,
        %swap3A_585 = vector.shape_cast %swap3A_584 : vector<1x16xf32> to vector<16xf32>
        %swap3A_586 = vector.shape_cast %add3A_581 : vector<16xf32> to vector<1x16xf32>
        tpu.vector_store %arg24[%swap3A_582, %swap3A_583], %swap3A_586 {strides = array<i32>} : memref<800x64xf32, #tpu.memory_space<vmem>>, vector<1x16xf32>,
        %add3A_587 = arith.constant 6 : i32
        %add3A_588 = arith.addi %mul3A_152, %add3A_587 : i32
        %rem3A_589 = arith.constant 200 : i32
        %rem3A_590 = arith.remsi %add3A_588, %rem3A_589 : i32
        %slice3A_591 = vector.extract_strided_slice %get3A_155 {offsets = [6], sizes = [1], strides = [1]} : vector<16xf32> to vector<1xf32>
        %squeeze3A_592 = vector.extract %slice3A_591[0] : f32 from vector<1xf32>
        %slice3A_593 = vector.extract_strided_slice %get3A_158 {offsets = [6], sizes = [1], strides = [1]} : vector<16xf32> to vector<1xf32>
        %squeeze3A_594 = vector.extract %slice3A_593[0] : f32 from vector<1xf32>
        %get3A_595 = arith.index_cast %rem3A_590 : i32 to index
        %get3A_596 = arith.constant 0 : index
        %get3A_597 = tpu.vector_load %arg25[%get3A_595, %get3A_596] {strides = array<i32>} : memref<200x64xf32, #tpu.memory_space<vmem>>, vector<1x16xf32>,
        %get3A_598 = vector.shape_cast %get3A_597 : vector<1x16xf32> to vector<16xf32>
        %add3A_599 = arith.addf %get3A_598, %add3A_30 : vector<16xf32>
        %mul3A_600 = vector.broadcast %squeeze3A_592 : f32 to vector<16xf32>
        %mul3A_601 = arith.mulf %mul3A_600, %sub3A : vector<16xf32>
        %add3A_602 = arith.addf %add3A_599, %mul3A_601 : vector<16xf32>
        %mul3A_603 = vector.broadcast %squeeze3A_594 : f32 to vector<16xf32>
        %mul3A_604 = arith.mulf %mul3A_603, %get3A_6 : vector<16xf32>
        %add3A_605 = arith.addf %add3A_602, %mul3A_604 : vector<16xf32>
        %swap3A_606 = arith.index_cast %add3A_588 : i32 to index
        %swap3A_607 = arith.constant 0 : index
        %swap3A_608 = tpu.vector_load %arg24[%swap3A_606, %swap3A_607] {strides = array<i32>} : memref<800x64xf32, #tpu.memory_space<vmem>>, vector<1x16xf32>,
        %swap3A_609 = vector.shape_cast %swap3A_608 : vector<1x16xf32> to vector<16xf32>
        %swap3A_610 = vector.shape_cast %add3A_605 : vector<16xf32> to vector<1x16xf32>
        tpu.vector_store %arg24[%swap3A_606, %swap3A_607], %swap3A_610 {strides = array<i32>} : memref<800x64xf32, #tpu.memory_space<vmem>>, vector<1x16xf32>,
        %get3A_611 = arith.index_cast %rem3A_590 : i32 to index
        %get3A_612 = arith.constant 16 : index
        %get3A_613 = tpu.vector_load %arg25[%get3A_611, %get3A_612] {strides = array<i32>} : memref<200x64xf32, #tpu.memory_space<vmem>>, vector<1x16xf32>,
        %get3A_614 = vector.shape_cast %get3A_613 : vector<1x16xf32> to vector<16xf32>
        %add3A_615 = arith.addf %get3A_614, %add3A_39 : vector<16xf32>
        %mul3A_616 = vector.broadcast %squeeze3A_592 : f32 to vector<16xf32>
        %mul3A_617 = arith.mulf %mul3A_616, %sub3A_78 : vector<16xf32>
        %add3A_618 = arith.addf %add3A_615, %mul3A_617 : vector<16xf32>
        %mul3A_619 = vector.broadcast %squeeze3A_594 : f32 to vector<16xf32>
        %mul3A_620 = arith.mulf %mul3A_619, %get3A_11 : vector<16xf32>
        %add3A_621 = arith.addf %add3A_618, %mul3A_620 : vector<16xf32>
        %swap3A_622 = arith.index_cast %add3A_588 : i32 to index
        %swap3A_623 = arith.constant 16 : index
        %swap3A_624 = tpu.vector_load %arg24[%swap3A_622, %swap3A_623] {strides = array<i32>} : memref<800x64xf32, #tpu.memory_space<vmem>>, vector<1x16xf32>,
        %swap3A_625 = vector.shape_cast %swap3A_624 : vector<1x16xf32> to vector<16xf32>
        %swap3A_626 = vector.shape_cast %add3A_621 : vector<16xf32> to vector<1x16xf32>
        tpu.vector_store %arg24[%swap3A_622, %swap3A_623], %swap3A_626 {strides = array<i32>} : memref<800x64xf32, #tpu.memory_space<vmem>>, vector<1x16xf32>,
        %get3A_627 = arith.index_cast %rem3A_590 : i32 to index
        %get3A_628 = arith.constant 32 : index
        %get3A_629 = tpu.vector_load %arg25[%get3A_627, %get3A_628] {strides = array<i32>} : memref<200x64xf32, #tpu.memory_space<vmem>>, vector<1x16xf32>,
        %get3A_630 = vector.shape_cast %get3A_629 : vector<1x16xf32> to vector<16xf32>
        %add3A_631 = arith.addf %get3A_630, %add3A_48 : vector<16xf32>
        %mul3A_632 = vector.broadcast %squeeze3A_592 : f32 to vector<16xf32>
        %mul3A_633 = arith.mulf %mul3A_632, %sub3A_89 : vector<16xf32>
        %add3A_634 = arith.addf %add3A_631, %mul3A_633 : vector<16xf32>
        %mul3A_635 = vector.broadcast %squeeze3A_594 : f32 to vector<16xf32>
        %mul3A_636 = arith.mulf %mul3A_635, %get3A_16 : vector<16xf32>
        %add3A_637 = arith.addf %add3A_634, %mul3A_636 : vector<16xf32>
        %swap3A_638 = arith.index_cast %add3A_588 : i32 to index
        %swap3A_639 = arith.constant 32 : index
        %swap3A_640 = tpu.vector_load %arg24[%swap3A_638, %swap3A_639] {strides = array<i32>} : memref<800x64xf32, #tpu.memory_space<vmem>>, vector<1x16xf32>,
        %swap3A_641 = vector.shape_cast %swap3A_640 : vector<1x16xf32> to vector<16xf32>
        %swap3A_642 = vector.shape_cast %add3A_637 : vector<16xf32> to vector<1x16xf32>
        tpu.vector_store %arg24[%swap3A_638, %swap3A_639], %swap3A_642 {strides = array<i32>} : memref<800x64xf32, #tpu.memory_space<vmem>>, vector<1x16xf32>,
        %get3A_643 = arith.index_cast %rem3A_590 : i32 to index
        %get3A_644 = arith.constant 48 : index
        %get3A_645 = tpu.vector_load %arg25[%get3A_643, %get3A_644] {strides = array<i32>} : memref<200x64xf32, #tpu.memory_space<vmem>>, vector<1x16xf32>,
        %get3A_646 = vector.shape_cast %get3A_645 : vector<1x16xf32> to vector<16xf32>
        %add3A_647 = arith.addf %get3A_646, %add3A_57 : vector<16xf32>
        %mul3A_648 = vector.broadcast %squeeze3A_592 : f32 to vector<16xf32>
        %mul3A_649 = arith.mulf %mul3A_648, %sub3A_100 : vector<16xf32>
        %add3A_650 = arith.addf %add3A_647, %mul3A_649 : vector<16xf32>
        %mul3A_651 = vector.broadcast %squeeze3A_594 : f32 to vector<16xf32>
        %mul3A_652 = arith.mulf %mul3A_651, %get3A_21 : vector<16xf32>
        %add3A_653 = arith.addf %add3A_650, %mul3A_652 : vector<16xf32>
        %swap3A_654 = arith.index_cast %add3A_588 : i32 to index
        %swap3A_655 = arith.constant 48 : index
        %swap3A_656 = tpu.vector_load %arg24[%swap3A_654, %swap3A_655] {strides = array<i32>} : memref<800x64xf32, #tpu.memory_space<vmem>>, vector<1x16xf32>,
        %swap3A_657 = vector.shape_cast %swap3A_656 : vector<1x16xf32> to vector<16xf32>
        %swap3A_658 = vector.shape_cast %add3A_653 : vector<16xf32> to vector<1x16xf32>
        tpu.vector_store %arg24[%swap3A_654, %swap3A_655], %swap3A_658 {strides = array<i32>} : memref<800x64xf32, #tpu.memory_space<vmem>>, vector<1x16xf32>,
        %add3A_659 = arith.constant 7 : i32
        %add3A_660 = arith.addi %mul3A_152, %add3A_659 : i32
        %rem3A_661 = arith.constant 200 : i32
        %rem3A_662 = arith.remsi %add3A_660, %rem3A_661 : i32
        %slice3A_663 = vector.extract_strided_slice %get3A_155 {offsets = [7], sizes = [1], strides = [1]} : vector<16xf32> to vector<1xf32>
        %squeeze3A_664 = vector.extract %slice3A_663[0] : f32 from vector<1xf32>
        %slice3A_665 = vector.extract_strided_slice %get3A_158 {offsets = [7], sizes = [1], strides = [1]} : vector<16xf32> to vector<1xf32>
        %squeeze3A_666 = vector.extract %slice3A_665[0] : f32 from vector<1xf32>
        %get3A_667 = arith.index_cast %rem3A_662 : i32 to index
        %get3A_668 = arith.constant 0 : index
        %get3A_669 = tpu.vector_load %arg25[%get3A_667, %get3A_668] {strides = array<i32>} : memref<200x64xf32, #tpu.memory_space<vmem>>, vector<1x16xf32>,
        %get3A_670 = vector.shape_cast %get3A_669 : vector<1x16xf32> to vector<16xf32>
        %add3A_671 = arith.addf %get3A_670, %add3A_30 : vector<16xf32>
        %mul3A_672 = vector.broadcast %squeeze3A_664 : f32 to vector<16xf32>
        %mul3A_673 = arith.mulf %mul3A_672, %sub3A : vector<16xf32>
        %add3A_674 = arith.addf %add3A_671, %mul3A_673 : vector<16xf32>
        %mul3A_675 = vector.broadcast %squeeze3A_666 : f32 to vector<16xf32>
        %mul3A_676 = arith.mulf %mul3A_675, %get3A_6 : vector<16xf32>
        %add3A_677 = arith.addf %add3A_674, %mul3A_676 : vector<16xf32>
        %swap3A_678 = arith.index_cast %add3A_660 : i32 to index
        %swap3A_679 = arith.constant 0 : index
        %swap3A_680 = tpu.vector_load %arg24[%swap3A_678, %swap3A_679] {strides = array<i32>} : memref<800x64xf32, #tpu.memory_space<vmem>>, vector<1x16xf32>,
        %swap3A_681 = vector.shape_cast %swap3A_680 : vector<1x16xf32> to vector<16xf32>
        %swap3A_682 = vector.shape_cast %add3A_677 : vector<16xf32> to vector<1x16xf32>
        tpu.vector_store %arg24[%swap3A_678, %swap3A_679], %swap3A_682 {strides = array<i32>} : memref<800x64xf32, #tpu.memory_space<vmem>>, vector<1x16xf32>,
        %get3A_683 = arith.index_cast %rem3A_662 : i32 to index
        %get3A_684 = arith.constant 16 : index
        %get3A_685 = tpu.vector_load %arg25[%get3A_683, %get3A_684] {strides = array<i32>} : memref<200x64xf32, #tpu.memory_space<vmem>>, vector<1x16xf32>,
        %get3A_686 = vector.shape_cast %get3A_685 : vector<1x16xf32> to vector<16xf32>
        %add3A_687 = arith.addf %get3A_686, %add3A_39 : vector<16xf32>
        %mul3A_688 = vector.broadcast %squeeze3A_664 : f32 to vector<16xf32>
        %mul3A_689 = arith.mulf %mul3A_688, %sub3A_78 : vector<16xf32>
        %add3A_690 = arith.addf %add3A_687, %mul3A_689 : vector<16xf32>
        %mul3A_691 = vector.broadcast %squeeze3A_666 : f32 to vector<16xf32>
        %mul3A_692 = arith.mulf %mul3A_691, %get3A_11 : vector<16xf32>
        %add3A_693 = arith.addf %add3A_690, %mul3A_692 : vector<16xf32>
        %swap3A_694 = arith.index_cast %add3A_660 : i32 to index
        %swap3A_695 = arith.constant 16 : index
        %swap3A_696 = tpu.vector_load %arg24[%swap3A_694, %swap3A_695] {strides = array<i32>} : memref<800x64xf32, #tpu.memory_space<vmem>>, vector<1x16xf32>,
        %swap3A_697 = vector.shape_cast %swap3A_696 : vector<1x16xf32> to vector<16xf32>
        %swap3A_698 = vector.shape_cast %add3A_693 : vector<16xf32> to vector<1x16xf32>
        tpu.vector_store %arg24[%swap3A_694, %swap3A_695], %swap3A_698 {strides = array<i32>} : memref<800x64xf32, #tpu.memory_space<vmem>>, vector<1x16xf32>,
        %get3A_699 = arith.index_cast %rem3A_662 : i32 to index
        %get3A_700 = arith.constant 32 : index
        %get3A_701 = tpu.vector_load %arg25[%get3A_699, %get3A_700] {strides = array<i32>} : memref<200x64xf32, #tpu.memory_space<vmem>>, vector<1x16xf32>,
        %get3A_702 = vector.shape_cast %get3A_701 : vector<1x16xf32> to vector<16xf32>
        %add3A_703 = arith.addf %get3A_702, %add3A_48 : vector<16xf32>
        %mul3A_704 = vector.broadcast %squeeze3A_664 : f32 to vector<16xf32>
        %mul3A_705 = arith.mulf %mul3A_704, %sub3A_89 : vector<16xf32>
        %add3A_706 = arith.addf %add3A_703, %mul3A_705 : vector<16xf32>
        %mul3A_707 = vector.broadcast %squeeze3A_666 : f32 to vector<16xf32>
        %mul3A_708 = arith.mulf %mul3A_707, %get3A_16 : vector<16xf32>
        %add3A_709 = arith.addf %add3A_706, %mul3A_708 : vector<16xf32>
        %swap3A_710 = arith.index_cast %add3A_660 : i32 to index
        %swap3A_711 = arith.constant 32 : index
        %swap3A_712 = tpu.vector_load %arg24[%swap3A_710, %swap3A_711] {strides = array<i32>} : memref<800x64xf32, #tpu.memory_space<vmem>>, vector<1x16xf32>,
        %swap3A_713 = vector.shape_cast %swap3A_712 : vector<1x16xf32> to vector<16xf32>
        %swap3A_714 = vector.shape_cast %add3A_709 : vector<16xf32> to vector<1x16xf32>
        tpu.vector_store %arg24[%swap3A_710, %swap3A_711], %swap3A_714 {strides = array<i32>} : memref<800x64xf32, #tpu.memory_space<vmem>>, vector<1x16xf32>,
        %get3A_715 = arith.index_cast %rem3A_662 : i32 to index
        %get3A_716 = arith.constant 48 : index
        %get3A_717 = tpu.vector_load %arg25[%get3A_715, %get3A_716] {strides = array<i32>} : memref<200x64xf32, #tpu.memory_space<vmem>>, vector<1x16xf32>,
        %get3A_718 = vector.shape_cast %get3A_717 : vector<1x16xf32> to vector<16xf32>
        %add3A_719 = arith.addf %get3A_718, %add3A_57 : vector<16xf32>
        %mul3A_720 = vector.broadcast %squeeze3A_664 : f32 to vector<16xf32>
        %mul3A_721 = arith.mulf %mul3A_720, %sub3A_100 : vector<16xf32>
        %add3A_722 = arith.addf %add3A_719, %mul3A_721 : vector<16xf32>
        %mul3A_723 = vector.broadcast %squeeze3A_666 : f32 to vector<16xf32>
        %mul3A_724 = arith.mulf %mul3A_723, %get3A_21 : vector<16xf32>
        %add3A_725 = arith.addf %add3A_722, %mul3A_724 : vector<16xf32>
        %swap3A_726 = arith.index_cast %add3A_660 : i32 to index
        %swap3A_727 = arith.constant 48 : index
        %swap3A_728 = tpu.vector_load %arg24[%swap3A_726, %swap3A_727] {strides = array<i32>} : memref<800x64xf32, #tpu.memory_space<vmem>>, vector<1x16xf32>,
        %swap3A_729 = vector.shape_cast %swap3A_728 : vector<1x16xf32> to vector<16xf32>
        %swap3A_730 = vector.shape_cast %add3A_725 : vector<16xf32> to vector<1x16xf32>
        tpu.vector_store %arg24[%swap3A_726, %swap3A_727], %swap3A_730 {strides = array<i32>} : memref<800x64xf32, #tpu.memory_space<vmem>>, vector<1x16xf32>,
        %add3A_731 = arith.constant 8 : i32
        %add3A_732 = arith.addi %mul3A_152, %add3A_731 : i32
        %rem3A_733 = arith.constant 200 : i32
        %rem3A_734 = arith.remsi %add3A_732, %rem3A_733 : i32
        %slice3A_735 = vector.extract_strided_slice %get3A_155 {offsets = [8], sizes = [1], strides = [1]} : vector<16xf32> to vector<1xf32>
        %squeeze3A_736 = vector.extract %slice3A_735[0] : f32 from vector<1xf32>
        %slice3A_737 = vector.extract_strided_slice %get3A_158 {offsets = [8], sizes = [1], strides = [1]} : vector<16xf32> to vector<1xf32>
        %squeeze3A_738 = vector.extract %slice3A_737[0] : f32 from vector<1xf32>
        %get3A_739 = arith.index_cast %rem3A_734 : i32 to index
        %get3A_740 = arith.constant 0 : index
        %get3A_741 = tpu.vector_load %arg25[%get3A_739, %get3A_740] {strides = array<i32>} : memref<200x64xf32, #tpu.memory_space<vmem>>, vector<1x16xf32>,
        %get3A_742 = vector.shape_cast %get3A_741 : vector<1x16xf32> to vector<16xf32>
        %add3A_743 = arith.addf %get3A_742, %add3A_30 : vector<16xf32>
        %mul3A_744 = vector.broadcast %squeeze3A_736 : f32 to vector<16xf32>
        %mul3A_745 = arith.mulf %mul3A_744, %sub3A : vector<16xf32>
        %add3A_746 = arith.addf %add3A_743, %mul3A_745 : vector<16xf32>
        %mul3A_747 = vector.broadcast %squeeze3A_738 : f32 to vector<16xf32>
        %mul3A_748 = arith.mulf %mul3A_747, %get3A_6 : vector<16xf32>
        %add3A_749 = arith.addf %add3A_746, %mul3A_748 : vector<16xf32>
        %swap3A_750 = arith.index_cast %add3A_732 : i32 to index
        %swap3A_751 = arith.constant 0 : index
        %swap3A_752 = tpu.vector_load %arg24[%swap3A_750, %swap3A_751] {strides = array<i32>} : memref<800x64xf32, #tpu.memory_space<vmem>>, vector<1x16xf32>,
        %swap3A_753 = vector.shape_cast %swap3A_752 : vector<1x16xf32> to vector<16xf32>
        %swap3A_754 = vector.shape_cast %add3A_749 : vector<16xf32> to vector<1x16xf32>
        tpu.vector_store %arg24[%swap3A_750, %swap3A_751], %swap3A_754 {strides = array<i32>} : memref<800x64xf32, #tpu.memory_space<vmem>>, vector<1x16xf32>,
        %get3A_755 = arith.index_cast %rem3A_734 : i32 to index
        %get3A_756 = arith.constant 16 : index
        %get3A_757 = tpu.vector_load %arg25[%get3A_755, %get3A_756] {strides = array<i32>} : memref<200x64xf32, #tpu.memory_space<vmem>>, vector<1x16xf32>,
        %get3A_758 = vector.shape_cast %get3A_757 : vector<1x16xf32> to vector<16xf32>
        %add3A_759 = arith.addf %get3A_758, %add3A_39 : vector<16xf32>
        %mul3A_760 = vector.broadcast %squeeze3A_736 : f32 to vector<16xf32>
        %mul3A_761 = arith.mulf %mul3A_760, %sub3A_78 : vector<16xf32>
        %add3A_762 = arith.addf %add3A_759, %mul3A_761 : vector<16xf32>
        %mul3A_763 = vector.broadcast %squeeze3A_738 : f32 to vector<16xf32>
        %mul3A_764 = arith.mulf %mul3A_763, %get3A_11 : vector<16xf32>
        %add3A_765 = arith.addf %add3A_762, %mul3A_764 : vector<16xf32>
        %swap3A_766 = arith.index_cast %add3A_732 : i32 to index
        %swap3A_767 = arith.constant 16 : index
        %swap3A_768 = tpu.vector_load %arg24[%swap3A_766, %swap3A_767] {strides = array<i32>} : memref<800x64xf32, #tpu.memory_space<vmem>>, vector<1x16xf32>,
        %swap3A_769 = vector.shape_cast %swap3A_768 : vector<1x16xf32> to vector<16xf32>
        %swap3A_770 = vector.shape_cast %add3A_765 : vector<16xf32> to vector<1x16xf32>
        tpu.vector_store %arg24[%swap3A_766, %swap3A_767], %swap3A_770 {strides = array<i32>} : memref<800x64xf32, #tpu.memory_space<vmem>>, vector<1x16xf32>,
        %get3A_771 = arith.index_cast %rem3A_734 : i32 to index
        %get3A_772 = arith.constant 32 : index
        %get3A_773 = tpu.vector_load %arg25[%get3A_771, %get3A_772] {strides = array<i32>} : memref<200x64xf32, #tpu.memory_space<vmem>>, vector<1x16xf32>,
        %get3A_774 = vector.shape_cast %get3A_773 : vector<1x16xf32> to vector<16xf32>
        %add3A_775 = arith.addf %get3A_774, %add3A_48 : vector<16xf32>
        %mul3A_776 = vector.broadcast %squeeze3A_736 : f32 to vector<16xf32>
        %mul3A_777 = arith.mulf %mul3A_776, %sub3A_89 : vector<16xf32>
        %add3A_778 = arith.addf %add3A_775, %mul3A_777 : vector<16xf32>
        %mul3A_779 = vector.broadcast %squeeze3A_738 : f32 to vector<16xf32>
        %mul3A_780 = arith.mulf %mul3A_779, %get3A_16 : vector<16xf32>
        %add3A_781 = arith.addf %add3A_778, %mul3A_780 : vector<16xf32>
        %swap3A_782 = arith.index_cast %add3A_732 : i32 to index
        %swap3A_783 = arith.constant 32 : index
        %swap3A_784 = tpu.vector_load %arg24[%swap3A_782, %swap3A_783] {strides = array<i32>} : memref<800x64xf32, #tpu.memory_space<vmem>>, vector<1x16xf32>,
        %swap3A_785 = vector.shape_cast %swap3A_784 : vector<1x16xf32> to vector<16xf32>
        %swap3A_786 = vector.shape_cast %add3A_781 : vector<16xf32> to vector<1x16xf32>
        tpu.vector_store %arg24[%swap3A_782, %swap3A_783], %swap3A_786 {strides = array<i32>} : memref<800x64xf32, #tpu.memory_space<vmem>>, vector<1x16xf32>,
        %get3A_787 = arith.index_cast %rem3A_734 : i32 to index
        %get3A_788 = arith.constant 48 : index
        %get3A_789 = tpu.vector_load %arg25[%get3A_787, %get3A_788] {strides = array<i32>} : memref<200x64xf32, #tpu.memory_space<vmem>>, vector<1x16xf32>,
        %get3A_790 = vector.shape_cast %get3A_789 : vector<1x16xf32> to vector<16xf32>
        %add3A_791 = arith.addf %get3A_790, %add3A_57 : vector<16xf32>
        %mul3A_792 = vector.broadcast %squeeze3A_736 : f32 to vector<16xf32>
        %mul3A_793 = arith.mulf %mul3A_792, %sub3A_100 : vector<16xf32>
        %add3A_794 = arith.addf %add3A_791, %mul3A_793 : vector<16xf32>
        %mul3A_795 = vector.broadcast %squeeze3A_738 : f32 to vector<16xf32>
        %mul3A_796 = arith.mulf %mul3A_795, %get3A_21 : vector<16xf32>
        %add3A_797 = arith.addf %add3A_794, %mul3A_796 : vector<16xf32>
        %swap3A_798 = arith.index_cast %add3A_732 : i32 to index
        %swap3A_799 = arith.constant 48 : index
        %swap3A_800 = tpu.vector_load %arg24[%swap3A_798, %swap3A_799] {strides = array<i32>} : memref<800x64xf32, #tpu.memory_space<vmem>>, vector<1x16xf32>,
        %swap3A_801 = vector.shape_cast %swap3A_800 : vector<1x16xf32> to vector<16xf32>
        %swap3A_802 = vector.shape_cast %add3A_797 : vector<16xf32> to vector<1x16xf32>
        tpu.vector_store %arg24[%swap3A_798, %swap3A_799], %swap3A_802 {strides = array<i32>} : memref<800x64xf32, #tpu.memory_space<vmem>>, vector<1x16xf32>,
        %add3A_803 = arith.constant 9 : i32
        %add3A_804 = arith.addi %mul3A_152, %add3A_803 : i32
        %rem3A_805 = arith.constant 200 : i32
        %rem3A_806 = arith.remsi %add3A_804, %rem3A_805 : i32
        %slice3A_807 = vector.extract_strided_slice %get3A_155 {offsets = [9], sizes = [1], strides = [1]} : vector<16xf32> to vector<1xf32>
        %squeeze3A_808 = vector.extract %slice3A_807[0] : f32 from vector<1xf32>
        %slice3A_809 = vector.extract_strided_slice %get3A_158 {offsets = [9], sizes = [1], strides = [1]} : vector<16xf32> to vector<1xf32>
        %squeeze3A_810 = vector.extract %slice3A_809[0] : f32 from vector<1xf32>
        %get3A_811 = arith.index_cast %rem3A_806 : i32 to index
        %get3A_812 = arith.constant 0 : index
        %get3A_813 = tpu.vector_load %arg25[%get3A_811, %get3A_812] {strides = array<i32>} : memref<200x64xf32, #tpu.memory_space<vmem>>, vector<1x16xf32>,
        %get3A_814 = vector.shape_cast %get3A_813 : vector<1x16xf32> to vector<16xf32>
        %add3A_815 = arith.addf %get3A_814, %add3A_30 : vector<16xf32>
        %mul3A_816 = vector.broadcast %squeeze3A_808 : f32 to vector<16xf32>
        %mul3A_817 = arith.mulf %mul3A_816, %sub3A : vector<16xf32>
        %add3A_818 = arith.addf %add3A_815, %mul3A_817 : vector<16xf32>
        %mul3A_819 = vector.broadcast %squeeze3A_810 : f32 to vector<16xf32>
        %mul3A_820 = arith.mulf %mul3A_819, %get3A_6 : vector<16xf32>
        %add3A_821 = arith.addf %add3A_818, %mul3A_820 : vector<16xf32>
        %swap3A_822 = arith.index_cast %add3A_804 : i32 to index
        %swap3A_823 = arith.constant 0 : index
        %swap3A_824 = tpu.vector_load %arg24[%swap3A_822, %swap3A_823] {strides = array<i32>} : memref<800x64xf32, #tpu.memory_space<vmem>>, vector<1x16xf32>,
        %swap3A_825 = vector.shape_cast %swap3A_824 : vector<1x16xf32> to vector<16xf32>
        %swap3A_826 = vector.shape_cast %add3A_821 : vector<16xf32> to vector<1x16xf32>
        tpu.vector_store %arg24[%swap3A_822, %swap3A_823], %swap3A_826 {strides = array<i32>} : memref<800x64xf32, #tpu.memory_space<vmem>>, vector<1x16xf32>,
        %get3A_827 = arith.index_cast %rem3A_806 : i32 to index
        %get3A_828 = arith.constant 16 : index
        %get3A_829 = tpu.vector_load %arg25[%get3A_827, %get3A_828] {strides = array<i32>} : memref<200x64xf32, #tpu.memory_space<vmem>>, vector<1x16xf32>,
        %get3A_830 = vector.shape_cast %get3A_829 : vector<1x16xf32> to vector<16xf32>
        %add3A_831 = arith.addf %get3A_830, %add3A_39 : vector<16xf32>
        %mul3A_832 = vector.broadcast %squeeze3A_808 : f32 to vector<16xf32>
        %mul3A_833 = arith.mulf %mul3A_832, %sub3A_78 : vector<16xf32>
        %add3A_834 = arith.addf %add3A_831, %mul3A_833 : vector<16xf32>
        %mul3A_835 = vector.broadcast %squeeze3A_810 : f32 to vector<16xf32>
        %mul3A_836 = arith.mulf %mul3A_835, %get3A_11 : vector<16xf32>
        %add3A_837 = arith.addf %add3A_834, %mul3A_836 : vector<16xf32>
        %swap3A_838 = arith.index_cast %add3A_804 : i32 to index
        %swap3A_839 = arith.constant 16 : index
        %swap3A_840 = tpu.vector_load %arg24[%swap3A_838, %swap3A_839] {strides = array<i32>} : memref<800x64xf32, #tpu.memory_space<vmem>>, vector<1x16xf32>,
        %swap3A_841 = vector.shape_cast %swap3A_840 : vector<1x16xf32> to vector<16xf32>
        %swap3A_842 = vector.shape_cast %add3A_837 : vector<16xf32> to vector<1x16xf32>
        tpu.vector_store %arg24[%swap3A_838, %swap3A_839], %swap3A_842 {strides = array<i32>} : memref<800x64xf32, #tpu.memory_space<vmem>>, vector<1x16xf32>,
        %get3A_843 = arith.index_cast %rem3A_806 : i32 to index
        %get3A_844 = arith.constant 32 : index
        %get3A_845 = tpu.vector_load %arg25[%get3A_843, %get3A_844] {strides = array<i32>} : memref<200x64xf32, #tpu.memory_space<vmem>>, vector<1x16xf32>,
        %get3A_846 = vector.shape_cast %get3A_845 : vector<1x16xf32> to vector<16xf32>
        %add3A_847 = arith.addf %get3A_846, %add3A_48 : vector<16xf32>
        %mul3A_848 = vector.broadcast %squeeze3A_808 : f32 to vector<16xf32>
        %mul3A_849 = arith.mulf %mul3A_848, %sub3A_89 : vector<16xf32>
        %add3A_850 = arith.addf %add3A_847, %mul3A_849 : vector<16xf32>
        %mul3A_851 = vector.broadcast %squeeze3A_810 : f32 to vector<16xf32>
        %mul3A_852 = arith.mulf %mul3A_851, %get3A_16 : vector<16xf32>
        %add3A_853 = arith.addf %add3A_850, %mul3A_852 : vector<16xf32>
        %swap3A_854 = arith.index_cast %add3A_804 : i32 to index
        %swap3A_855 = arith.constant 32 : index
        %swap3A_856 = tpu.vector_load %arg24[%swap3A_854, %swap3A_855] {strides = array<i32>} : memref<800x64xf32, #tpu.memory_space<vmem>>, vector<1x16xf32>,
        %swap3A_857 = vector.shape_cast %swap3A_856 : vector<1x16xf32> to vector<16xf32>
        %swap3A_858 = vector.shape_cast %add3A_853 : vector<16xf32> to vector<1x16xf32>
        tpu.vector_store %arg24[%swap3A_854, %swap3A_855], %swap3A_858 {strides = array<i32>} : memref<800x64xf32, #tpu.memory_space<vmem>>, vector<1x16xf32>,
        %get3A_859 = arith.index_cast %rem3A_806 : i32 to index
        %get3A_860 = arith.constant 48 : index
        %get3A_861 = tpu.vector_load %arg25[%get3A_859, %get3A_860] {strides = array<i32>} : memref<200x64xf32, #tpu.memory_space<vmem>>, vector<1x16xf32>,
        %get3A_862 = vector.shape_cast %get3A_861 : vector<1x16xf32> to vector<16xf32>
        %add3A_863 = arith.addf %get3A_862, %add3A_57 : vector<16xf32>
        %mul3A_864 = vector.broadcast %squeeze3A_808 : f32 to vector<16xf32>
        %mul3A_865 = arith.mulf %mul3A_864, %sub3A_100 : vector<16xf32>
        %add3A_866 = arith.addf %add3A_863, %mul3A_865 : vector<16xf32>
        %mul3A_867 = vector.broadcast %squeeze3A_810 : f32 to vector<16xf32>
        %mul3A_868 = arith.mulf %mul3A_867, %get3A_21 : vector<16xf32>
        %add3A_869 = arith.addf %add3A_866, %mul3A_868 : vector<16xf32>
        %swap3A_870 = arith.index_cast %add3A_804 : i32 to index
        %swap3A_871 = arith.constant 48 : index
        %swap3A_872 = tpu.vector_load %arg24[%swap3A_870, %swap3A_871] {strides = array<i32>} : memref<800x64xf32, #tpu.memory_space<vmem>>, vector<1x16xf32>,
        %swap3A_873 = vector.shape_cast %swap3A_872 : vector<1x16xf32> to vector<16xf32>
        %swap3A_874 = vector.shape_cast %add3A_869 : vector<16xf32> to vector<1x16xf32>
        tpu.vector_store %arg24[%swap3A_870, %swap3A_871], %swap3A_874 {strides = array<i32>} : memref<800x64xf32, #tpu.memory_space<vmem>>, vector<1x16xf32>,
        %add3A_875 = arith.constant 10 : i32
        %add3A_876 = arith.addi %mul3A_152, %add3A_875 : i32
        %rem3A_877 = arith.constant 200 : i32
        %rem3A_878 = arith.remsi %add3A_876, %rem3A_877 : i32
        %slice3A_879 = vector.extract_strided_slice %get3A_155 {offsets = [10], sizes = [1], strides = [1]} : vector<16xf32> to vector<1xf32>
        %squeeze3A_880 = vector.extract %slice3A_879[0] : f32 from vector<1xf32>
        %slice3A_881 = vector.extract_strided_slice %get3A_158 {offsets = [10], sizes = [1], strides = [1]} : vector<16xf32> to vector<1xf32>
        %squeeze3A_882 = vector.extract %slice3A_881[0] : f32 from vector<1xf32>
        %get3A_883 = arith.index_cast %rem3A_878 : i32 to index
        %get3A_884 = arith.constant 0 : index
        %get3A_885 = tpu.vector_load %arg25[%get3A_883, %get3A_884] {strides = array<i32>} : memref<200x64xf32, #tpu.memory_space<vmem>>, vector<1x16xf32>,
        %get3A_886 = vector.shape_cast %get3A_885 : vector<1x16xf32> to vector<16xf32>
        %add3A_887 = arith.addf %get3A_886, %add3A_30 : vector<16xf32>
        %mul3A_888 = vector.broadcast %squeeze3A_880 : f32 to vector<16xf32>
        %mul3A_889 = arith.mulf %mul3A_888, %sub3A : vector<16xf32>
        %add3A_890 = arith.addf %add3A_887, %mul3A_889 : vector<16xf32>
        %mul3A_891 = vector.broadcast %squeeze3A_882 : f32 to vector<16xf32>
        %mul3A_892 = arith.mulf %mul3A_891, %get3A_6 : vector<16xf32>
        %add3A_893 = arith.addf %add3A_890, %mul3A_892 : vector<16xf32>
        %swap3A_894 = arith.index_cast %add3A_876 : i32 to index
        %swap3A_895 = arith.constant 0 : index
        %swap3A_896 = tpu.vector_load %arg24[%swap3A_894, %swap3A_895] {strides = array<i32>} : memref<800x64xf32, #tpu.memory_space<vmem>>, vector<1x16xf32>,
        %swap3A_897 = vector.shape_cast %swap3A_896 : vector<1x16xf32> to vector<16xf32>
        %swap3A_898 = vector.shape_cast %add3A_893 : vector<16xf32> to vector<1x16xf32>
        tpu.vector_store %arg24[%swap3A_894, %swap3A_895], %swap3A_898 {strides = array<i32>} : memref<800x64xf32, #tpu.memory_space<vmem>>, vector<1x16xf32>,
        %get3A_899 = arith.index_cast %rem3A_878 : i32 to index
        %get3A_900 = arith.constant 16 : index
        %get3A_901 = tpu.vector_load %arg25[%get3A_899, %get3A_900] {strides = array<i32>} : memref<200x64xf32, #tpu.memory_space<vmem>>, vector<1x16xf32>,
        %get3A_902 = vector.shape_cast %get3A_901 : vector<1x16xf32> to vector<16xf32>
        %add3A_903 = arith.addf %get3A_902, %add3A_39 : vector<16xf32>
        %mul3A_904 = vector.broadcast %squeeze3A_880 : f32 to vector<16xf32>
        %mul3A_905 = arith.mulf %mul3A_904, %sub3A_78 : vector<16xf32>
        %add3A_906 = arith.addf %add3A_903, %mul3A_905 : vector<16xf32>
        %mul3A_907 = vector.broadcast %squeeze3A_882 : f32 to vector<16xf32>
        %mul3A_908 = arith.mulf %mul3A_907, %get3A_11 : vector<16xf32>
        %add3A_909 = arith.addf %add3A_906, %mul3A_908 : vector<16xf32>
        %swap3A_910 = arith.index_cast %add3A_876 : i32 to index
        %swap3A_911 = arith.constant 16 : index
        %swap3A_912 = tpu.vector_load %arg24[%swap3A_910, %swap3A_911] {strides = array<i32>} : memref<800x64xf32, #tpu.memory_space<vmem>>, vector<1x16xf32>,
        %swap3A_913 = vector.shape_cast %swap3A_912 : vector<1x16xf32> to vector<16xf32>
        %swap3A_914 = vector.shape_cast %add3A_909 : vector<16xf32> to vector<1x16xf32>
        tpu.vector_store %arg24[%swap3A_910, %swap3A_911], %swap3A_914 {strides = array<i32>} : memref<800x64xf32, #tpu.memory_space<vmem>>, vector<1x16xf32>,
        %get3A_915 = arith.index_cast %rem3A_878 : i32 to index
        %get3A_916 = arith.constant 32 : index
        %get3A_917 = tpu.vector_load %arg25[%get3A_915, %get3A_916] {strides = array<i32>} : memref<200x64xf32, #tpu.memory_space<vmem>>, vector<1x16xf32>,
        %get3A_918 = vector.shape_cast %get3A_917 : vector<1x16xf32> to vector<16xf32>
        %add3A_919 = arith.addf %get3A_918, %add3A_48 : vector<16xf32>
        %mul3A_920 = vector.broadcast %squeeze3A_880 : f32 to vector<16xf32>
        %mul3A_921 = arith.mulf %mul3A_920, %sub3A_89 : vector<16xf32>
        %add3A_922 = arith.addf %add3A_919, %mul3A_921 : vector<16xf32>
        %mul3A_923 = vector.broadcast %squeeze3A_882 : f32 to vector<16xf32>
        %mul3A_924 = arith.mulf %mul3A_923, %get3A_16 : vector<16xf32>
        %add3A_925 = arith.addf %add3A_922, %mul3A_924 : vector<16xf32>
        %swap3A_926 = arith.index_cast %add3A_876 : i32 to index
        %swap3A_927 = arith.constant 32 : index
        %swap3A_928 = tpu.vector_load %arg24[%swap3A_926, %swap3A_927] {strides = array<i32>} : memref<800x64xf32, #tpu.memory_space<vmem>>, vector<1x16xf32>,
        %swap3A_929 = vector.shape_cast %swap3A_928 : vector<1x16xf32> to vector<16xf32>
        %swap3A_930 = vector.shape_cast %add3A_925 : vector<16xf32> to vector<1x16xf32>
        tpu.vector_store %arg24[%swap3A_926, %swap3A_927], %swap3A_930 {strides = array<i32>} : memref<800x64xf32, #tpu.memory_space<vmem>>, vector<1x16xf32>,
        %get3A_931 = arith.index_cast %rem3A_878 : i32 to index
        %get3A_932 = arith.constant 48 : index
        %get3A_933 = tpu.vector_load %arg25[%get3A_931, %get3A_932] {strides = array<i32>} : memref<200x64xf32, #tpu.memory_space<vmem>>, vector<1x16xf32>,
        %get3A_934 = vector.shape_cast %get3A_933 : vector<1x16xf32> to vector<16xf32>
        %add3A_935 = arith.addf %get3A_934, %add3A_57 : vector<16xf32>
        %mul3A_936 = vector.broadcast %squeeze3A_880 : f32 to vector<16xf32>
        %mul3A_937 = arith.mulf %mul3A_936, %sub3A_100 : vector<16xf32>
        %add3A_938 = arith.addf %add3A_935, %mul3A_937 : vector<16xf32>
        %mul3A_939 = vector.broadcast %squeeze3A_882 : f32 to vector<16xf32>
        %mul3A_940 = arith.mulf %mul3A_939, %get3A_21 : vector<16xf32>
        %add3A_941 = arith.addf %add3A_938, %mul3A_940 : vector<16xf32>
        %swap3A_942 = arith.index_cast %add3A_876 : i32 to index
        %swap3A_943 = arith.constant 48 : index
        %swap3A_944 = tpu.vector_load %arg24[%swap3A_942, %swap3A_943] {strides = array<i32>} : memref<800x64xf32, #tpu.memory_space<vmem>>, vector<1x16xf32>,
        %swap3A_945 = vector.shape_cast %swap3A_944 : vector<1x16xf32> to vector<16xf32>
        %swap3A_946 = vector.shape_cast %add3A_941 : vector<16xf32> to vector<1x16xf32>
        tpu.vector_store %arg24[%swap3A_942, %swap3A_943], %swap3A_946 {strides = array<i32>} : memref<800x64xf32, #tpu.memory_space<vmem>>, vector<1x16xf32>,
        %add3A_947 = arith.constant 11 : i32
        %add3A_948 = arith.addi %mul3A_152, %add3A_947 : i32
        %rem3A_949 = arith.constant 200 : i32
        %rem3A_950 = arith.remsi %add3A_948, %rem3A_949 : i32
        %slice3A_951 = vector.extract_strided_slice %get3A_155 {offsets = [11], sizes = [1], strides = [1]} : vector<16xf32> to vector<1xf32>
        %squeeze3A_952 = vector.extract %slice3A_951[0] : f32 from vector<1xf32>
        %slice3A_953 = vector.extract_strided_slice %get3A_158 {offsets = [11], sizes = [1], strides = [1]} : vector<16xf32> to vector<1xf32>
        %squeeze3A_954 = vector.extract %slice3A_953[0] : f32 from vector<1xf32>
        %get3A_955 = arith.index_cast %rem3A_950 : i32 to index
        %get3A_956 = arith.constant 0 : index
        %get3A_957 = tpu.vector_load %arg25[%get3A_955, %get3A_956] {strides = array<i32>} : memref<200x64xf32, #tpu.memory_space<vmem>>, vector<1x16xf32>,
        %get3A_958 = vector.shape_cast %get3A_957 : vector<1x16xf32> to vector<16xf32>
        %add3A_959 = arith.addf %get3A_958, %add3A_30 : vector<16xf32>
        %mul3A_960 = vector.broadcast %squeeze3A_952 : f32 to vector<16xf32>
        %mul3A_961 = arith.mulf %mul3A_960, %sub3A : vector<16xf32>
        %add3A_962 = arith.addf %add3A_959, %mul3A_961 : vector<16xf32>
        %mul3A_963 = vector.broadcast %squeeze3A_954 : f32 to vector<16xf32>
        %mul3A_964 = arith.mulf %mul3A_963, %get3A_6 : vector<16xf32>
        %add3A_965 = arith.addf %add3A_962, %mul3A_964 : vector<16xf32>
        %swap3A_966 = arith.index_cast %add3A_948 : i32 to index
        %swap3A_967 = arith.constant 0 : index
        %swap3A_968 = tpu.vector_load %arg24[%swap3A_966, %swap3A_967] {strides = array<i32>} : memref<800x64xf32, #tpu.memory_space<vmem>>, vector<1x16xf32>,
        %swap3A_969 = vector.shape_cast %swap3A_968 : vector<1x16xf32> to vector<16xf32>
        %swap3A_970 = vector.shape_cast %add3A_965 : vector<16xf32> to vector<1x16xf32>
        tpu.vector_store %arg24[%swap3A_966, %swap3A_967], %swap3A_970 {strides = array<i32>} : memref<800x64xf32, #tpu.memory_space<vmem>>, vector<1x16xf32>,
        %get3A_971 = arith.index_cast %rem3A_950 : i32 to index
        %get3A_972 = arith.constant 16 : index
        %get3A_973 = tpu.vector_load %arg25[%get3A_971, %get3A_972] {strides = array<i32>} : memref<200x64xf32, #tpu.memory_space<vmem>>, vector<1x16xf32>,
        %get3A_974 = vector.shape_cast %get3A_973 : vector<1x16xf32> to vector<16xf32>
        %add3A_975 = arith.addf %get3A_974, %add3A_39 : vector<16xf32>
        %mul3A_976 = vector.broadcast %squeeze3A_952 : f32 to vector<16xf32>
        %mul3A_977 = arith.mulf %mul3A_976, %sub3A_78 : vector<16xf32>
        %add3A_978 = arith.addf %add3A_975, %mul3A_977 : vector<16xf32>
        %mul3A_979 = vector.broadcast %squeeze3A_954 : f32 to vector<16xf32>
        %mul3A_980 = arith.mulf %mul3A_979, %get3A_11 : vector<16xf32>
        %add3A_981 = arith.addf %add3A_978, %mul3A_980 : vector<16xf32>
        %swap3A_982 = arith.index_cast %add3A_948 : i32 to index
        %swap3A_983 = arith.constant 16 : index
        %swap3A_984 = tpu.vector_load %arg24[%swap3A_982, %swap3A_983] {strides = array<i32>} : memref<800x64xf32, #tpu.memory_space<vmem>>, vector<1x16xf32>,
        %swap3A_985 = vector.shape_cast %swap3A_984 : vector<1x16xf32> to vector<16xf32>
        %swap3A_986 = vector.shape_cast %add3A_981 : vector<16xf32> to vector<1x16xf32>
        tpu.vector_store %arg24[%swap3A_982, %swap3A_983], %swap3A_986 {strides = array<i32>} : memref<800x64xf32, #tpu.memory_space<vmem>>, vector<1x16xf32>,
        %get3A_987 = arith.index_cast %rem3A_950 : i32 to index
        %get3A_988 = arith.constant 32 : index
        %get3A_989 = tpu.vector_load %arg25[%get3A_987, %get3A_988] {strides = array<i32>} : memref<200x64xf32, #tpu.memory_space<vmem>>, vector<1x16xf32>,
        %get3A_990 = vector.shape_cast %get3A_989 : vector<1x16xf32> to vector<16xf32>
        %add3A_991 = arith.addf %get3A_990, %add3A_48 : vector<16xf32>
        %mul3A_992 = vector.broadcast %squeeze3A_952 : f32 to vector<16xf32>
        %mul3A_993 = arith.mulf %mul3A_992, %sub3A_89 : vector<16xf32>
        %add3A_994 = arith.addf %add3A_991, %mul3A_993 : vector<16xf32>
        %mul3A_995 = vector.broadcast %squeeze3A_954 : f32 to vector<16xf32>
        %mul3A_996 = arith.mulf %mul3A_995, %get3A_16 : vector<16xf32>
        %add3A_997 = arith.addf %add3A_994, %mul3A_996 : vector<16xf32>
        %swap3A_998 = arith.index_cast %add3A_948 : i32 to index
        %swap3A_999 = arith.constant 32 : index
        %swap3A_1000 = tpu.vector_load %arg24[%swap3A_998, %swap3A_999] {strides = array<i32>} : memref<800x64xf32, #tpu.memory_space<vmem>>, vector<1x16xf32>,
        %swap3A_1001 = vector.shape_cast %swap3A_1000 : vector<1x16xf32> to vector<16xf32>
        %swap3A_1002 = vector.shape_cast %add3A_997 : vector<16xf32> to vector<1x16xf32>
        tpu.vector_store %arg24[%swap3A_998, %swap3A_999], %swap3A_1002 {strides = array<i32>} : memref<800x64xf32, #tpu.memory_space<vmem>>, vector<1x16xf32>,
        %get3A_1003 = arith.index_cast %rem3A_950 : i32 to index
        %get3A_1004 = arith.constant 48 : index
        %get3A_1005 = tpu.vector_load %arg25[%get3A_1003, %get3A_1004] {strides = array<i32>} : memref<200x64xf32, #tpu.memory_space<vmem>>, vector<1x16xf32>,
        %get3A_1006 = vector.shape_cast %get3A_1005 : vector<1x16xf32> to vector<16xf32>
        %add3A_1007 = arith.addf %get3A_1006, %add3A_57 : vector<16xf32>
        %mul3A_1008 = vector.broadcast %squeeze3A_952 : f32 to vector<16xf32>
        %mul3A_1009 = arith.mulf %mul3A_1008, %sub3A_100 : vector<16xf32>
        %add3A_1010 = arith.addf %add3A_1007, %mul3A_1009 : vector<16xf32>
        %mul3A_1011 = vector.broadcast %squeeze3A_954 : f32 to vector<16xf32>
        %mul3A_1012 = arith.mulf %mul3A_1011, %get3A_21 : vector<16xf32>
        %add3A_1013 = arith.addf %add3A_1010, %mul3A_1012 : vector<16xf32>
        %swap3A_1014 = arith.index_cast %add3A_948 : i32 to index
        %swap3A_1015 = arith.constant 48 : index
        %swap3A_1016 = tpu.vector_load %arg24[%swap3A_1014, %swap3A_1015] {strides = array<i32>} : memref<800x64xf32, #tpu.memory_space<vmem>>, vector<1x16xf32>,
        %swap3A_1017 = vector.shape_cast %swap3A_1016 : vector<1x16xf32> to vector<16xf32>
        %swap3A_1018 = vector.shape_cast %add3A_1013 : vector<16xf32> to vector<1x16xf32>
        tpu.vector_store %arg24[%swap3A_1014, %swap3A_1015], %swap3A_1018 {strides = array<i32>} : memref<800x64xf32, #tpu.memory_space<vmem>>, vector<1x16xf32>,
        %add3A_1019 = arith.constant 12 : i32
        %add3A_1020 = arith.addi %mul3A_152, %add3A_1019 : i32
        %rem3A_1021 = arith.constant 200 : i32
        %rem3A_1022 = arith.remsi %add3A_1020, %rem3A_1021 : i32
        %slice3A_1023 = vector.extract_strided_slice %get3A_155 {offsets = [12], sizes = [1], strides = [1]} : vector<16xf32> to vector<1xf32>
        %squeeze3A_1024 = vector.extract %slice3A_1023[0] : f32 from vector<1xf32>
        %slice3A_1025 = vector.extract_strided_slice %get3A_158 {offsets = [12], sizes = [1], strides = [1]} : vector<16xf32> to vector<1xf32>
        %squeeze3A_1026 = vector.extract %slice3A_1025[0] : f32 from vector<1xf32>
        %get3A_1027 = arith.index_cast %rem3A_1022 : i32 to index
        %get3A_1028 = arith.constant 0 : index
        %get3A_1029 = tpu.vector_load %arg25[%get3A_1027, %get3A_1028] {strides = array<i32>} : memref<200x64xf32, #tpu.memory_space<vmem>>, vector<1x16xf32>,
        %get3A_1030 = vector.shape_cast %get3A_1029 : vector<1x16xf32> to vector<16xf32>
        %add3A_1031 = arith.addf %get3A_1030, %add3A_30 : vector<16xf32>
        %mul3A_1032 = vector.broadcast %squeeze3A_1024 : f32 to vector<16xf32>
        %mul3A_1033 = arith.mulf %mul3A_1032, %sub3A : vector<16xf32>
        %add3A_1034 = arith.addf %add3A_1031, %mul3A_1033 : vector<16xf32>
        %mul3A_1035 = vector.broadcast %squeeze3A_1026 : f32 to vector<16xf32>
        %mul3A_1036 = arith.mulf %mul3A_1035, %get3A_6 : vector<16xf32>
        %add3A_1037 = arith.addf %add3A_1034, %mul3A_1036 : vector<16xf32>
        %swap3A_1038 = arith.index_cast %add3A_1020 : i32 to index
        %swap3A_1039 = arith.constant 0 : index
        %swap3A_1040 = tpu.vector_load %arg24[%swap3A_1038, %swap3A_1039] {strides = array<i32>} : memref<800x64xf32, #tpu.memory_space<vmem>>, vector<1x16xf32>,
        %swap3A_1041 = vector.shape_cast %swap3A_1040 : vector<1x16xf32> to vector<16xf32>
        %swap3A_1042 = vector.shape_cast %add3A_1037 : vector<16xf32> to vector<1x16xf32>
        tpu.vector_store %arg24[%swap3A_1038, %swap3A_1039], %swap3A_1042 {strides = array<i32>} : memref<800x64xf32, #tpu.memory_space<vmem>>, vector<1x16xf32>,
        %get3A_1043 = arith.index_cast %rem3A_1022 : i32 to index
        %get3A_1044 = arith.constant 16 : index
        %get3A_1045 = tpu.vector_load %arg25[%get3A_1043, %get3A_1044] {strides = array<i32>} : memref<200x64xf32, #tpu.memory_space<vmem>>, vector<1x16xf32>,
        %get3A_1046 = vector.shape_cast %get3A_1045 : vector<1x16xf32> to vector<16xf32>
        %add3A_1047 = arith.addf %get3A_1046, %add3A_39 : vector<16xf32>
        %mul3A_1048 = vector.broadcast %squeeze3A_1024 : f32 to vector<16xf32>
        %mul3A_1049 = arith.mulf %mul3A_1048, %sub3A_78 : vector<16xf32>
        %add3A_1050 = arith.addf %add3A_1047, %mul3A_1049 : vector<16xf32>
        %mul3A_1051 = vector.broadcast %squeeze3A_1026 : f32 to vector<16xf32>
        %mul3A_1052 = arith.mulf %mul3A_1051, %get3A_11 : vector<16xf32>
        %add3A_1053 = arith.addf %add3A_1050, %mul3A_1052 : vector<16xf32>
        %swap3A_1054 = arith.index_cast %add3A_1020 : i32 to index
        %swap3A_1055 = arith.constant 16 : index
        %swap3A_1056 = tpu.vector_load %arg24[%swap3A_1054, %swap3A_1055] {strides = array<i32>} : memref<800x64xf32, #tpu.memory_space<vmem>>, vector<1x16xf32>,
        %swap3A_1057 = vector.shape_cast %swap3A_1056 : vector<1x16xf32> to vector<16xf32>
        %swap3A_1058 = vector.shape_cast %add3A_1053 : vector<16xf32> to vector<1x16xf32>
        tpu.vector_store %arg24[%swap3A_1054, %swap3A_1055], %swap3A_1058 {strides = array<i32>} : memref<800x64xf32, #tpu.memory_space<vmem>>, vector<1x16xf32>,
        %get3A_1059 = arith.index_cast %rem3A_1022 : i32 to index
        %get3A_1060 = arith.constant 32 : index
        %get3A_1061 = tpu.vector_load %arg25[%get3A_1059, %get3A_1060] {strides = array<i32>} : memref<200x64xf32, #tpu.memory_space<vmem>>, vector<1x16xf32>,
        %get3A_1062 = vector.shape_cast %get3A_1061 : vector<1x16xf32> to vector<16xf32>
        %add3A_1063 = arith.addf %get3A_1062, %add3A_48 : vector<16xf32>
        %mul3A_1064 = vector.broadcast %squeeze3A_1024 : f32 to vector<16xf32>
        %mul3A_1065 = arith.mulf %mul3A_1064, %sub3A_89 : vector<16xf32>
        %add3A_1066 = arith.addf %add3A_1063, %mul3A_1065 : vector<16xf32>
        %mul3A_1067 = vector.broadcast %squeeze3A_1026 : f32 to vector<16xf32>
        %mul3A_1068 = arith.mulf %mul3A_1067, %get3A_16 : vector<16xf32>
        %add3A_1069 = arith.addf %add3A_1066, %mul3A_1068 : vector<16xf32>
        %swap3A_1070 = arith.index_cast %add3A_1020 : i32 to index
        %swap3A_1071 = arith.constant 32 : index
        %swap3A_1072 = tpu.vector_load %arg24[%swap3A_1070, %swap3A_1071] {strides = array<i32>} : memref<800x64xf32, #tpu.memory_space<vmem>>, vector<1x16xf32>,
        %swap3A_1073 = vector.shape_cast %swap3A_1072 : vector<1x16xf32> to vector<16xf32>
        %swap3A_1074 = vector.shape_cast %add3A_1069 : vector<16xf32> to vector<1x16xf32>
        tpu.vector_store %arg24[%swap3A_1070, %swap3A_1071], %swap3A_1074 {strides = array<i32>} : memref<800x64xf32, #tpu.memory_space<vmem>>, vector<1x16xf32>,
        %get3A_1075 = arith.index_cast %rem3A_1022 : i32 to index
        %get3A_1076 = arith.constant 48 : index
        %get3A_1077 = tpu.vector_load %arg25[%get3A_1075, %get3A_1076] {strides = array<i32>} : memref<200x64xf32, #tpu.memory_space<vmem>>, vector<1x16xf32>,
        %get3A_1078 = vector.shape_cast %get3A_1077 : vector<1x16xf32> to vector<16xf32>
        %add3A_1079 = arith.addf %get3A_1078, %add3A_57 : vector<16xf32>
        %mul3A_1080 = vector.broadcast %squeeze3A_1024 : f32 to vector<16xf32>
        %mul3A_1081 = arith.mulf %mul3A_1080, %sub3A_100 : vector<16xf32>
        %add3A_1082 = arith.addf %add3A_1079, %mul3A_1081 : vector<16xf32>
        %mul3A_1083 = vector.broadcast %squeeze3A_1026 : f32 to vector<16xf32>
        %mul3A_1084 = arith.mulf %mul3A_1083, %get3A_21 : vector<16xf32>
        %add3A_1085 = arith.addf %add3A_1082, %mul3A_1084 : vector<16xf32>
        %swap3A_1086 = arith.index_cast %add3A_1020 : i32 to index
        %swap3A_1087 = arith.constant 48 : index
        %swap3A_1088 = tpu.vector_load %arg24[%swap3A_1086, %swap3A_1087] {strides = array<i32>} : memref<800x64xf32, #tpu.memory_space<vmem>>, vector<1x16xf32>,
        %swap3A_1089 = vector.shape_cast %swap3A_1088 : vector<1x16xf32> to vector<16xf32>
        %swap3A_1090 = vector.shape_cast %add3A_1085 : vector<16xf32> to vector<1x16xf32>
        tpu.vector_store %arg24[%swap3A_1086, %swap3A_1087], %swap3A_1090 {strides = array<i32>} : memref<800x64xf32, #tpu.memory_space<vmem>>, vector<1x16xf32>,
        %add3A_1091 = arith.constant 13 : i32
        %add3A_1092 = arith.addi %mul3A_152, %add3A_1091 : i32
        %rem3A_1093 = arith.constant 200 : i32
        %rem3A_1094 = arith.remsi %add3A_1092, %rem3A_1093 : i32
        %slice3A_1095 = vector.extract_strided_slice %get3A_155 {offsets = [13], sizes = [1], strides = [1]} : vector<16xf32> to vector<1xf32>
        %squeeze3A_1096 = vector.extract %slice3A_1095[0] : f32 from vector<1xf32>
        %slice3A_1097 = vector.extract_strided_slice %get3A_158 {offsets = [13], sizes = [1], strides = [1]} : vector<16xf32> to vector<1xf32>
        %squeeze3A_1098 = vector.extract %slice3A_1097[0] : f32 from vector<1xf32>
        %get3A_1099 = arith.index_cast %rem3A_1094 : i32 to index
        %get3A_1100 = arith.constant 0 : index
        %get3A_1101 = tpu.vector_load %arg25[%get3A_1099, %get3A_1100] {strides = array<i32>} : memref<200x64xf32, #tpu.memory_space<vmem>>, vector<1x16xf32>,
        %get3A_1102 = vector.shape_cast %get3A_1101 : vector<1x16xf32> to vector<16xf32>
        %add3A_1103 = arith.addf %get3A_1102, %add3A_30 : vector<16xf32>
        %mul3A_1104 = vector.broadcast %squeeze3A_1096 : f32 to vector<16xf32>
        %mul3A_1105 = arith.mulf %mul3A_1104, %sub3A : vector<16xf32>
        %add3A_1106 = arith.addf %add3A_1103, %mul3A_1105 : vector<16xf32>
        %mul3A_1107 = vector.broadcast %squeeze3A_1098 : f32 to vector<16xf32>
        %mul3A_1108 = arith.mulf %mul3A_1107, %get3A_6 : vector<16xf32>
        %add3A_1109 = arith.addf %add3A_1106, %mul3A_1108 : vector<16xf32>
        %swap3A_1110 = arith.index_cast %add3A_1092 : i32 to index
        %swap3A_1111 = arith.constant 0 : index
        %swap3A_1112 = tpu.vector_load %arg24[%swap3A_1110, %swap3A_1111] {strides = array<i32>} : memref<800x64xf32, #tpu.memory_space<vmem>>, vector<1x16xf32>,
        %swap3A_1113 = vector.shape_cast %swap3A_1112 : vector<1x16xf32> to vector<16xf32>
        %swap3A_1114 = vector.shape_cast %add3A_1109 : vector<16xf32> to vector<1x16xf32>
        tpu.vector_store %arg24[%swap3A_1110, %swap3A_1111], %swap3A_1114 {strides = array<i32>} : memref<800x64xf32, #tpu.memory_space<vmem>>, vector<1x16xf32>,
        %get3A_1115 = arith.index_cast %rem3A_1094 : i32 to index
        %get3A_1116 = arith.constant 16 : index
        %get3A_1117 = tpu.vector_load %arg25[%get3A_1115, %get3A_1116] {strides = array<i32>} : memref<200x64xf32, #tpu.memory_space<vmem>>, vector<1x16xf32>,
        %get3A_1118 = vector.shape_cast %get3A_1117 : vector<1x16xf32> to vector<16xf32>
        %add3A_1119 = arith.addf %get3A_1118, %add3A_39 : vector<16xf32>
        %mul3A_1120 = vector.broadcast %squeeze3A_1096 : f32 to vector<16xf32>
        %mul3A_1121 = arith.mulf %mul3A_1120, %sub3A_78 : vector<16xf32>
        %add3A_1122 = arith.addf %add3A_1119, %mul3A_1121 : vector<16xf32>
        %mul3A_1123 = vector.broadcast %squeeze3A_1098 : f32 to vector<16xf32>
        %mul3A_1124 = arith.mulf %mul3A_1123, %get3A_11 : vector<16xf32>
        %add3A_1125 = arith.addf %add3A_1122, %mul3A_1124 : vector<16xf32>
        %swap3A_1126 = arith.index_cast %add3A_1092 : i32 to index
        %swap3A_1127 = arith.constant 16 : index
        %swap3A_1128 = tpu.vector_load %arg24[%swap3A_1126, %swap3A_1127] {strides = array<i32>} : memref<800x64xf32, #tpu.memory_space<vmem>>, vector<1x16xf32>,
        %swap3A_1129 = vector.shape_cast %swap3A_1128 : vector<1x16xf32> to vector<16xf32>
        %swap3A_1130 = vector.shape_cast %add3A_1125 : vector<16xf32> to vector<1x16xf32>
        tpu.vector_store %arg24[%swap3A_1126, %swap3A_1127], %swap3A_1130 {strides = array<i32>} : memref<800x64xf32, #tpu.memory_space<vmem>>, vector<1x16xf32>,
        %get3A_1131 = arith.index_cast %rem3A_1094 : i32 to index
        %get3A_1132 = arith.constant 32 : index
        %get3A_1133 = tpu.vector_load %arg25[%get3A_1131, %get3A_1132] {strides = array<i32>} : memref<200x64xf32, #tpu.memory_space<vmem>>, vector<1x16xf32>,
        %get3A_1134 = vector.shape_cast %get3A_1133 : vector<1x16xf32> to vector<16xf32>
        %add3A_1135 = arith.addf %get3A_1134, %add3A_48 : vector<16xf32>
        %mul3A_1136 = vector.broadcast %squeeze3A_1096 : f32 to vector<16xf32>
        %mul3A_1137 = arith.mulf %mul3A_1136, %sub3A_89 : vector<16xf32>
        %add3A_1138 = arith.addf %add3A_1135, %mul3A_1137 : vector<16xf32>
        %mul3A_1139 = vector.broadcast %squeeze3A_1098 : f32 to vector<16xf32>
        %mul3A_1140 = arith.mulf %mul3A_1139, %get3A_16 : vector<16xf32>
        %add3A_1141 = arith.addf %add3A_1138, %mul3A_1140 : vector<16xf32>
        %swap3A_1142 = arith.index_cast %add3A_1092 : i32 to index
        %swap3A_1143 = arith.constant 32 : index
        %swap3A_1144 = tpu.vector_load %arg24[%swap3A_1142, %swap3A_1143] {strides = array<i32>} : memref<800x64xf32, #tpu.memory_space<vmem>>, vector<1x16xf32>,
        %swap3A_1145 = vector.shape_cast %swap3A_1144 : vector<1x16xf32> to vector<16xf32>
        %swap3A_1146 = vector.shape_cast %add3A_1141 : vector<16xf32> to vector<1x16xf32>
        tpu.vector_store %arg24[%swap3A_1142, %swap3A_1143], %swap3A_1146 {strides = array<i32>} : memref<800x64xf32, #tpu.memory_space<vmem>>, vector<1x16xf32>,
        %get3A_1147 = arith.index_cast %rem3A_1094 : i32 to index
        %get3A_1148 = arith.constant 48 : index
        %get3A_1149 = tpu.vector_load %arg25[%get3A_1147, %get3A_1148] {strides = array<i32>} : memref<200x64xf32, #tpu.memory_space<vmem>>, vector<1x16xf32>,
        %get3A_1150 = vector.shape_cast %get3A_1149 : vector<1x16xf32> to vector<16xf32>
        %add3A_1151 = arith.addf %get3A_1150, %add3A_57 : vector<16xf32>
        %mul3A_1152 = vector.broadcast %squeeze3A_1096 : f32 to vector<16xf32>
        %mul3A_1153 = arith.mulf %mul3A_1152, %sub3A_100 : vector<16xf32>
        %add3A_1154 = arith.addf %add3A_1151, %mul3A_1153 : vector<16xf32>
        %mul3A_1155 = vector.broadcast %squeeze3A_1098 : f32 to vector<16xf32>
        %mul3A_1156 = arith.mulf %mul3A_1155, %get3A_21 : vector<16xf32>
        %add3A_1157 = arith.addf %add3A_1154, %mul3A_1156 : vector<16xf32>
        %swap3A_1158 = arith.index_cast %add3A_1092 : i32 to index
        %swap3A_1159 = arith.constant 48 : index
        %swap3A_1160 = tpu.vector_load %arg24[%swap3A_1158, %swap3A_1159] {strides = array<i32>} : memref<800x64xf32, #tpu.memory_space<vmem>>, vector<1x16xf32>,
        %swap3A_1161 = vector.shape_cast %swap3A_1160 : vector<1x16xf32> to vector<16xf32>
        %swap3A_1162 = vector.shape_cast %add3A_1157 : vector<16xf32> to vector<1x16xf32>
        tpu.vector_store %arg24[%swap3A_1158, %swap3A_1159], %swap3A_1162 {strides = array<i32>} : memref<800x64xf32, #tpu.memory_space<vmem>>, vector<1x16xf32>,
        %add3A_1163 = arith.constant 14 : i32
        %add3A_1164 = arith.addi %mul3A_152, %add3A_1163 : i32
        %rem3A_1165 = arith.constant 200 : i32
        %rem3A_1166 = arith.remsi %add3A_1164, %rem3A_1165 : i32
        %slice3A_1167 = vector.extract_strided_slice %get3A_155 {offsets = [14], sizes = [1], strides = [1]} : vector<16xf32> to vector<1xf32>
        %squeeze3A_1168 = vector.extract %slice3A_1167[0] : f32 from vector<1xf32>
        %slice3A_1169 = vector.extract_strided_slice %get3A_158 {offsets = [14], sizes = [1], strides = [1]} : vector<16xf32> to vector<1xf32>
        %squeeze3A_1170 = vector.extract %slice3A_1169[0] : f32 from vector<1xf32>
        %get3A_1171 = arith.index_cast %rem3A_1166 : i32 to index
        %get3A_1172 = arith.constant 0 : index
        %get3A_1173 = tpu.vector_load %arg25[%get3A_1171, %get3A_1172] {strides = array<i32>} : memref<200x64xf32, #tpu.memory_space<vmem>>, vector<1x16xf32>,
        %get3A_1174 = vector.shape_cast %get3A_1173 : vector<1x16xf32> to vector<16xf32>
        %add3A_1175 = arith.addf %get3A_1174, %add3A_30 : vector<16xf32>
        %mul3A_1176 = vector.broadcast %squeeze3A_1168 : f32 to vector<16xf32>
        %mul3A_1177 = arith.mulf %mul3A_1176, %sub3A : vector<16xf32>
        %add3A_1178 = arith.addf %add3A_1175, %mul3A_1177 : vector<16xf32>
        %mul3A_1179 = vector.broadcast %squeeze3A_1170 : f32 to vector<16xf32>
        %mul3A_1180 = arith.mulf %mul3A_1179, %get3A_6 : vector<16xf32>
        %add3A_1181 = arith.addf %add3A_1178, %mul3A_1180 : vector<16xf32>
        %swap3A_1182 = arith.index_cast %add3A_1164 : i32 to index
        %swap3A_1183 = arith.constant 0 : index
        %swap3A_1184 = tpu.vector_load %arg24[%swap3A_1182, %swap3A_1183] {strides = array<i32>} : memref<800x64xf32, #tpu.memory_space<vmem>>, vector<1x16xf32>,
        %swap3A_1185 = vector.shape_cast %swap3A_1184 : vector<1x16xf32> to vector<16xf32>
        %swap3A_1186 = vector.shape_cast %add3A_1181 : vector<16xf32> to vector<1x16xf32>
        tpu.vector_store %arg24[%swap3A_1182, %swap3A_1183], %swap3A_1186 {strides = array<i32>} : memref<800x64xf32, #tpu.memory_space<vmem>>, vector<1x16xf32>,
        %get3A_1187 = arith.index_cast %rem3A_1166 : i32 to index
        %get3A_1188 = arith.constant 16 : index
        %get3A_1189 = tpu.vector_load %arg25[%get3A_1187, %get3A_1188] {strides = array<i32>} : memref<200x64xf32, #tpu.memory_space<vmem>>, vector<1x16xf32>,
        %get3A_1190 = vector.shape_cast %get3A_1189 : vector<1x16xf32> to vector<16xf32>
        %add3A_1191 = arith.addf %get3A_1190, %add3A_39 : vector<16xf32>
        %mul3A_1192 = vector.broadcast %squeeze3A_1168 : f32 to vector<16xf32>
        %mul3A_1193 = arith.mulf %mul3A_1192, %sub3A_78 : vector<16xf32>
        %add3A_1194 = arith.addf %add3A_1191, %mul3A_1193 : vector<16xf32>
        %mul3A_1195 = vector.broadcast %squeeze3A_1170 : f32 to vector<16xf32>
        %mul3A_1196 = arith.mulf %mul3A_1195, %get3A_11 : vector<16xf32>
        %add3A_1197 = arith.addf %add3A_1194, %mul3A_1196 : vector<16xf32>
        %swap3A_1198 = arith.index_cast %add3A_1164 : i32 to index
        %swap3A_1199 = arith.constant 16 : index
        %swap3A_1200 = tpu.vector_load %arg24[%swap3A_1198, %swap3A_1199] {strides = array<i32>} : memref<800x64xf32, #tpu.memory_space<vmem>>, vector<1x16xf32>,
        %swap3A_1201 = vector.shape_cast %swap3A_1200 : vector<1x16xf32> to vector<16xf32>
        %swap3A_1202 = vector.shape_cast %add3A_1197 : vector<16xf32> to vector<1x16xf32>
        tpu.vector_store %arg24[%swap3A_1198, %swap3A_1199], %swap3A_1202 {strides = array<i32>} : memref<800x64xf32, #tpu.memory_space<vmem>>, vector<1x16xf32>,
        %get3A_1203 = arith.index_cast %rem3A_1166 : i32 to index
        %get3A_1204 = arith.constant 32 : index
        %get3A_1205 = tpu.vector_load %arg25[%get3A_1203, %get3A_1204] {strides = array<i32>} : memref<200x64xf32, #tpu.memory_space<vmem>>, vector<1x16xf32>,
        %get3A_1206 = vector.shape_cast %get3A_1205 : vector<1x16xf32> to vector<16xf32>
        %add3A_1207 = arith.addf %get3A_1206, %add3A_48 : vector<16xf32>
        %mul3A_1208 = vector.broadcast %squeeze3A_1168 : f32 to vector<16xf32>
        %mul3A_1209 = arith.mulf %mul3A_1208, %sub3A_89 : vector<16xf32>
        %add3A_1210 = arith.addf %add3A_1207, %mul3A_1209 : vector<16xf32>
        %mul3A_1211 = vector.broadcast %squeeze3A_1170 : f32 to vector<16xf32>
        %mul3A_1212 = arith.mulf %mul3A_1211, %get3A_16 : vector<16xf32>
        %add3A_1213 = arith.addf %add3A_1210, %mul3A_1212 : vector<16xf32>
        %swap3A_1214 = arith.index_cast %add3A_1164 : i32 to index
        %swap3A_1215 = arith.constant 32 : index
        %swap3A_1216 = tpu.vector_load %arg24[%swap3A_1214, %swap3A_1215] {strides = array<i32>} : memref<800x64xf32, #tpu.memory_space<vmem>>, vector<1x16xf32>,
        %swap3A_1217 = vector.shape_cast %swap3A_1216 : vector<1x16xf32> to vector<16xf32>
        %swap3A_1218 = vector.shape_cast %add3A_1213 : vector<16xf32> to vector<1x16xf32>
        tpu.vector_store %arg24[%swap3A_1214, %swap3A_1215], %swap3A_1218 {strides = array<i32>} : memref<800x64xf32, #tpu.memory_space<vmem>>, vector<1x16xf32>,
        %get3A_1219 = arith.index_cast %rem3A_1166 : i32 to index
        %get3A_1220 = arith.constant 48 : index
        %get3A_1221 = tpu.vector_load %arg25[%get3A_1219, %get3A_1220] {strides = array<i32>} : memref<200x64xf32, #tpu.memory_space<vmem>>, vector<1x16xf32>,
        %get3A_1222 = vector.shape_cast %get3A_1221 : vector<1x16xf32> to vector<16xf32>
        %add3A_1223 = arith.addf %get3A_1222, %add3A_57 : vector<16xf32>
        %mul3A_1224 = vector.broadcast %squeeze3A_1168 : f32 to vector<16xf32>
        %mul3A_1225 = arith.mulf %mul3A_1224, %sub3A_100 : vector<16xf32>
        %add3A_1226 = arith.addf %add3A_1223, %mul3A_1225 : vector<16xf32>
        %mul3A_1227 = vector.broadcast %squeeze3A_1170 : f32 to vector<16xf32>
        %mul3A_1228 = arith.mulf %mul3A_1227, %get3A_21 : vector<16xf32>
        %add3A_1229 = arith.addf %add3A_1226, %mul3A_1228 : vector<16xf32>
        %swap3A_1230 = arith.index_cast %add3A_1164 : i32 to index
        %swap3A_1231 = arith.constant 48 : index
        %swap3A_1232 = tpu.vector_load %arg24[%swap3A_1230, %swap3A_1231] {strides = array<i32>} : memref<800x64xf32, #tpu.memory_space<vmem>>, vector<1x16xf32>,
        %swap3A_1233 = vector.shape_cast %swap3A_1232 : vector<1x16xf32> to vector<16xf32>
        %swap3A_1234 = vector.shape_cast %add3A_1229 : vector<16xf32> to vector<1x16xf32>
        tpu.vector_store %arg24[%swap3A_1230, %swap3A_1231], %swap3A_1234 {strides = array<i32>} : memref<800x64xf32, #tpu.memory_space<vmem>>, vector<1x16xf32>,
        %add3A_1235 = arith.constant 15 : i32
        %add3A_1236 = arith.addi %mul3A_152, %add3A_1235 : i32
        %rem3A_1237 = arith.constant 200 : i32
        %rem3A_1238 = arith.remsi %add3A_1236, %rem3A_1237 : i32
        %slice3A_1239 = vector.extract_strided_slice %get3A_155 {offsets = [15], sizes = [1], strides = [1]} : vector<16xf32> to vector<1xf32>
        %squeeze3A_1240 = vector.extract %slice3A_1239[0] : f32 from vector<1xf32>
        %slice3A_1241 = vector.extract_strided_slice %get3A_158 {offsets = [15], sizes = [1], strides = [1]} : vector<16xf32> to vector<1xf32>
        %squeeze3A_1242 = vector.extract %slice3A_1241[0] : f32 from vector<1xf32>
        %get3A_1243 = arith.index_cast %rem3A_1238 : i32 to index
        %get3A_1244 = arith.constant 0 : index
        %get3A_1245 = tpu.vector_load %arg25[%get3A_1243, %get3A_1244] {strides = array<i32>} : memref<200x64xf32, #tpu.memory_space<vmem>>, vector<1x16xf32>,
        %get3A_1246 = vector.shape_cast %get3A_1245 : vector<1x16xf32> to vector<16xf32>
        %add3A_1247 = arith.addf %get3A_1246, %add3A_30 : vector<16xf32>
        %mul3A_1248 = vector.broadcast %squeeze3A_1240 : f32 to vector<16xf32>
        %mul3A_1249 = arith.mulf %mul3A_1248, %sub3A : vector<16xf32>
        %add3A_1250 = arith.addf %add3A_1247, %mul3A_1249 : vector<16xf32>
        %mul3A_1251 = vector.broadcast %squeeze3A_1242 : f32 to vector<16xf32>
        %mul3A_1252 = arith.mulf %mul3A_1251, %get3A_6 : vector<16xf32>
        %add3A_1253 = arith.addf %add3A_1250, %mul3A_1252 : vector<16xf32>
        %swap3A_1254 = arith.index_cast %add3A_1236 : i32 to index
        %swap3A_1255 = arith.constant 0 : index
        %swap3A_1256 = tpu.vector_load %arg24[%swap3A_1254, %swap3A_1255] {strides = array<i32>} : memref<800x64xf32, #tpu.memory_space<vmem>>, vector<1x16xf32>,
        %swap3A_1257 = vector.shape_cast %swap3A_1256 : vector<1x16xf32> to vector<16xf32>
        %swap3A_1258 = vector.shape_cast %add3A_1253 : vector<16xf32> to vector<1x16xf32>
        tpu.vector_store %arg24[%swap3A_1254, %swap3A_1255], %swap3A_1258 {strides = array<i32>} : memref<800x64xf32, #tpu.memory_space<vmem>>, vector<1x16xf32>,
        %get3A_1259 = arith.index_cast %rem3A_1238 : i32 to index
        %get3A_1260 = arith.constant 16 : index
        %get3A_1261 = tpu.vector_load %arg25[%get3A_1259, %get3A_1260] {strides = array<i32>} : memref<200x64xf32, #tpu.memory_space<vmem>>, vector<1x16xf32>,
        %get3A_1262 = vector.shape_cast %get3A_1261 : vector<1x16xf32> to vector<16xf32>
        %add3A_1263 = arith.addf %get3A_1262, %add3A_39 : vector<16xf32>
        %mul3A_1264 = vector.broadcast %squeeze3A_1240 : f32 to vector<16xf32>
        %mul3A_1265 = arith.mulf %mul3A_1264, %sub3A_78 : vector<16xf32>
        %add3A_1266 = arith.addf %add3A_1263, %mul3A_1265 : vector<16xf32>
        %mul3A_1267 = vector.broadcast %squeeze3A_1242 : f32 to vector<16xf32>
        %mul3A_1268 = arith.mulf %mul3A_1267, %get3A_11 : vector<16xf32>
        %add3A_1269 = arith.addf %add3A_1266, %mul3A_1268 : vector<16xf32>
        %swap3A_1270 = arith.index_cast %add3A_1236 : i32 to index
        %swap3A_1271 = arith.constant 16 : index
        %swap3A_1272 = tpu.vector_load %arg24[%swap3A_1270, %swap3A_1271] {strides = array<i32>} : memref<800x64xf32, #tpu.memory_space<vmem>>, vector<1x16xf32>,
        %swap3A_1273 = vector.shape_cast %swap3A_1272 : vector<1x16xf32> to vector<16xf32>
        %swap3A_1274 = vector.shape_cast %add3A_1269 : vector<16xf32> to vector<1x16xf32>
        tpu.vector_store %arg24[%swap3A_1270, %swap3A_1271], %swap3A_1274 {strides = array<i32>} : memref<800x64xf32, #tpu.memory_space<vmem>>, vector<1x16xf32>,
        %get3A_1275 = arith.index_cast %rem3A_1238 : i32 to index
        %get3A_1276 = arith.constant 32 : index
        %get3A_1277 = tpu.vector_load %arg25[%get3A_1275, %get3A_1276] {strides = array<i32>} : memref<200x64xf32, #tpu.memory_space<vmem>>, vector<1x16xf32>,
        %get3A_1278 = vector.shape_cast %get3A_1277 : vector<1x16xf32> to vector<16xf32>
        %add3A_1279 = arith.addf %get3A_1278, %add3A_48 : vector<16xf32>
        %mul3A_1280 = vector.broadcast %squeeze3A_1240 : f32 to vector<16xf32>
        %mul3A_1281 = arith.mulf %mul3A_1280, %sub3A_89 : vector<16xf32>
        %add3A_1282 = arith.addf %add3A_1279, %mul3A_1281 : vector<16xf32>
        %mul3A_1283 = vector.broadcast %squeeze3A_1242 : f32 to vector<16xf32>
        %mul3A_1284 = arith.mulf %mul3A_1283, %get3A_16 : vector<16xf32>
        %add3A_1285 = arith.addf %add3A_1282, %mul3A_1284 : vector<16xf32>
        %swap3A_1286 = arith.index_cast %add3A_1236 : i32 to index
        %swap3A_1287 = arith.constant 32 : index
        %swap3A_1288 = tpu.vector_load %arg24[%swap3A_1286, %swap3A_1287] {strides = array<i32>} : memref<800x64xf32, #tpu.memory_space<vmem>>, vector<1x16xf32>,
        %swap3A_1289 = vector.shape_cast %swap3A_1288 : vector<1x16xf32> to vector<16xf32>
        %swap3A_1290 = vector.shape_cast %add3A_1285 : vector<16xf32> to vector<1x16xf32>
        tpu.vector_store %arg24[%swap3A_1286, %swap3A_1287], %swap3A_1290 {strides = array<i32>} : memref<800x64xf32, #tpu.memory_space<vmem>>, vector<1x16xf32>,
        %get3A_1291 = arith.index_cast %rem3A_1238 : i32 to index
        %get3A_1292 = arith.constant 48 : index
        %get3A_1293 = tpu.vector_load %arg25[%get3A_1291, %get3A_1292] {strides = array<i32>} : memref<200x64xf32, #tpu.memory_space<vmem>>, vector<1x16xf32>,
        %get3A_1294 = vector.shape_cast %get3A_1293 : vector<1x16xf32> to vector<16xf32>
        %add3A_1295 = arith.addf %get3A_1294, %add3A_57 : vector<16xf32>
        %mul3A_1296 = vector.broadcast %squeeze3A_1240 : f32 to vector<16xf32>
        %mul3A_1297 = arith.mulf %mul3A_1296, %sub3A_100 : vector<16xf32>
        %add3A_1298 = arith.addf %add3A_1295, %mul3A_1297 : vector<16xf32>
        %mul3A_1299 = vector.broadcast %squeeze3A_1242 : f32 to vector<16xf32>
        %mul3A_1300 = arith.mulf %mul3A_1299, %get3A_21 : vector<16xf32>
        %add3A_1301 = arith.addf %add3A_1298, %mul3A_1300 : vector<16xf32>
        %swap3A_1302 = arith.index_cast %add3A_1236 : i32 to index
        %swap3A_1303 = arith.constant 48 : index
        %swap3A_1304 = tpu.vector_load %arg24[%swap3A_1302, %swap3A_1303] {strides = array<i32>} : memref<800x64xf32, #tpu.memory_space<vmem>>, vector<1x16xf32>,
        %swap3A_1305 = vector.shape_cast %swap3A_1304 : vector<1x16xf32> to vector<16xf32>
        %swap3A_1306 = vector.shape_cast %add3A_1301 : vector<16xf32> to vector<1x16xf32>
        tpu.vector_store %arg24[%swap3A_1302, %swap3A_1303], %swap3A_1306 {strides = array<i32>} : memref<800x64xf32, #tpu.memory_space<vmem>>, vector<1x16xf32>,
        %scan3A_1307 = arith.constant 0 : i32
        scf.yield %scan3A_1307 : i32
      }
      %scan3A_147 = arith.constant 50 : i32
      "tpu.region"() ({
        %run_scoped3A = tpu.sem_alloc : memref<!tpu.dma_semaphore, #tpu.memory_space<semaphore_mem>>
        %dma_start3A_149 = arith.constant 0 : i32
        %dma_start3A_150 = tpu.memref_slice %arg15[%add3A_111, %dma_start3A_149] : memref<204800x64xf32, #tpu.memory_space<hbm>> -> memref<800x64xf32, #tpu.memory_space<hbm>>
        %dma_start3A_151 = arith.constant 0 : i32
        %dma_start3A_152 = tpu.memref_slice %arg15[%add3A_111, %dma_start3A_151] : memref<204800x64xf32, #tpu.memory_space<hbm>> -> memref<800x64xf32, #tpu.memory_space<hbm>>
        tpu.enqueue_dma source(%arg24 : memref<800x64xf32, #tpu.memory_space<vmem>>) target(%dma_start3A_152 : memref<800x64xf32, #tpu.memory_space<hbm>>) target_semaphore(%run_scoped3A : memref<!tpu.dma_semaphore, #tpu.memory_space<semaphore_mem>>)
        %dma_wait3A_153 = arith.constant 0 : i32
        %dma_wait3A_154 = tpu.memref_slice %arg15[%add3A_111, %dma_wait3A_153] : memref<204800x64xf32, #tpu.memory_space<hbm>> -> memref<800x64xf32, #tpu.memory_space<hbm>>
        %dma_wait3A_155 = arith.constant 0 : i32
        %dma_wait3A_156 = tpu.memref_slice %arg15[%add3A_111, %dma_wait3A_155] : memref<204800x64xf32, #tpu.memory_space<hbm>> -> memref<800x64xf32, #tpu.memory_space<hbm>>
        tpu.wait_dma2 semaphore(%run_scoped3A : memref<!tpu.dma_semaphore, #tpu.memory_space<semaphore_mem>>) src(%arg24 : memref<800x64xf32, #tpu.memory_space<vmem>>) dst(%dma_wait3A_156 : memref<800x64xf32, #tpu.memory_space<hbm>>)
        tpu.yield
      }) : () -> ()
      %scan3A_148 = arith.constant 0 : i32
      scf.yield %scan3A_148 : i32
    }
    %scan3A_106 = arith.constant 8 : i32
    return
  }
}

</mosaic_0001>

<sc_bundles>
// kernel: _run.3.cloned.1.call-start
scs
__scs_entry_jumppad:
0x0: {  	(pc) =	sbr.rel $0x88, $3  }
0x1: {  	(tag) =	ssettag $0x0;
	lr =	simm.s32 $0x1  }
0x2: {  	[smem:$0x3F95] =	sst lr;
	_ =	strace $0xD0000000  }
0x3: {  	_ = 	snop  }
0x4: {  	_ = 	snop  }
0x5: {  	_ = 	snop  }
0x6: {  	_ = 	snop  }
0x7: {  	_ = 	snop  }
__scs_overlays_trampoline_lowered:
0x8: {  	[smem:$0x3FA4] =	sst s0  }
0x9: {  	[smem:$0x3FA5] =	sst s1  }
0xa: {  	[smem:$0x3FA6] =	sst s2  }
0xb: {  	[smem:$0x3FA7] =	sst s3  }
0xc: {  	[smem:$0x3FA8] =	sst s4  }
0xd: {  	[smem:$0x3FA9] =	sst s5  }
0xe: {  	[smem:$0x3FAA] =	sst s6  }
0xf: {  	[smem:$0x3FAB] =	sst s7  }
0x10: {  	[smem:$0x3FAC] =	sst s8  }
0x11: {  	[smem:$0x3FAD] =	sst s9;
	s0 =	simm.s32 @!p0 $0x0  }
0x12: {  	s1 =	sld [smem:$0x3F93];
	s0 =	simm.s32 @p0 $0x1  }
0x13: {  	[smem:$0x3FAE] =	sst s0;
	s0 =	simm.s32 @!p1 $0x0  }
0x14: {  	s2 =	sld [smem:$0x3F92];
	s0 =	simm.s32 @p1 $0x1  }
0x15: {  	[smem:$0x3FAF] =	sst s0;
	s0 =	simm.s32 @!p2 $0x0  }
0x16: {  	s3 =	sld [smem:$0x3FDB];
	s0 =	simm.s32 @p2 $0x1  }
0x17: {  	s4 =	simm.s32 $0x1BF5;
	[smem:$0x3FB1] =	sst s0  }
0x18: {  	s0 =	sld [smem:$0x3F94];
	_ =	swait.ge [sflag:s4], $0x0  }
0x19: {  	s7 =	sld [smem:$0x3F95]  }
0x1a: {  	s8 =	sadd.s32 $0xFFFFE003, lr  }
0x1b: {  	s9 =	sadd.s32 $0xFFFFFEF7, lr;
	s5 =	simm.s32 $0xFFFFFFFF;
	p2 =	slt.u32 s8, $0xFFFFF086  }
0x1c: {  	p1 =	slt.u32 s9, $0xF7A;
	s5 =	simm.s32 @!p2 $0x0  }
0x1d: {  	s5 =	simm.s32 @p1 $0x1;
	p0 =	seq.s32 s7, s2  }
0x1e: {  	s7 =	smul.u32 @!p0 $0xF7A, s2;
	p2 =	seq.s32 @!p0 s5, $0x0  }
0x1f: {  	s9 =	smul.u32 $0xF7A, s1;
	s8 =	simm.s32 @!p0 $0x1BF5;
	p2 =	por !p2, p0  }
0x20: {  	[sflag:s8] =	ssyncset.s32 @!p0 $0xFFFFF086;
	s6 =	sadd.s32 @!p0 s3, s7;
	s7 =	simm.s32 @!p0 $0x108  }
0x21: {  	s3 =	sadd.s32 s3, s9;
	s6 =	sadd.s32 @!p0 $0x88, s6;
	s7 =	simm.s32 @p2 $0x1082  }
0x22: {  	[simem:s7], [sflag:s8] =	dma.local @!p0 [hbm:s6], $0xF7A  }
0x23: {  	s9 =	sor.u32 $0xD0000000, s2;
	s6 =	simm.s32 $0x108;
	_ =	swait.ge @!p0 [sflag:s8], $0x0  }
0x24: {  	s3 =	sadd.s32 $0x88, s3;
	s6 =	simm.s32 @!p1 $0x1082;
	[sflag:s4] =	ssyncset.s32 $0xFFFFF086  }
0x25: {  	[simem:s6], [sflag:s4] =	dma.local [hbm:s3], $0xF7A  }
0x26: {  	[smem:$0x3F95] =	sst s1;
	(tag) =	ssettag s2;
	_ =	strace s9  }
0x27: {  	s1 =	sld [smem:$0x3FA5]  }
0x28: {  	s2 =	sld [smem:$0x3FA6]  }
0x29: {  	s4 =	sld [smem:$0x3FA8]  }
0x2a: {  	p0 =	seq.s32 s5, $0x0;
	s5 =	sld [smem:$0x3FA9]  }
0x2b: {  	s6 =	sld [smem:$0x3FAA]  }
0x2c: {  	s7 =	sld [smem:$0x3FAB]  }
0x2d: {  	s3 =	simm.s32 $0x108;
	s8 =	sld [smem:$0x3FAC]  }
0x2e: {  	s3 =	simm.s32 @!p0 $0x1082;
	s9 =	sld [smem:$0x3FAD]  }
0x2f: {  	lr =	sadd.s32 s0, s3;
	s0 =	sld [smem:$0x3FA4]  }
0x30: {  	s3 =	sld [smem:$0x3FA7]  }
0x31: {  	[smem:$0x3FB0] =	sst s10  }
0x32: {  	s10 =	sld [smem:$0x3FAE];
	_ =	sdelay $0x3  }
0x33: {  	p0 =	seq.s32 s10, $0x1;
	s10 =	sld [smem:$0x3FB0];
	_ =	sdelay $0x3  }
0x34: {  	[smem:$0x3FB0] =	sst s10  }
0x35: {  	s10 =	sld [smem:$0x3FAF];
	_ =	sdelay $0x3  }
0x36: {  	p1 =	seq.s32 s10, $0x1;
	s10 =	sld [smem:$0x3FB0];
	_ =	sdelay $0x3  }
0x37: {  	[smem:$0x3FB0] =	sst s10  }
0x38: {  	s10 =	sld [smem:$0x3FB1]  }
0x39: {  	_ = 	snop;
	(pc) =	sbr.ind lr, $3  }
0x3a: {  	_ = 	snop  }
0x3b: {  	_ = 	snop  }
0x3c: {  	p2 =	seq.s32 s10, $0x1;
	s10 =	sld [smem:$0x3FB0]  }
0x3d: {  	_ =	shalt  }
0x3e: {  	_ =	shalt  }
0x3f: {  	_ =	shalt  }
0x40: {  	_ =	shalt  }
0x41: {  	_ =	shalt  }
0x42: {  	_ =	shalt  }
0x43: {  	_ =	shalt  }
0x44: {  	_ =	shalt  }
0x45: {  	_ =	shalt  }
0x46: {  	_ =	shalt  }
0x47: {  	_ =	shalt  }
0x48: {  	_ =	shalt  }
0x49: {  	_ =	shalt  }
0x4a: {  	_ =	shalt  }
0x4b: {  	_ =	shalt  }
0x4c: {  	_ =	shalt  }
0x4d: {  	_ =	shalt  }
0x4e: {  	_ =	shalt  }
0x4f: {  	_ =	shalt  }
0x50: {  	_ =	shalt  }
0x51: {  	_ =	shalt  }
0x52: {  	_ =	shalt  }
0x53: {  	_ =	shalt  }
0x54: {  	_ =	shalt  }
0x55: {  	_ =	shalt  }
0x56: {  	_ =	shalt  }
0x57: {  	_ =	shalt  }
0x58: {  	_ =	shalt  }
0x59: {  	_ =	shalt  }
0x5a: {  	_ =	shalt  }
0x5b: {  	_ =	shalt  }
0x5c: {  	_ =	shalt  }
0x5d: {  	_ =	shalt  }
0x5e: {  	_ =	shalt  }
0x5f: {  	_ =	shalt  }
0x60: {  	_ =	shalt  }
0x61: {  	_ =	shalt  }
0x62: {  	_ =	shalt  }
0x63: {  	_ =	shalt  }
0x64: {  	_ =	shalt  }
0x65: {  	_ =	shalt  }
0x66: {  	_ =	shalt  }
0x67: {  	_ =	shalt  }
0x68: {  	_ =	shalt  }
0x69: {  	_ =	shalt  }
0x6a: {  	_ =	shalt  }
0x6b: {  	_ =	shalt  }
0x6c: {  	_ =	shalt  }
0x6d: {  	_ =	shalt  }
0x6e: {  	_ =	shalt  }
0x6f: {  	_ =	shalt  }
0x70: {  	_ =	shalt  }
0x71: {  	_ =	shalt  }
0x72: {  	_ =	shalt  }
0x73: {  	_ =	shalt  }
0x74: {  	_ =	shalt  }
0x75: {  	_ =	shalt  }
0x76: {  	_ =	shalt  }
0x77: {  	_ =	shalt  }
0x78: {  	_ =	shalt  }
0x79: {  	_ =	shalt  }
0x7a: {  	_ =	shalt  }
0x7b: {  	_ =	shalt  }
0x7c: {  	_ =	shalt  }
0x7d: {  	_ =	shalt  }
0x7e: {  	_ =	shalt  }
0x7f: {  	_ =	shalt  }
0x80: {  	_ =	shalt  }
0x81: {  	_ =	shalt  }
0x82: {  	_ =	shalt  }
0x83: {  	_ =	shalt  }
0x84: {  	_ =	shalt  }
0x85: {  	_ =	shalt  }
0x86: {  	_ =	shalt  }
0x87: {  	_ =	shalt  }
.Lfunc_end0:
.L_simem_size_0:
called_computation.3_lowered:
.L_overlay_start_0:
0x88: {  	s2 =	sld [smem:$0x3FD9]  }
0x89: {  	s3 =	sld [smem:$0x3FFE];
	_ =	sdelay $0x1  }
0x8a: {  	s1 =	srdreg.scid  }
0x8b: {  	s0 =	sand.u32 $0x1, s1  }
0x8c: {  	s28 =	sshll.u32 s0, $0xA;
	s2 =	sadd.s32 s3, s2  }
0x8d: {  	s2 =	sadd.s32 s2, s28  }
0x8e: {  	[smem:$0x3FBC] =	sst s2  }
0x8f: {  	_ = 	snop  }
0x90: {  	s2 =	sld [smem:$0x3FC9]  }
0x91: {  	s29 =	sld [smem:$0x3FC8]  }
0x92: {  	s4 =	sld [smem:$0x3FC7]  }
0x93: {  	s5 =	sld [smem:$0x3FC6]  }
0x94: {  	s6 =	sld [smem:$0x3FC5]  }
0x95: {  	s7 =	sld [smem:$0x3FD0]  }
0x96: {  	s8 =	sld [smem:$0x3FC4]  }
0x97: {  	s9 =	sld [smem:$0x3FC0]  }
0x98: {  	s11 =	simm.s32 $0xC;
	s12 =	simm.s32 $0x10;
	s10 =	sld [smem:$0x3FBF]  }
0x99: {  	[smem:s12], [sflag:s11] =	dma.local [hbm:s7], $0x1  }
0x9a: {  	_ =	swait.eq [sflag:s11], $0x1  }
0x9b: {  	s30 =	sld [smem:$0x10];
	[sflag:s11] =	ssyncset.done $0x0  }
0x9c: {  	s31 =	sld [smem:$0x11];
	[sflag:s11] =	ssyncadd.s32 $0xFFFFFFFF  }
0x9d: {  	s18 =	sld [smem:$0x12];
	(tm) =	ssettm $0x1  }
0x9e: {  	s13 =	sld [smem:$0x3FFB];
	_ =	sdelay $0x3  }
0x9f: {  	_ =	strace s13  }
0xa0: {  	s13 =	sld [smem:$0x3FFC];
	_ =	sdelay $0x3  }
0xa1: {  	_ =	strace s13  }
0xa2: {  	s13 =	sld [smem:$0x3FFD];
	_ =	sdelay $0x3  }
0xa3: {  	_ =	strace s13  }
0xa4: {  	_ =	strace $0x8FFFFFFF  }
0xa5: {  	s19 =	sld [smem:$0x3FDB];
	_ =	sdelay $0x1  }
0xa6: {  	s14 =	simm.s32 $_scs_section_size  }
0xa7: {  	s15 =	simm.s32 $_size__tile_overlayer_lowered;
	s16 =	simm.s32 $_tile_overlayer_lowered  }
0xa8: {  	s22 =	simm.s32 $0x1BFF;
	s21 =	sshll.u32 s16, $0x1;
	s13 =	sadd.s32 s14, s19  }
0xa9: {  	s17 =	simm.s32 $0x0;
	s20 =	sshll.u32 s15, $0x1;
	s15 =	sadd.s32 s21, s13  }
0xaa: {  	[timem:s17], [sflag:s22] =	dma.local [hbm:s15], s20  }
0xab: {  	_ =	swait.ge [sflag:s22], s20  }
0xac: {  	s14 =	ssub.s32 $0x0, s20;
	[sflag:s22] =	ssyncset.done $0x0  }
0xad: {  	[sflag:s22] =	ssyncadd.s32 s14;
	_ =	sdelay $0x1  }
0xae: {  	s23 =	simm.s32 $0x1B8B  }
0xaf: {  	_ =	swait.ge [sflag:s23], $0x1  }
0xb0: {  	[sflag:s23] =	ssyncset.done $0x0  }
0xb1: {  	s25 =	simm.s32 $0x1B8E;
	s24 =	sld [smem:$0x3FFE];
	[sflag:s23] =	ssyncadd.s32 $0xFFFFFFFF  }
0xb2: {  	s26 =	simm.s32 $execute0_lowered;
	[smem:$0x3FD2] =	sst s25  }
0xb3: {  	s15 =	sshll.u32 s26, $0x1;
	_ =	strace $0x80000046;
	[dreg:$0x1] =	wrdreg $0xFFFFFFFF  }
0xb4: {  	s28 =	simm.s32 $_size_execute0_lowered;
	s13 =	sadd.s32 s13, s15;
	[dreg:$0x0] =	wrdreg $0x0  }
0xb5: {  	s15 =	sshll.u32 s28, $0x1;
	[dreg:$0x2] =	wrdreg s13  }
0xb6: {  	[dreg:$0x3] =	wrdreg s15  }
0xb7: {  	[dreg:$0x4] =	wrdreg $0xC0  }
0xb8: {  	_ =	task [dreg:s17], $0x5FFFF  }
0xb9: {  	[dreg:$0x1] =	wrdreg $0xFFFFFFFF  }
0xba: {  	[dreg:$0x0] =	wrdreg $0x60  }
0xbb: {  	[dreg:$0x2] =	wrdreg s2  }
0xbc: {  	[dreg:$0x3] =	wrdreg s29  }
0xbd: {  	[dreg:$0x4] =	wrdreg s4  }
0xbe: {  	[dreg:$0x5] =	wrdreg s5  }
0xbf: {  	[dreg:$0x6] =	wrdreg s6  }
0xc0: {  	[dreg:$0x7] =	wrdreg s8  }
0xc1: {  	[dreg:$0x8] =	wrdreg s24  }
0xc2: {  	[dreg:$0x9] =	wrdreg s9  }
0xc3: {  	[dreg:$0xa] =	wrdreg s10  }
0xc4: {  	[dreg:$0xb] =	wrdreg s30  }
0xc5: {  	[dreg:$0xc] =	wrdreg s31  }
0xc6: {  	[dreg:$0xd] =	wrdreg s18  }
0xc7: {  	[dreg:$0xe] =	wrdreg $0x9  }
0xc8: {  	_ =	task.clear_ibuf [dreg:s17], $0xFFFFF;
	_ =	strace $0x90000046  }
0xc9: {  	s29 =	simm.s32 $0x9;
	_ =	strace $0x80000048  }
0xca: {  	_ =	swait.ge [sflag:s29], $0x1  }
0xcb: {  	[sflag:s29] =	ssyncadd.s32 $0xFFFFFFFF  }
0xcc: {  	_ =	strace $0x90000048  }
0xcd: {  	_ =	sfence  }
0xce: {  	s30 =	sld [smem:$0x0];
	_ =	sdelay $0x2  }
0xcf: {  	s31 =	sshll.u32 s1, $0xD;
	s1 =	sshrl.u32 s1, $0x2  }
0xd0: {  	s3 =	sand.u32 $0x4000, s31;
	s1 =	sadd.s32 s1, s30  }
0xd1: {  	s0 =	sor.u32 s3, s0;
	s1 =	sshll.u32 s1, $0x11  }
0xd2: {  	s0 =	sor.u32 s1, s0  }
0xd3: {  	s0 =	sadd.s32 $0x8F2B, s0  }
0xd4: {  	[sflag:s0] =	ssyncadd.remote.s32 $0x1  }
0xd5: {  	_ =	sfence.sel $0xFFFF  }
0xd6: {  	[dreg:$0x0] =	wrdreg $0xFFFFFFFF;
	(pc) =	sbr.abs _section_cstart, $3  }
0xd7: {  	[dreg:$0x1] =	wrdreg $0xFFFFFFFF  }
0xd8: {  	_ =	task.clear_ibuf [dreg:s17], $0x2FFFF;
	_ =	strace $0x9FFFFFFF  }
0xd9: {  	(tm) =	ssettm $0x7FFFFFFF  }
tec
execute0_lowered:
.L_overlay_start_1:
0x0: {  	(tag) =	ssettag $0x1  }
0x1: {  	s0 =	rddreg [dreg:$0x0]  }
0x2: {  	s1 =	rddreg [dreg:$0x1]  }
0x3: {  	s2 =	rddreg [dreg:$0x2]  }
0x4: {  	s3 =	rddreg [dreg:$0x3]  }
0x5: {  	s4 =	rddreg [dreg:$0x4]  }
0x6: {  	s5 =	rddreg [dreg:$0x5]  }
0x7: {  	s6 =	rddreg [dreg:$0x6]  }
0x8: {  	s9 =	rddreg [dreg:$0x9]  }
0x9: {  	s10 =	rddreg [dreg:$0xa]  }
0xa: {  	s11 =	rddreg [dreg:$0xb];
	s12 =	simm.s32 $0x0  }
0xb: {  	s7 =	srdreg.scid;
	s16 =	stileid.u32;
	s21 =	simm.s32 $0x2  }
0xc: {  	s25 =	simm.s32 $0x320;
	s28 =	simm.s32 $0x1;
	s29 =	simm.s32 $0x640  }
0xd: {  	s30 =	simm.s32 $0x960;
	s31 =	simm.s32 $0xDAC0;
	[smem:$0x7FF] =	sst s12  }
0xe: {  	s7 =	sand.u32 $0x1, s7;
	s14 =	sadd.s32 $0x1A00, s6;
	s15 =	sadd.s32 $0xC5000, s6  }
0xf: {  	s16 =	sshll.u32 s16, $0x1;
	s17 =	sadd.s32 $0xC7800, s6;
	s8 =	ssub.s32 $0x2, s7  }
0x10: {  	s6 =	sadd.s32 $0xC7000, s6;
	_ =	strace $0x80000047;
	s13 =	sshrl.u32 s8, $0x1  }
0x11: {  	[dreg:$0xd] =	wrdreg s17;
	s7 =	sor.u32 s7, s16;
	s8 =	ssub.s32 s8, s13  }
0x12: {  	[dreg:$0xe] =	wrdreg s6;
	s6 =	simm.s32 $0x0;
	s26 =	smax.u32 s8, $0x1  }
0x13: {  	s18 =	smul.u32 $0x1900, s7;
	[dreg:$0xf] =	wrdreg s26;
	s26 =	simm.s32 $0x12C0  }
.LBB2_1:
0x14: {  	s7 =	rddreg [dreg:$0xe];
	s8 =	simm.s32 $0x1A2C0  }
0x15: {  	[tilespmem:s8], [sflag:$0x2] =	stream.linear.gather [hbm4b:s7+s12], $0x3200, $0x38;
	[tilespmem:$0x1D5C0] =	vst v63  }
0x16: {  	_ =	swait.ge [sflag:s21], $0x3200  }
0x17: {  	[sflag:s21] =	ssyncset.done $0x0  }
0x18: {  	s19 =	simm.s32 $0x1D4C0;
	s17 =	rddreg [dreg:$0xd];
	[sflag:s21] =	ssyncadd.s32 $0xFFFFCE00  }
0x19: {  	[tilespmem:s19], [sflag:$0x2] =	stream.linear.gather [hbm4b:s17+s12], $0x80, $0x38;
	[tilespmem:$0x1D5C0] =	vst v63  }
0x1a: {  	_ =	swait.ge [sflag:s21], $0x80  }
0x1b: {  	[sflag:s21] =	ssyncset.done $0x0  }
0x1c: {  	[sflag:s21] =	ssyncadd.s32 $0xFFFFFF80  }
0x1d: {  	s22 =	simm.s32 $0x1D540;
	s20 =	rddreg [dreg:$0x7]  }
0x1e: {  	[tilespmem:s22], [sflag:$0x2] =	stream.linear.gather [hbm4b:s20+s12], $0x40, $0x38;
	[tilespmem:$0x1D5C0] =	vst v63  }
0x1f: {  	_ =	swait.ge [sflag:s21], $0x40  }
0x20: {  	[sflag:s21] =	ssyncset.done $0x0  }
0x21: {  	[sflag:s21] =	ssyncadd.s32 $0xFFFFFFC0  }
0x22: {  	s24 =	simm.s32 $0x1D580;
	s23 =	rddreg [dreg:$0x8]  }
0x23: {  	[tilespmem:s24], [sflag:$0x2] =	stream.linear.gather [hbm4b:s23+s12], $0x40, $0x38;
	[tilespmem:$0x1D5C0] =	vst v63  }
0x24: {  	_ =	swait.ge [sflag:s21], $0x40  }
0x25: {  	[sflag:s21] =	ssyncset.done $0x0  }
0x26: {  	[sflag:s21] =	ssyncadd.s32 $0xFFFFFFC0  }
0x27: {  	v2 =	vld [tilespmem:$0x1D4C0]  }
0x28: {  	v1 =	vld [tilespmem:$0x1D580]  }
0x29: {  	v5 =	vld [tilespmem:$0x1D4D0]  }
0x2a: {  	v4 =	vld [tilespmem:$0x1D590]  }
0x2b: {  	v8 =	vld [tilespmem:$0x1D4E0]  }
0x2c: {  	v7 =	vld [tilespmem:$0x1D5A0]  }
0x2d: {  	v11 =	vld [tilespmem:$0x1D4F0]  }
0x2e: {  	v10 =	vld [tilespmem:$0x1D5B0]  }
0x2f: {  	v3 =	vld [tilespmem:$0x1D500]  }
0x30: {  	v6 =	vld [tilespmem:$0x1D510]  }
0x31: {  	v9 =	vld [tilespmem:$0x1D520]  }
0x32: {  	v12 =	vld [tilespmem:$0x1D530];
	_ =	sdelay $0x1  }
0x33: {  	v0 =	vld [tilespmem:$0x1D540];
	v1 =	vadd.f32 v1, v2;
	v2 =	vsub.f32 v3, v2  }
0x34: {  	v3 =	vld [tilespmem:$0x1D550];
	v4 =	vadd.f32 v4, v5;
	v5 =	vsub.f32 v6, v5  }
0x35: {  	v6 =	vld [tilespmem:$0x1D560];
	v7 =	vadd.f32 v7, v8;
	v8 =	vsub.f32 v9, v8  }
0x36: {  	s13 =	simm.s32 $0x0;
	v9 =	vld [tilespmem:$0x1D570];
	v10 =	vadd.f32 v10, v11;
	v11 =	vsub.f32 v12, v11  }
.LBB2_2:
0x37: {  	s7 =	smul.u32 $0x320, s13;
	_ =	sdelay $0x1  }
0x38: {  	s8 =	sadd.s32 s18, s7  }
0x39: {  	s7 =	sshrl.u32 s8, $0x3  }
0x3a: {  	s16 =	sadd.s32 s0, s7  }
0x3b: {  	[tilespmem:s12], [sflag:$0x2] =	stream.linear.gather [hbm4b:s16+s12], $0x320, $0x38;
	[tilespmem:$0x1D5C0] =	vst v63  }
0x3c: {  	_ =	swait.ge [sflag:s21], $0x320  }
0x3d: {  	[sflag:s21] =	ssyncset.done $0x0  }
0x3e: {  	s20 =	sadd.s32 s1, s7;
	[sflag:s21] =	ssyncadd.s32 $0xFFFFFCE0  }
0x3f: {  	[tilespmem:s25], [sflag:$0x2] =	stream.linear.gather [hbm4b:s20+s12], $0x320, $0x38;
	[tilespmem:$0x1D5C0] =	vst v63  }
0x40: {  	s20 =	simm.s32 $0x0  }
0x41: {  	_ =	swait.ge [sflag:s21], $0x320;
	s22 =	sand.u32 $0xFFF8, s20  }
0x42: {  	[sflag:s21] =	ssyncset.done $0x0;
	s16 =	sshrl.u32 s22, $0x3  }
0x43: {  	[sflag:s21] =	ssyncadd.s32 $0xFFFFFCE0;
	s16 =	smul.u32 $0x147B, s16  }
0x44: {  	[tilespmem:s26], [sflag:$0x1] =	stream.indirect.gather [hbm4b:s14+s25], $0x40, s12, s25, $0xb8;
	[tilespmem:$0x1D5C0] =	vst v63  }
0x45: {  	_ =	swait.ge [sflag:s28], $0xC800  }
0x46: {  	s16 =	sshrl.u32 s16, $0x11;
	[sflag:s28] =	ssyncset.done $0x0  }
0x47: {  	s16 =	smul.u32 $0xC8, s16;
	[sflag:s28] =	ssyncadd.s32 $0xFFFF3800  }
0x48: {  	[tilespmem:s26], [sflag:$0x1] =	stream.indirect.gather.add.f32 [hbm:s15], $0x40, s25, s25, $0xb8;
	[tilespmem:$0x1D5C0] =	vst v63  }
0x49: {  	_ =	swait.ge [sflag:s28], $0xC800  }
0x4a: {  	s16 =	ssub.s32 $0x0, s16;
	[sflag:s28] =	ssyncset.done $0x0  }
0x4b: {  	s22 =	simm.s32 $0x13C0;
	s16 =	sshll.u32 s16, $0x6;
	[sflag:s28] =	ssyncadd.s32 $0xFFFF3800  }
0x4c: {  	s16 =	sand.u32 $0xFFC0, s16;
	v12 =	vld [tilespmem:s22+$0xFFFFFF00]  }
0x4d: {  	v13 =	vld [tilespmem:s16+$0x1A2C0];
	_ =	sdelay $0x4  }
0x4e: {  	v12 =	vadd.f32 v13, v12;
	_ =	sdelay $0x1  }
0x4f: {  	[tilespmem:s22+$0xFFFFFF00] =	vst v12;
	v12 =	vld [tilespmem:s22+$0xFFFFFF10]  }
0x50: {  	v13 =	vld [tilespmem:s16+$0x1A2D0];
	_ =	sdelay $0x4  }
0x51: {  	v12 =	vadd.f32 v13, v12;
	_ =	sdelay $0x1  }
0x52: {  	[tilespmem:s22+$0xFFFFFF10] =	vst v12;
	v12 =	vld [tilespmem:s22+$0xFFFFFF20]  }
0x53: {  	v13 =	vld [tilespmem:s16+$0x1A2E0];
	_ =	sdelay $0x4  }
0x54: {  	s23 =	simm.s32 $0x1;
	v12 =	vadd.f32 v13, v12  }
0x55: {  	s23 =	sand.u32 $0xFFF8, s23  }
0x56: {  	s23 =	sshrl.u32 s23, $0x3;
	[tilespmem:s22+$0xFFFFFF20] =	vst v12;
	v12 =	vld [tilespmem:s22+$0xFFFFFF30]  }
0x57: {  	s23 =	smul.u32 $0x147B, s23;
	v13 =	vld [tilespmem:s16+$0x1A2F0];
	_ =	sdelay $0x1  }
0x58: {  	s16 =	sshrl.u32 s23, $0x11  }
0x59: {  	s16 =	smul.u32 $0xC8, s16;
	_ =	sdelay $0x1  }
0x5a: {  	s16 =	ssub.s32 $0x1, s16;
	v12 =	vadd.f32 v13, v12  }
0x5b: {  	s16 =	sshll.u32 s16, $0x6  }
0x5c: {  	s16 =	sand.u32 $0xFFC0, s16;
	[tilespmem:s22+$0xFFFFFF30] =	vst v12;
	v12 =	vld [tilespmem:s22+$0xFFFFFF40]  }
0x5d: {  	v13 =	vld [tilespmem:s16+$0x1A2C0];
	_ =	sdelay $0x4  }
0x5e: {  	v12 =	vadd.f32 v13, v12;
	_ =	sdelay $0x1  }
0x5f: {  	[tilespmem:s22+$0xFFFFFF40] =	vst v12;
	v12 =	vld [tilespmem:s22+$0xFFFFFF50]  }
0x60: {  	v13 =	vld [tilespmem:s16+$0x1A2D0];
	_ =	sdelay $0x4  }
0x61: {  	v12 =	vadd.f32 v13, v12;
	_ =	sdelay $0x1  }
0x62: {  	[tilespmem:s22+$0xFFFFFF50] =	vst v12;
	v12 =	vld [tilespmem:s22+$0xFFFFFF60]  }
0x63: {  	v13 =	vld [tilespmem:s16+$0x1A2E0];
	_ =	sdelay $0x4  }
0x64: {  	s24 =	simm.s32 $0x2;
	v12 =	vadd.f32 v13, v12  }
0x65: {  	s23 =	sand.u32 $0xFFF8, s24  }
0x66: {  	s23 =	sshrl.u32 s23, $0x3;
	[tilespmem:s22+$0xFFFFFF60] =	vst v12;
	v12 =	vld [tilespmem:s22+$0xFFFFFF70]  }
0x67: {  	s17 =	smul.u32 $0x147B, s23;
	v13 =	vld [tilespmem:s16+$0x1A2F0];
	_ =	sdelay $0x1  }
0x68: {  	s16 =	sshrl.u32 s17, $0x11  }
0x69: {  	s16 =	smul.u32 $0xC8, s16;
	_ =	sdelay $0x1  }
0x6a: {  	s16 =	ssub.s32 $0x2, s16;
	v12 =	vadd.f32 v13, v12  }
0x6b: {  	s16 =	sshll.u32 s16, $0x6  }
0x6c: {  	s16 =	sand.u32 $0xFFC0, s16;
	[tilespmem:s22+$0xFFFFFF70] =	vst v12;
	v12 =	vld [tilespmem:s22+$0xFFFFFF80]  }
0x6d: {  	v13 =	vld [tilespmem:s16+$0x1A2C0];
	_ =	sdelay $0x4  }
0x6e: {  	v12 =	vadd.f32 v13, v12;
	_ =	sdelay $0x1  }
0x6f: {  	[tilespmem:s22+$0xFFFFFF80] =	vst v12;
	v12 =	vld [tilespmem:s22+$0xFFFFFF90]  }
0x70: {  	v13 =	vld [tilespmem:s16+$0x1A2D0];
	_ =	sdelay $0x4  }
0x71: {  	v12 =	vadd.f32 v13, v12;
	_ =	sdelay $0x1  }
0x72: {  	[tilespmem:s22+$0xFFFFFF90] =	vst v12;
	v12 =	vld [tilespmem:s22+$0xFFFFFFA0]  }
0x73: {  	v13 =	vld [tilespmem:s16+$0x1A2E0];
	_ =	sdelay $0x4  }
0x74: {  	s19 =	simm.s32 $0x3;
	v12 =	vadd.f32 v13, v12  }
0x75: {  	s23 =	sand.u32 $0xFFF8, s19  }
0x76: {  	s23 =	sshrl.u32 s23, $0x3;
	[tilespmem:s22+$0xFFFFFFA0] =	vst v12;
	v12 =	vld [tilespmem:s22+$0xFFFFFFB0]  }
0x77: {  	s23 =	smul.u32 $0x147B, s23;
	v13 =	vld [tilespmem:s16+$0x1A2F0];
	_ =	sdelay $0x1  }
0x78: {  	s16 =	sshrl.u32 s23, $0x11  }
0x79: {  	s16 =	smul.u32 $0xC8, s16;
	_ =	sdelay $0x1  }
0x7a: {  	s16 =	ssub.s32 $0x3, s16;
	v12 =	vadd.f32 v13, v12  }
0x7b: {  	s16 =	sshll.u32 s16, $0x6  }
0x7c: {  	s16 =	sand.u32 $0xFFC0, s16;
	[tilespmem:s22+$0xFFFFFFB0] =	vst v12;
	v12 =	vld [tilespmem:s22+$0xFFFFFFC0]  }
0x7d: {  	v13 =	vld [tilespmem:s16+$0x1A2C0];
	_ =	sdelay $0x4  }
0x7e: {  	v12 =	vadd.f32 v13, v12;
	_ =	sdelay $0x1  }
0x7f: {  	[tilespmem:s22+$0xFFFFFFC0] =	vst v12;
	v12 =	vld [tilespmem:s22+$0xFFFFFFD0]  }
0x80: {  	v13 =	vld [tilespmem:s16+$0x1A2D0];
	_ =	sdelay $0x4  }
0x81: {  	v12 =	vadd.f32 v13, v12;
	_ =	sdelay $0x1  }
0x82: {  	[tilespmem:s22+$0xFFFFFFD0] =	vst v12;
	v12 =	vld [tilespmem:s22+$0xFFFFFFE0]  }
0x83: {  	v13 =	vld [tilespmem:s16+$0x1A2E0];
	_ =	sdelay $0x4  }
0x84: {  	s24 =	simm.s32 $0x4;
	v12 =	vadd.f32 v13, v12  }
0x85: {  	s23 =	sand.u32 $0xFFF8, s24  }
0x86: {  	s23 =	sshrl.u32 s23, $0x3;
	[tilespmem:s22+$0xFFFFFFE0] =	vst v12;
	v12 =	vld [tilespmem:s22+$0xFFFFFFF0]  }
0x87: {  	s17 =	smul.u32 $0x147B, s23;
	v13 =	vld [tilespmem:s16+$0x1A2F0];
	_ =	sdelay $0x1  }
0x88: {  	s16 =	sshrl.u32 s17, $0x11  }
0x89: {  	s16 =	smul.u32 $0xC8, s16;
	_ =	sdelay $0x1  }
0x8a: {  	s16 =	ssub.s32 $0x4, s16;
	v12 =	vadd.f32 v13, v12  }
0x8b: {  	s16 =	sshll.u32 s16, $0x6  }
0x8c: {  	s16 =	sand.u32 $0xFFC0, s16;
	[tilespmem:s22+$0xFFFFFFF0] =	vst v12;
	v12 =	vld [tilespmem:s22+$0x0]  }
0x8d: {  	v13 =	vld [tilespmem:s16+$0x1A2C0];
	_ =	sdelay $0x4  }
0x8e: {  	v12 =	vadd.f32 v13, v12;
	_ =	sdelay $0x1  }
0x8f: {  	[tilespmem:s22+$0x0] =	vst v12;
	v12 =	vld [tilespmem:s22+$0x10]  }
0x90: {  	v13 =	vld [tilespmem:s16+$0x1A2D0];
	_ =	sdelay $0x4  }
0x91: {  	v12 =	vadd.f32 v13, v12;
	_ =	sdelay $0x1  }
0x92: {  	[tilespmem:s22+$0x10] =	vst v12;
	v12 =	vld [tilespmem:s22+$0x20]  }
0x93: {  	v13 =	vld [tilespmem:s16+$0x1A2E0];
	_ =	sdelay $0x4  }
0x94: {  	s19 =	simm.s32 $0x5;
	v12 =	vadd.f32 v13, v12  }
0x95: {  	s23 =	sand.u32 $0xFFF8, s19  }
0x96: {  	s23 =	sshrl.u32 s23, $0x3;
	[tilespmem:s22+$0x20] =	vst v12;
	v12 =	vld [tilespmem:s22+$0x30]  }
0x97: {  	s23 =	smul.u32 $0x147B, s23;
	v13 =	vld [tilespmem:s16+$0x1A2F0];
	_ =	sdelay $0x1  }
0x98: {  	s16 =	sshrl.u32 s23, $0x11  }
0x99: {  	s16 =	smul.u32 $0xC8, s16;
	_ =	sdelay $0x1  }
0x9a: {  	s16 =	ssub.s32 $0x5, s16;
	v12 =	vadd.f32 v13, v12  }
0x9b: {  	s16 =	sshll.u32 s16, $0x6  }
0x9c: {  	s16 =	sand.u32 $0xFFC0, s16;
	[tilespmem:s22+$0x30] =	vst v12;
	v12 =	vld [tilespmem:s22+$0x40]  }
0x9d: {  	v13 =	vld [tilespmem:s16+$0x1A2C0];
	_ =	sdelay $0x4  }
0x9e: {  	v12 =	vadd.f32 v13, v12;
	_ =	sdelay $0x1  }
0x9f: {  	[tilespmem:s22+$0x40] =	vst v12;
	v12 =	vld [tilespmem:s22+$0x50]  }
0xa0: {  	v13 =	vld [tilespmem:s16+$0x1A2D0];
	_ =	sdelay $0x4  }
0xa1: {  	v12 =	vadd.f32 v13, v12;
	_ =	sdelay $0x1  }
0xa2: {  	[tilespmem:s22+$0x50] =	vst v12;
	v12 =	vld [tilespmem:s22+$0x60]  }
0xa3: {  	v13 =	vld [tilespmem:s16+$0x1A2E0];
	_ =	sdelay $0x4  }
0xa4: {  	s24 =	simm.s32 $0x6;
	v12 =	vadd.f32 v13, v12  }
0xa5: {  	s23 =	sand.u32 $0xFFF8, s24  }
0xa6: {  	s23 =	sshrl.u32 s23, $0x3;
	[tilespmem:s22+$0x60] =	vst v12;
	v12 =	vld [tilespmem:s22+$0x70]  }
0xa7: {  	s17 =	smul.u32 $0x147B, s23;
	v13 =	vld [tilespmem:s16+$0x1A2F0];
	_ =	sdelay $0x1  }
0xa8: {  	s16 =	sshrl.u32 s17, $0x11  }
0xa9: {  	s16 =	smul.u32 $0xC8, s16;
	_ =	sdelay $0x1  }
0xaa: {  	s16 =	ssub.s32 $0x6, s16;
	v12 =	vadd.f32 v13, v12  }
0xab: {  	s16 =	sshll.u32 s16, $0x6  }
0xac: {  	s16 =	sand.u32 $0xFFC0, s16;
	[tilespmem:s22+$0x70] =	vst v12;
	v12 =	vld [tilespmem:s22+$0x80]  }
0xad: {  	v13 =	vld [tilespmem:s16+$0x1A2C0];
	_ =	sdelay $0x4  }
0xae: {  	v12 =	vadd.f32 v13, v12;
	_ =	sdelay $0x1  }
0xaf: {  	[tilespmem:s22+$0x80] =	vst v12;
	v12 =	vld [tilespmem:s22+$0x90]  }
0xb0: {  	v13 =	vld [tilespmem:s16+$0x1A2D0];
	_ =	sdelay $0x4  }
0xb1: {  	v12 =	vadd.f32 v13, v12;
	_ =	sdelay $0x1  }
0xb2: {  	[tilespmem:s22+$0x90] =	vst v12;
	v12 =	vld [tilespmem:s22+$0xA0]  }
0xb3: {  	v13 =	vld [tilespmem:s16+$0x1A2E0];
	_ =	sdelay $0x4  }
0xb4: {  	s19 =	simm.s32 $0x7;
	v12 =	vadd.f32 v13, v12  }
0xb5: {  	s23 =	sand.u32 $0xFFF8, s19  }
0xb6: {  	s23 =	sshrl.u32 s23, $0x3;
	[tilespmem:s22+$0xA0] =	vst v12;
	v12 =	vld [tilespmem:s22+$0xB0]  }
0xb7: {  	s24 =	smul.u32 $0x147B, s23;
	v13 =	vld [tilespmem:s16+$0x1A2F0];
	_ =	sdelay $0x1  }
0xb8: {  	s16 =	sshrl.u32 s24, $0x11  }
0xb9: {  	s16 =	smul.u32 $0xC8, s16;
	_ =	sdelay $0x1  }
0xba: {  	s16 =	ssub.s32 $0x7, s16;
	v12 =	vadd.f32 v13, v12  }
0xbb: {  	s16 =	sshll.u32 s16, $0x6  }
0xbc: {  	s16 =	sand.u32 $0xFFC0, s16;
	[tilespmem:s22+$0xB0] =	vst v12;
	v12 =	vld [tilespmem:s22+$0xC0]  }
0xbd: {  	v13 =	vld [tilespmem:s16+$0x1A2C0];
	_ =	sdelay $0x4  }
0xbe: {  	v12 =	vadd.f32 v13, v12;
	_ =	sdelay $0x1  }
0xbf: {  	[tilespmem:s22+$0xC0] =	vst v12;
	v12 =	vld [tilespmem:s22+$0xD0]  }
0xc0: {  	v13 =	vld [tilespmem:s16+$0x1A2D0];
	_ =	sdelay $0x4  }
0xc1: {  	v12 =	vadd.f32 v13, v12;
	_ =	sdelay $0x1  }
0xc2: {  	[tilespmem:s22+$0xD0] =	vst v12;
	v12 =	vld [tilespmem:s22+$0xE0]  }
0xc3: {  	s23 =	simm.s32 $0x13C0;
	v13 =	vld [tilespmem:s16+$0x1A2E0]  }
.LBB2_3:
0xc4: {  	_ =	sdelay $0x3  }
0xc5: {  	s24 =	smov.u32 s20;
	s20 =	sadd.s32 $0x8, s20;
	v12 =	vadd.f32 v13, v12  }
0xc6: {  	s17 =	sand.u32 $0xFFF8, s20;
	p0 =	slt.u32 s20, $0x318  }
0xc7: {  	s17 =	sshrl.u32 s17, $0x3;
	[tilespmem:s22+$0xE0] =	vst v12;
	v12 =	vld [tilespmem:s22+$0xF0]  }
0xc8: {  	s17 =	smul.u32 $0x147B, s17;
	v13 =	vld [tilespmem:s16+$0x1A2F0];
	_ =	sdelay $0x1  }
0xc9: {  	s16 =	sshrl.u32 s17, $0x11  }
0xca: {  	s16 =	smul.u32 $0xC8, s16;
	_ =	sdelay $0x1  }
0xcb: {  	s16 =	ssub.s32 s20, s16;
	v12 =	vadd.f32 v13, v12  }
0xcc: {  	s22 =	sadd.s32 $0x200, s22;
	s16 =	sshll.u32 s16, $0x6  }
0xcd: {  	s16 =	sand.u32 $0xFFC0, s16;
	v13 =	vld [tilespmem:s22+$0xFFFFFF00];
	[tilespmem:s23+$0xF0] =	vst v12;
	s23 =	smov.u32 s22  }
0xce: {  	v12 =	vld [tilespmem:s16+$0x1A2C0];
	_ =	sdelay $0x4  }
0xcf: {  	v12 =	vadd.f32 v12, v13;
	_ =	sdelay $0x1  }
0xd0: {  	[tilespmem:s22+$0xFFFFFF00] =	vst v12;
	v12 =	vld [tilespmem:s22+$0xFFFFFF10]  }
0xd1: {  	v13 =	vld [tilespmem:s16+$0x1A2D0];
	_ =	sdelay $0x4  }
0xd2: {  	v12 =	vadd.f32 v13, v12;
	_ =	sdelay $0x1  }
0xd3: {  	[tilespmem:s22+$0xFFFFFF10] =	vst v12;
	v12 =	vld [tilespmem:s22+$0xFFFFFF20]  }
0xd4: {  	v13 =	vld [tilespmem:s16+$0x1A2E0];
	_ =	sdelay $0x4  }
0xd5: {  	s17 =	sadd.s32 $0x9, s24;
	v12 =	vadd.f32 v13, v12  }
0xd6: {  	s19 =	sand.u32 $0xFFF8, s17  }
0xd7: {  	s19 =	sshrl.u32 s19, $0x3;
	[tilespmem:s22+$0xFFFFFF20] =	vst v12;
	v12 =	vld [tilespmem:s22+$0xFFFFFF30]  }
0xd8: {  	v13 =	vld [tilespmem:s16+$0x1A2F0];
	s16 =	smul.u32 $0x147B, s19;
	_ =	sdelay $0x1  }
0xd9: {  	s16 =	sshrl.u32 s16, $0x11  }
0xda: {  	s16 =	smul.u32 $0xC8, s16;
	_ =	sdelay $0x1  }
0xdb: {  	v12 =	vadd.f32 v13, v12;
	s16 =	ssub.s32 s17, s16  }
0xdc: {  	s16 =	sshll.u32 s16, $0x6  }
0xdd: {  	[tilespmem:s22+$0xFFFFFF30] =	vst v12;
	v12 =	vld [tilespmem:s22+$0xFFFFFF40];
	s16 =	sand.u32 $0xFFC0, s16  }
0xde: {  	v13 =	vld [tilespmem:s16+$0x1A2C0];
	_ =	sdelay $0x4  }
0xdf: {  	v12 =	vadd.f32 v13, v12;
	_ =	sdelay $0x1  }
0xe0: {  	[tilespmem:s22+$0xFFFFFF40] =	vst v12;
	v12 =	vld [tilespmem:s22+$0xFFFFFF50]  }
0xe1: {  	v13 =	vld [tilespmem:s16+$0x1A2D0];
	_ =	sdelay $0x4  }
0xe2: {  	v12 =	vadd.f32 v13, v12;
	_ =	sdelay $0x1  }
0xe3: {  	[tilespmem:s22+$0xFFFFFF50] =	vst v12;
	v12 =	vld [tilespmem:s22+$0xFFFFFF60]  }
0xe4: {  	v13 =	vld [tilespmem:s16+$0x1A2E0];
	_ =	sdelay $0x4  }
0xe5: {  	s17 =	sadd.s32 $0xA, s24;
	v12 =	vadd.f32 v13, v12  }
0xe6: {  	s19 =	sand.u32 $0xFFF8, s17  }
0xe7: {  	s19 =	sshrl.u32 s19, $0x3;
	[tilespmem:s22+$0xFFFFFF60] =	vst v12;
	v12 =	vld [tilespmem:s22+$0xFFFFFF70]  }
0xe8: {  	v13 =	vld [tilespmem:s16+$0x1A2F0];
	s16 =	smul.u32 $0x147B, s19;
	_ =	sdelay $0x1  }
0xe9: {  	s16 =	sshrl.u32 s16, $0x11  }
0xea: {  	s16 =	smul.u32 $0xC8, s16;
	_ =	sdelay $0x1  }
0xeb: {  	v12 =	vadd.f32 v13, v12;
	s16 =	ssub.s32 s17, s16  }
0xec: {  	s16 =	sshll.u32 s16, $0x6  }
0xed: {  	[tilespmem:s22+$0xFFFFFF70] =	vst v12;
	v12 =	vld [tilespmem:s22+$0xFFFFFF80];
	s16 =	sand.u32 $0xFFC0, s16  }
0xee: {  	v13 =	vld [tilespmem:s16+$0x1A2C0];
	_ =	sdelay $0x4  }
0xef: {  	v12 =	vadd.f32 v13, v12;
	_ =	sdelay $0x1  }
0xf0: {  	[tilespmem:s22+$0xFFFFFF80] =	vst v12;
	v12 =	vld [tilespmem:s22+$0xFFFFFF90]  }
0xf1: {  	v13 =	vld [tilespmem:s16+$0x1A2D0];
	_ =	sdelay $0x4  }
0xf2: {  	v12 =	vadd.f32 v13, v12;
	_ =	sdelay $0x1  }
0xf3: {  	[tilespmem:s22+$0xFFFFFF90] =	vst v12;
	v12 =	vld [tilespmem:s22+$0xFFFFFFA0]  }
0xf4: {  	v13 =	vld [tilespmem:s16+$0x1A2E0];
	_ =	sdelay $0x4  }
0xf5: {  	s17 =	sadd.s32 $0xB, s24;
	v12 =	vadd.f32 v13, v12  }
0xf6: {  	s19 =	sand.u32 $0xFFF8, s17  }
0xf7: {  	s19 =	sshrl.u32 s19, $0x3;
	[tilespmem:s22+$0xFFFFFFA0] =	vst v12;
	v12 =	vld [tilespmem:s22+$0xFFFFFFB0]  }
0xf8: {  	v13 =	vld [tilespmem:s16+$0x1A2F0];
	s16 =	smul.u32 $0x147B, s19;
	_ =	sdelay $0x1  }
0xf9: {  	s16 =	sshrl.u32 s16, $0x11  }
0xfa: {  	s16 =	smul.u32 $0xC8, s16;
	_ =	sdelay $0x1  }
0xfb: {  	v12 =	vadd.f32 v13, v12;
	s16 =	ssub.s32 s17, s16  }
0xfc: {  	s16 =	sshll.u32 s16, $0x6  }
0xfd: {  	[tilespmem:s22+$0xFFFFFFB0] =	vst v12;
	v12 =	vld [tilespmem:s22+$0xFFFFFFC0];
	s16 =	sand.u32 $0xFFC0, s16  }
0xfe: {  	v13 =	vld [tilespmem:s16+$0x1A2C0];
	_ =	sdelay $0x4  }
0xff: {  	v12 =	vadd.f32 v13, v12;
	_ =	sdelay $0x1  }
0x100: {  	[tilespmem:s22+$0xFFFFFFC0] =	vst v12;
	v12 =	vld [tilespmem:s22+$0xFFFFFFD0]  }
0x101: {  	v13 =	vld [tilespmem:s16+$0x1A2D0];
	_ =	sdelay $0x4  }
0x102: {  	v12 =	vadd.f32 v13, v12;
	_ =	sdelay $0x1  }
0x103: {  	[tilespmem:s22+$0xFFFFFFD0] =	vst v12;
	v12 =	vld [tilespmem:s22+$0xFFFFFFE0]  }
0x104: {  	v13 =	vld [tilespmem:s16+$0x1A2E0];
	_ =	sdelay $0x4  }
0x105: {  	s17 =	sadd.s32 $0xC, s24;
	v12 =	vadd.f32 v13, v12  }
0x106: {  	s19 =	sand.u32 $0xFFF8, s17  }
0x107: {  	s19 =	sshrl.u32 s19, $0x3;
	[tilespmem:s22+$0xFFFFFFE0] =	vst v12;
	v12 =	vld [tilespmem:s22+$0xFFFFFFF0]  }
0x108: {  	v13 =	vld [tilespmem:s16+$0x1A2F0];
	s16 =	smul.u32 $0x147B, s19;
	_ =	sdelay $0x1  }
0x109: {  	s16 =	sshrl.u32 s16, $0x11  }
0x10a: {  	s16 =	smul.u32 $0xC8, s16;
	_ =	sdelay $0x1  }
0x10b: {  	v12 =	vadd.f32 v13, v12;
	s16 =	ssub.s32 s17, s16  }
0x10c: {  	s16 =	sshll.u32 s16, $0x6  }
0x10d: {  	[tilespmem:s22+$0xFFFFFFF0] =	vst v12;
	v12 =	vld [tilespmem:s22+$0x0];
	s16 =	sand.u32 $0xFFC0, s16  }
0x10e: {  	v13 =	vld [tilespmem:s16+$0x1A2C0];
	_ =	sdelay $0x4  }
0x10f: {  	v12 =	vadd.f32 v13, v12;
	_ =	sdelay $0x1  }
0x110: {  	[tilespmem:s22+$0x0] =	vst v12;
	v12 =	vld [tilespmem:s22+$0x10]  }
0x111: {  	v13 =	vld [tilespmem:s16+$0x1A2D0];
	_ =	sdelay $0x4  }
0x112: {  	v12 =	vadd.f32 v13, v12;
	_ =	sdelay $0x1  }
0x113: {  	[tilespmem:s22+$0x10] =	vst v12;
	v12 =	vld [tilespmem:s22+$0x20]  }
0x114: {  	v13 =	vld [tilespmem:s16+$0x1A2E0];
	_ =	sdelay $0x4  }
0x115: {  	s17 =	sadd.s32 $0xD, s24;
	v12 =	vadd.f32 v13, v12  }
0x116: {  	s19 =	sand.u32 $0xFFF8, s17  }
0x117: {  	s19 =	sshrl.u32 s19, $0x3;
	[tilespmem:s22+$0x20] =	vst v12;
	v12 =	vld [tilespmem:s22+$0x30]  }
0x118: {  	v13 =	vld [tilespmem:s16+$0x1A2F0];
	s16 =	smul.u32 $0x147B, s19;
	_ =	sdelay $0x1  }
0x119: {  	s16 =	sshrl.u32 s16, $0x11  }
0x11a: {  	s16 =	smul.u32 $0xC8, s16;
	_ =	sdelay $0x1  }
0x11b: {  	v12 =	vadd.f32 v13, v12;
	s16 =	ssub.s32 s17, s16  }
0x11c: {  	s16 =	sshll.u32 s16, $0x6  }
0x11d: {  	[tilespmem:s22+$0x30] =	vst v12;
	v12 =	vld [tilespmem:s22+$0x40];
	s16 =	sand.u32 $0xFFC0, s16  }
0x11e: {  	v13 =	vld [tilespmem:s16+$0x1A2C0];
	_ =	sdelay $0x4  }
0x11f: {  	v12 =	vadd.f32 v13, v12;
	_ =	sdelay $0x1  }
0x120: {  	[tilespmem:s22+$0x40] =	vst v12;
	v12 =	vld [tilespmem:s22+$0x50]  }
0x121: {  	v13 =	vld [tilespmem:s16+$0x1A2D0];
	_ =	sdelay $0x4  }
0x122: {  	v12 =	vadd.f32 v13, v12;
	_ =	sdelay $0x1  }
0x123: {  	[tilespmem:s22+$0x50] =	vst v12;
	v12 =	vld [tilespmem:s22+$0x60]  }
0x124: {  	v13 =	vld [tilespmem:s16+$0x1A2E0];
	_ =	sdelay $0x4  }
0x125: {  	s17 =	sadd.s32 $0xE, s24;
	v12 =	vadd.f32 v13, v12  }
0x126: {  	s19 =	sand.u32 $0xFFF8, s17  }
0x127: {  	s19 =	sshrl.u32 s19, $0x3;
	[tilespmem:s22+$0x60] =	vst v12;
	v12 =	vld [tilespmem:s22+$0x70]  }
0x128: {  	v13 =	vld [tilespmem:s16+$0x1A2F0];
	s16 =	smul.u32 $0x147B, s19;
	_ =	sdelay $0x1  }
0x129: {  	s16 =	sshrl.u32 s16, $0x11  }
0x12a: {  	s16 =	smul.u32 $0xC8, s16;
	_ =	sdelay $0x1  }
0x12b: {  	v12 =	vadd.f32 v13, v12;
	s16 =	ssub.s32 s17, s16  }
0x12c: {  	s16 =	sshll.u32 s16, $0x6  }
0x12d: {  	[tilespmem:s22+$0x70] =	vst v12;
	v12 =	vld [tilespmem:s22+$0x80];
	s16 =	sand.u32 $0xFFC0, s16  }
0x12e: {  	v13 =	vld [tilespmem:s16+$0x1A2C0];
	_ =	sdelay $0x4  }
0x12f: {  	v12 =	vadd.f32 v13, v12;
	_ =	sdelay $0x1  }
0x130: {  	[tilespmem:s22+$0x80] =	vst v12;
	v12 =	vld [tilespmem:s22+$0x90]  }
0x131: {  	v13 =	vld [tilespmem:s16+$0x1A2D0];
	_ =	sdelay $0x4  }
0x132: {  	v12 =	vadd.f32 v13, v12;
	_ =	sdelay $0x1  }
0x133: {  	[tilespmem:s22+$0x90] =	vst v12;
	v12 =	vld [tilespmem:s22+$0xA0]  }
0x134: {  	v13 =	vld [tilespmem:s16+$0x1A2E0];
	_ =	sdelay $0x4  }
0x135: {  	s17 =	sadd.s32 $0xF, s24;
	v12 =	vadd.f32 v13, v12  }
0x136: {  	s19 =	sand.u32 $0xFFF8, s17  }
0x137: {  	s19 =	sshrl.u32 s19, $0x3;
	[tilespmem:s22+$0xA0] =	vst v12;
	v12 =	vld [tilespmem:s22+$0xB0]  }
0x138: {  	v13 =	vld [tilespmem:s16+$0x1A2F0];
	s16 =	smul.u32 $0x147B, s19;
	_ =	sdelay $0x1  }
0x139: {  	s16 =	sshrl.u32 s16, $0x11  }
0x13a: {  	s16 =	smul.u32 $0xC8, s16;
	_ =	sdelay $0x1  }
0x13b: {  	v12 =	vadd.f32 v13, v12;
	s16 =	ssub.s32 s17, s16  }
0x13c: {  	s16 =	sshll.u32 s16, $0x6  }
0x13d: {  	[tilespmem:s22+$0xB0] =	vst v12;
	v12 =	vld [tilespmem:s22+$0xC0];
	s16 =	sand.u32 $0xFFC0, s16  }
0x13e: {  	v13 =	vld [tilespmem:s16+$0x1A2C0];
	_ =	sdelay $0x4  }
0x13f: {  	v12 =	vadd.f32 v13, v12;
	_ =	sdelay $0x1  }
0x140: {  	[tilespmem:s22+$0xC0] =	vst v12;
	v12 =	vld [tilespmem:s22+$0xD0]  }
0x141: {  	v13 =	vld [tilespmem:s16+$0x1A2D0];
	_ =	sdelay $0x3  }
.Ltmp0:
0x142: {  	(pc) =	sbr.rel @p0 .LBB2_3-.Ltmp0, $3  }
0x143: {  	v12 =	vadd.f32 v13, v12;
	_ =	sdelay $0x1  }
0x144: {  	[tilespmem:s22+$0xD0] =	vst v12;
	v12 =	vld [tilespmem:s22+$0xE0]  }
0x145: {  	v13 =	vld [tilespmem:s16+$0x1A2E0]  }
0x146: {  	_ =	sdelay $0x3  }
0x147: {  	v12 =	vadd.f32 v13, v12;
	_ =	sdelay $0x1  }
0x148: {  	v62 =	vld [tilespmem:s22+$0xF0];
	[tilespmem:s22+$0xE0] =	vst v12  }
0x149: {  	v63 =	vld [tilespmem:s16+$0x1A2F0];
	_ =	sdelay $0x4  }
0x14a: {  	v12 =	vadd.f32 v63, v62  }
0x14b: {  	s8 =	sshll.u32 s8, $0x3  }
0x14c: {  	s20 =	simm.s32 $0x0;
	s24 =	sadd.s32 s9, s8;
	[tilespmem:s23+$0xF0] =	vst v12  }
0x14d: {  	[hbm4b:s24+s20] =	stream.linear.scatter [tilespmem:s26], [sflag:$0x2], $0xC800, $0x38;
	[tilespmem:$0x1D5C0] =	vst v63  }
0x14e: {  	_ =	swait.ge [sflag:s21], $0xC800  }
0x14f: {  	[sflag:s21] =	ssyncset.done $0x0  }
0x150: {  	s17 =	sadd.s32 s4, s7;
	[sflag:s21] =	ssyncadd.s32 $0xFFFF3800  }
0x151: {  	[tilespmem:s29], [sflag:$0x2] =	stream.linear.gather [hbm4b:s17+s20], $0x320, $0x38;
	[tilespmem:$0x1D5C0] =	vst v63  }
0x152: {  	_ =	swait.ge [sflag:s21], $0x320  }
0x153: {  	[sflag:s21] =	ssyncset.done $0x0  }
0x154: {  	s19 =	sadd.s32 s5, s7;
	[sflag:s21] =	ssyncadd.s32 $0xFFFFFCE0  }
0x155: {  	[tilespmem:s30], [sflag:$0x2] =	stream.linear.gather [hbm4b:s19+s20], $0x320, $0x38;
	[tilespmem:$0x1D5C0] =	vst v63  }
0x156: {  	_ =	swait.ge [sflag:s21], $0x320  }
0x157: {  	[sflag:s21] =	ssyncset.done $0x0  }
0x158: {  	[sflag:s21] =	ssyncadd.s32 $0xFFFFFCE0  }
0x159: {  	[tilespmem:s31], [sflag:$0x1] =	stream.indirect.gather [hbm4b:s14+s25], $0x40, s29, s25, $0xb8;
	[tilespmem:$0x1D5C0] =	vst v63  }
0x15a: {  	_ =	swait.ge [sflag:s28], $0xC800  }
0x15b: {  	[sflag:s28] =	ssyncset.done $0x0  }
0x15c: {  	[sflag:s28] =	ssyncadd.s32 $0xFFFF3800  }
0x15d: {  	[tilespmem:s31], [sflag:$0x1] =	stream.indirect.gather.add.f32 [hbm:s15], $0x40, s30, s25, $0xb8;
	[tilespmem:$0x1D5C0] =	vst v63  }
0x15e: {  	_ =	swait.ge [sflag:s28], $0xC800  }
0x15f: {  	[sflag:s28] =	ssyncset.done $0x0  }
0x160: {  	s22 =	sadd.s32 s11, s8;
	[sflag:s28] =	ssyncadd.s32 $0xFFFF3800  }
0x161: {  	[hbm4b:s22+s20] =	stream.linear.scatter [tilespmem:s31], [sflag:$0x2], $0xC800, $0x38;
	[tilespmem:$0x1D5C0] =	vst v63  }
0x162: {  	_ =	swait.ge [sflag:s21], $0xC800  }
0x163: {  	[sflag:s21] =	ssyncset.done $0x0  }
0x164: {  	s23 =	sadd.s32 s2, s7;
	s22 =	simm.s32 $0xC80;
	[sflag:s21] =	ssyncadd.s32 $0xFFFF3800  }
0x165: {  	[tilespmem:s22], [sflag:$0x2] =	stream.linear.gather [hbm4b:s23+s20], $0x320, $0x38;
	[tilespmem:$0x1D5C0] =	vst v63  }
0x166: {  	_ =	swait.ge [sflag:s21], $0x320  }
0x167: {  	[sflag:s21] =	ssyncset.done $0x0  }
0x168: {  	s24 =	sadd.s32 s3, s7;
	s7 =	simm.s32 $0xFA0;
	[sflag:s21] =	ssyncadd.s32 $0xFFFFFCE0  }
0x169: {  	[tilespmem:s7], [sflag:$0x2] =	stream.linear.gather [hbm4b:s24+s20], $0x320, $0x38;
	[tilespmem:$0x1D5C0] =	vst v63  }
0x16a: {  	_ =	swait.ge [sflag:s21], $0x320  }
0x16b: {  	[sflag:s21] =	ssyncset.done $0x0  }
0x16c: {  	s23 =	simm.s32 $0xDCC0;
	[sflag:s21] =	ssyncadd.s32 $0xFFFFFCE0  }
.LBB2_5:
0x16d: {  	s16 =	sand.u32 $0xFFF8, s20  }
0x16e: {  	s16 =	sshrl.u32 s16, $0x3  }
0x16f: {  	s16 =	smul.u32 $0x147B, s16;
	_ =	sdelay $0x1  }
0x170: {  	s16 =	sshrl.u32 s16, $0x11  }
0x171: {  	s16 =	smul.u32 $0xC8, s16;
	_ =	sdelay $0x1  }
0x172: {  	s16 =	ssub.s32 s20, s16  }
0x173: {  	v13 =	vld [tilespmem:s22+$0x0];
	s16 =	sshll.u32 s16, $0x6  }
0x174: {  	v12 =	vld [tilespmem:s7+$0x0];
	s16 =	sand.u32 $0xFFC0, s16  }
0x175: {  	v14 =	vld [tilespmem:s16+$0x1A2C0];
	_ =	sdelay $0x2  }
0x176: {  	v15 =	vbroadcast v13, $0x0;
	_ =	sdelay $0x1  }
0x177: {  	v17 =	vbroadcast v12, $0x0;
	v16 =	vmul.f32 v15, v2;
	v14 =	vadd.f32 v14, v1;
	_ =	sdelay $0x1  }
0x178: {  	v59 =	vmul.f32 v17, v0;
	v14 =	vadd.f32 v14, v16;
	_ =	sdelay $0x1  }
0x179: {  	v14 =	vadd.f32 v14, v59;
	_ =	sdelay $0x1  }
0x17a: {  	[tilespmem:s23+$0xFFFFFE00] =	vst v14  }
0x17b: {  	v14 =	vld [tilespmem:s16+$0x1A2D0];
	_ =	sdelay $0x4  }
0x17c: {  	v60 =	vmul.f32 v15, v5;
	v14 =	vadd.f32 v14, v4;
	_ =	sdelay $0x1  }
0x17d: {  	v61 =	vmul.f32 v17, v3;
	v14 =	vadd.f32 v14, v60;
	_ =	sdelay $0x1  }
0x17e: {  	v14 =	vadd.f32 v14, v61;
	_ =	sdelay $0x1  }
0x17f: {  	[tilespmem:s23+$0xFFFFFE10] =	vst v14  }
0x180: {  	v14 =	vld [tilespmem:s16+$0x1A2E0];
	_ =	sdelay $0x4  }
0x181: {  	v62 =	vmul.f32 v15, v8;
	v14 =	vadd.f32 v14, v7;
	_ =	sdelay $0x1  }
0x182: {  	v63 =	vmul.f32 v17, v6;
	v14 =	vadd.f32 v14, v62;
	_ =	sdelay $0x1  }
0x183: {  	v14 =	vadd.f32 v14, v63;
	_ =	sdelay $0x1  }
0x184: {  	[tilespmem:s23+$0xFFFFFE20] =	vst v14  }
0x185: {  	v14 =	vld [tilespmem:s16+$0x1A2F0]  }
0x186: {  	s24 =	sadd.s32 $0x1, s20  }
0x187: {  	s17 =	sand.u32 $0xFFF8, s24  }
0x188: {  	s17 =	sshrl.u32 s17, $0x3  }
0x189: {  	s17 =	smul.u32 $0x147B, s17  }
0x18a: {  	v15 =	vmul.f32 v15, v11;
	v14 =	vadd.f32 v14, v10  }
0x18b: {  	s17 =	sshrl.u32 s17, $0x11  }
0x18c: {  	s17 =	smul.u32 $0xC8, s17;
	v19 =	vmul.f32 v17, v9;
	v14 =	vadd.f32 v14, v15;
	_ =	sdelay $0x1  }
0x18d: {  	s16 =	ssub.s32 s24, s17;
	v14 =	vadd.f32 v14, v19  }
0x18e: {  	s16 =	sshll.u32 s16, $0x6  }
0x18f: {  	s16 =	sand.u32 $0xFFC0, s16;
	[tilespmem:s23+$0xFFFFFE30] =	vst v14  }
0x190: {  	v14 =	vld [tilespmem:s16+$0x1A2C0];
	_ =	sdelay $0x2  }
0x191: {  	v20 =	vbroadcast v13, $0x1;
	_ =	sdelay $0x1  }
0x192: {  	v22 =	vbroadcast v12, $0x1;
	v21 =	vmul.f32 v20, v2;
	v14 =	vadd.f32 v14, v1;
	_ =	sdelay $0x1  }
0x193: {  	v23 =	vmul.f32 v22, v0;
	v14 =	vadd.f32 v14, v21;
	_ =	sdelay $0x1  }
0x194: {  	v14 =	vadd.f32 v14, v23;
	_ =	sdelay $0x1  }
0x195: {  	[tilespmem:s23+$0xFFFFFE40] =	vst v14  }
0x196: {  	v14 =	vld [tilespmem:s16+$0x1A2D0];
	_ =	sdelay $0x4  }
0x197: {  	v24 =	vmul.f32 v20, v5;
	v14 =	vadd.f32 v14, v4;
	_ =	sdelay $0x1  }
0x198: {  	v25 =	vmul.f32 v22, v3;
	v14 =	vadd.f32 v14, v24;
	_ =	sdelay $0x1  }
0x199: {  	v14 =	vadd.f32 v14, v25;
	_ =	sdelay $0x1  }
0x19a: {  	[tilespmem:s23+$0xFFFFFE50] =	vst v14  }
0x19b: {  	v14 =	vld [tilespmem:s16+$0x1A2E0];
	_ =	sdelay $0x4  }
0x19c: {  	v26 =	vmul.f32 v20, v8;
	v14 =	vadd.f32 v14, v7;
	_ =	sdelay $0x1  }
0x19d: {  	v27 =	vmul.f32 v22, v6;
	v14 =	vadd.f32 v14, v26;
	_ =	sdelay $0x1  }
0x19e: {  	v14 =	vadd.f32 v14, v27;
	_ =	sdelay $0x1  }
0x19f: {  	[tilespmem:s23+$0xFFFFFE60] =	vst v14  }
0x1a0: {  	v14 =	vld [tilespmem:s16+$0x1A2F0]  }
0x1a1: {  	s19 =	sadd.s32 $0x2, s20  }
0x1a2: {  	s24 =	sand.u32 $0xFFF8, s19  }
0x1a3: {  	s17 =	sshrl.u32 s24, $0x3  }
0x1a4: {  	s17 =	smul.u32 $0x147B, s17  }
0x1a5: {  	v15 =	vmul.f32 v20, v11;
	v14 =	vadd.f32 v14, v10  }
0x1a6: {  	s17 =	sshrl.u32 s17, $0x11  }
0x1a7: {  	v28 =	vmul.f32 v22, v9;
	s17 =	smul.u32 $0xC8, s17;
	v14 =	vadd.f32 v14, v15;
	_ =	sdelay $0x1  }
0x1a8: {  	s16 =	ssub.s32 s19, s17;
	v14 =	vadd.f32 v14, v28  }
0x1a9: {  	s16 =	sshll.u32 s16, $0x6  }
0x1aa: {  	s16 =	sand.u32 $0xFFC0, s16;
	[tilespmem:s23+$0xFFFFFE70] =	vst v14  }
0x1ab: {  	v14 =	vld [tilespmem:s16+$0x1A2C0];
	_ =	sdelay $0x2  }
0x1ac: {  	v29 =	vbroadcast v13, $0x2;
	_ =	sdelay $0x1  }
0x1ad: {  	v31 =	vbroadcast v12, $0x2;
	v30 =	vmul.f32 v29, v2;
	v14 =	vadd.f32 v14, v1;
	_ =	sdelay $0x1  }
0x1ae: {  	v32 =	vmul.f32 v31, v0;
	v14 =	vadd.f32 v14, v30;
	_ =	sdelay $0x1  }
0x1af: {  	v14 =	vadd.f32 v14, v32;
	_ =	sdelay $0x1  }
0x1b0: {  	[tilespmem:s23+$0xFFFFFE80] =	vst v14  }
0x1b1: {  	v14 =	vld [tilespmem:s16+$0x1A2D0];
	_ =	sdelay $0x4  }
0x1b2: {  	v33 =	vmul.f32 v29, v5;
	v14 =	vadd.f32 v14, v4;
	_ =	sdelay $0x1  }
0x1b3: {  	v34 =	vmul.f32 v31, v3;
	v14 =	vadd.f32 v14, v33;
	_ =	sdelay $0x1  }
0x1b4: {  	v14 =	vadd.f32 v14, v34;
	_ =	sdelay $0x1  }
0x1b5: {  	[tilespmem:s23+$0xFFFFFE90] =	vst v14  }
0x1b6: {  	v14 =	vld [tilespmem:s16+$0x1A2E0];
	_ =	sdelay $0x4  }
0x1b7: {  	v35 =	vmul.f32 v29, v8;
	v14 =	vadd.f32 v14, v7;
	_ =	sdelay $0x1  }
0x1b8: {  	v36 =	vmul.f32 v31, v6;
	v14 =	vadd.f32 v14, v35;
	_ =	sdelay $0x1  }
0x1b9: {  	v14 =	vadd.f32 v14, v36;
	_ =	sdelay $0x1  }
0x1ba: {  	[tilespmem:s23+$0xFFFFFEA0] =	vst v14  }
0x1bb: {  	v14 =	vld [tilespmem:s16+$0x1A2F0]  }
0x1bc: {  	s19 =	sadd.s32 $0x3, s20  }
0x1bd: {  	s24 =	sand.u32 $0xFFF8, s19  }
0x1be: {  	s17 =	sshrl.u32 s24, $0x3  }
0x1bf: {  	s17 =	smul.u32 $0x147B, s17  }
0x1c0: {  	v15 =	vmul.f32 v29, v11;
	v14 =	vadd.f32 v14, v10  }
0x1c1: {  	s17 =	sshrl.u32 s17, $0x11  }
0x1c2: {  	v37 =	vmul.f32 v31, v9;
	s17 =	smul.u32 $0xC8, s17;
	v14 =	vadd.f32 v14, v15;
	_ =	sdelay $0x1  }
0x1c3: {  	s16 =	ssub.s32 s19, s17;
	v14 =	vadd.f32 v14, v37  }
0x1c4: {  	s16 =	sshll.u32 s16, $0x6  }
0x1c5: {  	s16 =	sand.u32 $0xFFC0, s16;
	[tilespmem:s23+$0xFFFFFEB0] =	vst v14  }
0x1c6: {  	v14 =	vld [tilespmem:s16+$0x1A2C0];
	_ =	sdelay $0x2  }
0x1c7: {  	v38 =	vbroadcast v13, $0x3;
	_ =	sdelay $0x1  }
0x1c8: {  	v40 =	vbroadcast v12, $0x3;
	v39 =	vmul.f32 v38, v2;
	v14 =	vadd.f32 v14, v1;
	_ =	sdelay $0x1  }
0x1c9: {  	v41 =	vmul.f32 v40, v0;
	v14 =	vadd.f32 v14, v39;
	_ =	sdelay $0x1  }
0x1ca: {  	v14 =	vadd.f32 v14, v41;
	_ =	sdelay $0x1  }
0x1cb: {  	[tilespmem:s23+$0xFFFFFEC0] =	vst v14  }
0x1cc: {  	v14 =	vld [tilespmem:s16+$0x1A2D0];
	_ =	sdelay $0x4  }
0x1cd: {  	v42 =	vmul.f32 v38, v5;
	v14 =	vadd.f32 v14, v4;
	_ =	sdelay $0x1  }
0x1ce: {  	v43 =	vmul.f32 v40, v3;
	v14 =	vadd.f32 v14, v42;
	_ =	sdelay $0x1  }
0x1cf: {  	v14 =	vadd.f32 v14, v43;
	_ =	sdelay $0x1  }
0x1d0: {  	[tilespmem:s23+$0xFFFFFED0] =	vst v14  }
0x1d1: {  	v14 =	vld [tilespmem:s16+$0x1A2E0];
	_ =	sdelay $0x4  }
0x1d2: {  	v44 =	vmul.f32 v38, v8;
	v14 =	vadd.f32 v14, v7;
	_ =	sdelay $0x1  }
0x1d3: {  	v45 =	vmul.f32 v40, v6;
	v14 =	vadd.f32 v14, v44;
	_ =	sdelay $0x1  }
0x1d4: {  	v14 =	vadd.f32 v14, v45;
	_ =	sdelay $0x1  }
0x1d5: {  	[tilespmem:s23+$0xFFFFFEE0] =	vst v14  }
0x1d6: {  	v14 =	vld [tilespmem:s16+$0x1A2F0]  }
0x1d7: {  	s19 =	sadd.s32 $0x4, s20  }
0x1d8: {  	s24 =	sand.u32 $0xFFF8, s19  }
0x1d9: {  	s17 =	sshrl.u32 s24, $0x3  }
0x1da: {  	s17 =	smul.u32 $0x147B, s17  }
0x1db: {  	v15 =	vmul.f32 v38, v11;
	v14 =	vadd.f32 v14, v10  }
0x1dc: {  	s17 =	sshrl.u32 s17, $0x11  }
0x1dd: {  	v46 =	vmul.f32 v40, v9;
	s17 =	smul.u32 $0xC8, s17;
	v14 =	vadd.f32 v14, v15;
	_ =	sdelay $0x1  }
0x1de: {  	s16 =	ssub.s32 s19, s17;
	v14 =	vadd.f32 v14, v46  }
0x1df: {  	s16 =	sshll.u32 s16, $0x6  }
0x1e0: {  	s16 =	sand.u32 $0xFFC0, s16;
	[tilespmem:s23+$0xFFFFFEF0] =	vst v14  }
0x1e1: {  	v14 =	vld [tilespmem:s16+$0x1A2C0];
	_ =	sdelay $0x2  }
0x1e2: {  	v47 =	vbroadcast v13, $0x4;
	_ =	sdelay $0x1  }
0x1e3: {  	v49 =	vbroadcast v12, $0x4;
	v48 =	vmul.f32 v47, v2;
	v14 =	vadd.f32 v14, v1;
	_ =	sdelay $0x1  }
0x1e4: {  	v50 =	vmul.f32 v49, v0;
	v14 =	vadd.f32 v14, v48;
	_ =	sdelay $0x1  }
0x1e5: {  	v14 =	vadd.f32 v14, v50;
	_ =	sdelay $0x1  }
0x1e6: {  	[tilespmem:s23+$0xFFFFFF00] =	vst v14  }
0x1e7: {  	v14 =	vld [tilespmem:s16+$0x1A2D0];
	_ =	sdelay $0x4  }
0x1e8: {  	v51 =	vmul.f32 v47, v5;
	v14 =	vadd.f32 v14, v4;
	_ =	sdelay $0x1  }
0x1e9: {  	v52 =	vmul.f32 v49, v3;
	v14 =	vadd.f32 v14, v51;
	_ =	sdelay $0x1  }
0x1ea: {  	v14 =	vadd.f32 v14, v52;
	_ =	sdelay $0x1  }
0x1eb: {  	[tilespmem:s23+$0xFFFFFF10] =	vst v14  }
0x1ec: {  	v14 =	vld [tilespmem:s16+$0x1A2E0];
	_ =	sdelay $0x4  }
0x1ed: {  	v53 =	vmul.f32 v47, v8;
	v14 =	vadd.f32 v14, v7;
	_ =	sdelay $0x1  }
0x1ee: {  	v54 =	vmul.f32 v49, v6;
	v14 =	vadd.f32 v14, v53;
	_ =	sdelay $0x1  }
0x1ef: {  	v14 =	vadd.f32 v14, v54;
	_ =	sdelay $0x1  }
0x1f0: {  	[tilespmem:s23+$0xFFFFFF20] =	vst v14  }
0x1f1: {  	v14 =	vld [tilespmem:s16+$0x1A2F0]  }
0x1f2: {  	s19 =	sadd.s32 $0x5, s20  }
0x1f3: {  	s24 =	sand.u32 $0xFFF8, s19  }
0x1f4: {  	s17 =	sshrl.u32 s24, $0x3  }
0x1f5: {  	s17 =	smul.u32 $0x147B, s17  }
0x1f6: {  	v15 =	vmul.f32 v47, v11;
	v14 =	vadd.f32 v14, v10  }
0x1f7: {  	s17 =	sshrl.u32 s17, $0x11  }
0x1f8: {  	v55 =	vmul.f32 v49, v9;
	s17 =	smul.u32 $0xC8, s17;
	v14 =	vadd.f32 v14, v15;
	_ =	sdelay $0x1  }
0x1f9: {  	s16 =	ssub.s32 s19, s17;
	v14 =	vadd.f32 v14, v55  }
0x1fa: {  	s16 =	sshll.u32 s16, $0x6  }
0x1fb: {  	s16 =	sand.u32 $0xFFC0, s16;
	[tilespmem:s23+$0xFFFFFF30] =	vst v14  }
0x1fc: {  	v14 =	vld [tilespmem:s16+$0x1A2C0];
	_ =	sdelay $0x2  }
0x1fd: {  	v56 =	vbroadcast v13, $0x5;
	_ =	sdelay $0x1  }
0x1fe: {  	v58 =	vbroadcast v12, $0x5;
	v57 =	vmul.f32 v56, v2;
	v14 =	vadd.f32 v14, v1;
	_ =	sdelay $0x1  }
0x1ff: {  	v59 =	vmul.f32 v58, v0;
	v14 =	vadd.f32 v14, v57;
	_ =	sdelay $0x1  }
0x200: {  	v14 =	vadd.f32 v14, v59;
	_ =	sdelay $0x1  }
0x201: {  	[tilespmem:s23+$0xFFFFFF40] =	vst v14  }
0x202: {  	v14 =	vld [tilespmem:s16+$0x1A2D0];
	_ =	sdelay $0x4  }
0x203: {  	v60 =	vmul.f32 v56, v5;
	v14 =	vadd.f32 v14, v4;
	_ =	sdelay $0x1  }
0x204: {  	v61 =	vmul.f32 v58, v3;
	v14 =	vadd.f32 v14, v60;
	_ =	sdelay $0x1  }
0x205: {  	v14 =	vadd.f32 v14, v61;
	_ =	sdelay $0x1  }
0x206: {  	[tilespmem:s23+$0xFFFFFF50] =	vst v14  }
0x207: {  	v14 =	vld [tilespmem:s16+$0x1A2E0];
	_ =	sdelay $0x4  }
0x208: {  	v62 =	vmul.f32 v56, v8;
	v14 =	vadd.f32 v14, v7;
	_ =	sdelay $0x1  }
0x209: {  	v63 =	vmul.f32 v58, v6;
	v14 =	vadd.f32 v14, v62;
	_ =	sdelay $0x1  }
0x20a: {  	v14 =	vadd.f32 v14, v63;
	_ =	sdelay $0x1  }
0x20b: {  	[tilespmem:s23+$0xFFFFFF60] =	vst v14  }
0x20c: {  	v14 =	vld [tilespmem:s16+$0x1A2F0]  }
0x20d: {  	s19 =	sadd.s32 $0x6, s20  }
0x20e: {  	s24 =	sand.u32 $0xFFF8, s19  }
0x20f: {  	s17 =	sshrl.u32 s24, $0x3  }
0x210: {  	s17 =	smul.u32 $0x147B, s17  }
0x211: {  	v15 =	vmul.f32 v56, v11;
	v14 =	vadd.f32 v14, v10  }
0x212: {  	s17 =	sshrl.u32 s17, $0x11  }
0x213: {  	v20 =	vmul.f32 v58, v9;
	s17 =	smul.u32 $0xC8, s17;
	v14 =	vadd.f32 v14, v15;
	_ =	sdelay $0x1  }
0x214: {  	s16 =	ssub.s32 s19, s17;
	v14 =	vadd.f32 v14, v20  }
0x215: {  	s16 =	sshll.u32 s16, $0x6  }
0x216: {  	s16 =	sand.u32 $0xFFC0, s16;
	[tilespmem:s23+$0xFFFFFF70] =	vst v14  }
0x217: {  	v14 =	vld [tilespmem:s16+$0x1A2C0];
	_ =	sdelay $0x2  }
0x218: {  	v21 =	vbroadcast v13, $0x6;
	_ =	sdelay $0x1  }
0x219: {  	v22 =	vmul.f32 v21, v2;
	v23 =	vbroadcast v12, $0x6;
	v14 =	vadd.f32 v14, v1;
	_ =	sdelay $0x1  }
0x21a: {  	v24 =	vmul.f32 v23, v0;
	v14 =	vadd.f32 v14, v22;
	_ =	sdelay $0x1  }
0x21b: {  	v14 =	vadd.f32 v14, v24;
	_ =	sdelay $0x1  }
0x21c: {  	[tilespmem:s23+$0xFFFFFF80] =	vst v14  }
0x21d: {  	v14 =	vld [tilespmem:s16+$0x1A2D0];
	_ =	sdelay $0x4  }
0x21e: {  	v25 =	vmul.f32 v21, v5;
	v14 =	vadd.f32 v14, v4;
	_ =	sdelay $0x1  }
0x21f: {  	v26 =	vmul.f32 v23, v3;
	v14 =	vadd.f32 v14, v25;
	_ =	sdelay $0x1  }
0x220: {  	v14 =	vadd.f32 v14, v26;
	_ =	sdelay $0x1  }
0x221: {  	[tilespmem:s23+$0xFFFFFF90] =	vst v14  }
0x222: {  	v14 =	vld [tilespmem:s16+$0x1A2E0];
	_ =	sdelay $0x4  }
0x223: {  	v27 =	vmul.f32 v21, v8;
	v14 =	vadd.f32 v14, v7;
	_ =	sdelay $0x1  }
0x224: {  	v28 =	vmul.f32 v23, v6;
	v14 =	vadd.f32 v14, v27;
	_ =	sdelay $0x1  }
0x225: {  	v14 =	vadd.f32 v14, v28;
	_ =	sdelay $0x1  }
0x226: {  	[tilespmem:s23+$0xFFFFFFA0] =	vst v14  }
0x227: {  	v14 =	vld [tilespmem:s16+$0x1A2F0]  }
0x228: {  	s19 =	sadd.s32 $0x7, s20  }
0x229: {  	s24 =	sand.u32 $0xFFF8, s19  }
0x22a: {  	s17 =	sshrl.u32 s24, $0x3  }
0x22b: {  	s17 =	smul.u32 $0x147B, s17  }
0x22c: {  	v15 =	vmul.f32 v21, v11;
	v14 =	vadd.f32 v14, v10  }
0x22d: {  	s17 =	sshrl.u32 s17, $0x11  }
0x22e: {  	v29 =	vmul.f32 v23, v9;
	s17 =	smul.u32 $0xC8, s17;
	v14 =	vadd.f32 v14, v15;
	_ =	sdelay $0x1  }
0x22f: {  	s16 =	ssub.s32 s19, s17;
	v14 =	vadd.f32 v14, v29  }
0x230: {  	s16 =	sshll.u32 s16, $0x6  }
0x231: {  	s16 =	sand.u32 $0xFFC0, s16;
	[tilespmem:s23+$0xFFFFFFB0] =	vst v14  }
0x232: {  	v14 =	vld [tilespmem:s16+$0x1A2C0];
	_ =	sdelay $0x2  }
0x233: {  	v30 =	vbroadcast v13, $0x7;
	_ =	sdelay $0x1  }
0x234: {  	v31 =	vmul.f32 v30, v2;
	v32 =	vbroadcast v12, $0x7;
	v14 =	vadd.f32 v14, v1;
	_ =	sdelay $0x1  }
0x235: {  	v33 =	vmul.f32 v32, v0;
	v14 =	vadd.f32 v14, v31;
	_ =	sdelay $0x1  }
0x236: {  	v14 =	vadd.f32 v14, v33;
	_ =	sdelay $0x1  }
0x237: {  	[tilespmem:s23+$0xFFFFFFC0] =	vst v14  }
0x238: {  	v14 =	vld [tilespmem:s16+$0x1A2D0];
	_ =	sdelay $0x4  }
0x239: {  	v34 =	vmul.f32 v30, v5;
	v14 =	vadd.f32 v14, v4;
	_ =	sdelay $0x1  }
0x23a: {  	v35 =	vmul.f32 v32, v3;
	v14 =	vadd.f32 v14, v34;
	_ =	sdelay $0x1  }
0x23b: {  	v14 =	vadd.f32 v14, v35;
	_ =	sdelay $0x1  }
0x23c: {  	[tilespmem:s23+$0xFFFFFFD0] =	vst v14  }
0x23d: {  	v14 =	vld [tilespmem:s16+$0x1A2E0];
	_ =	sdelay $0x4  }
0x23e: {  	v36 =	vmul.f32 v30, v8;
	v14 =	vadd.f32 v14, v7;
	_ =	sdelay $0x1  }
0x23f: {  	v37 =	vmul.f32 v32, v6;
	v14 =	vadd.f32 v14, v36;
	_ =	sdelay $0x1  }
0x240: {  	v14 =	vadd.f32 v14, v37;
	_ =	sdelay $0x1  }
0x241: {  	[tilespmem:s23+$0xFFFFFFE0] =	vst v14  }
0x242: {  	v14 =	vld [tilespmem:s16+$0x1A2F0]  }
0x243: {  	s19 =	sadd.s32 $0x8, s20  }
0x244: {  	s24 =	sand.u32 $0xFFF8, s19  }
0x245: {  	s17 =	sshrl.u32 s24, $0x3  }
0x246: {  	s17 =	smul.u32 $0x147B, s17  }
0x247: {  	v15 =	vmul.f32 v30, v11;
	v14 =	vadd.f32 v14, v10  }
0x248: {  	s17 =	sshrl.u32 s17, $0x11  }
0x249: {  	v38 =	vmul.f32 v32, v9;
	s17 =	smul.u32 $0xC8, s17;
	v14 =	vadd.f32 v14, v15;
	_ =	sdelay $0x1  }
0x24a: {  	s16 =	ssub.s32 s19, s17;
	v14 =	vadd.f32 v14, v38  }
0x24b: {  	s16 =	sshll.u32 s16, $0x6  }
0x24c: {  	s16 =	sand.u32 $0xFFC0, s16;
	[tilespmem:s23+$0xFFFFFFF0] =	vst v14  }
0x24d: {  	v14 =	vld [tilespmem:s16+$0x1A2C0];
	_ =	sdelay $0x2  }
0x24e: {  	v39 =	vbroadcast v13, $0x8;
	_ =	sdelay $0x1  }
0x24f: {  	v40 =	vmul.f32 v39, v2;
	v41 =	vbroadcast v12, $0x8;
	v14 =	vadd.f32 v14, v1;
	_ =	sdelay $0x1  }
0x250: {  	v42 =	vmul.f32 v41, v0;
	v14 =	vadd.f32 v14, v40;
	_ =	sdelay $0x1  }
0x251: {  	v14 =	vadd.f32 v14, v42;
	_ =	sdelay $0x1  }
0x252: {  	[tilespmem:s23+$0x0] =	vst v14  }
0x253: {  	v14 =	vld [tilespmem:s16+$0x1A2D0];
	_ =	sdelay $0x4  }
0x254: {  	v43 =	vmul.f32 v39, v5;
	v14 =	vadd.f32 v14, v4;
	_ =	sdelay $0x1  }
0x255: {  	v44 =	vmul.f32 v41, v3;
	v14 =	vadd.f32 v14, v43;
	_ =	sdelay $0x1  }
0x256: {  	v14 =	vadd.f32 v14, v44;
	_ =	sdelay $0x1  }
0x257: {  	[tilespmem:s23+$0x10] =	vst v14  }
0x258: {  	v14 =	vld [tilespmem:s16+$0x1A2E0];
	_ =	sdelay $0x4  }
0x259: {  	v45 =	vmul.f32 v39, v8;
	v14 =	vadd.f32 v14, v7;
	_ =	sdelay $0x1  }
0x25a: {  	v46 =	vmul.f32 v41, v6;
	v14 =	vadd.f32 v14, v45;
	_ =	sdelay $0x1  }
0x25b: {  	v14 =	vadd.f32 v14, v46;
	_ =	sdelay $0x1  }
0x25c: {  	[tilespmem:s23+$0x20] =	vst v14  }
0x25d: {  	v14 =	vld [tilespmem:s16+$0x1A2F0]  }
0x25e: {  	s19 =	sadd.s32 $0x9, s20  }
0x25f: {  	s24 =	sand.u32 $0xFFF8, s19  }
0x260: {  	s17 =	sshrl.u32 s24, $0x3  }
0x261: {  	s17 =	smul.u32 $0x147B, s17  }
0x262: {  	v15 =	vmul.f32 v39, v11;
	v14 =	vadd.f32 v14, v10  }
0x263: {  	s17 =	sshrl.u32 s17, $0x11  }
0x264: {  	v47 =	vmul.f32 v41, v9;
	s17 =	smul.u32 $0xC8, s17;
	v14 =	vadd.f32 v14, v15;
	_ =	sdelay $0x1  }
0x265: {  	s16 =	ssub.s32 s19, s17;
	v14 =	vadd.f32 v14, v47  }
0x266: {  	s16 =	sshll.u32 s16, $0x6  }
0x267: {  	s16 =	sand.u32 $0xFFC0, s16;
	[tilespmem:s23+$0x30] =	vst v14  }
0x268: {  	v14 =	vld [tilespmem:s16+$0x1A2C0];
	_ =	sdelay $0x2  }
0x269: {  	v48 =	vbroadcast v13, $0x9;
	_ =	sdelay $0x1  }
0x26a: {  	v49 =	vmul.f32 v48, v2;
	v50 =	vbroadcast v12, $0x9;
	v14 =	vadd.f32 v14, v1;
	_ =	sdelay $0x1  }
0x26b: {  	v51 =	vmul.f32 v50, v0;
	v14 =	vadd.f32 v14, v49;
	_ =	sdelay $0x1  }
0x26c: {  	v14 =	vadd.f32 v14, v51;
	_ =	sdelay $0x1  }
0x26d: {  	[tilespmem:s23+$0x40] =	vst v14  }
0x26e: {  	v14 =	vld [tilespmem:s16+$0x1A2D0];
	_ =	sdelay $0x4  }
0x26f: {  	v52 =	vmul.f32 v48, v5;
	v14 =	vadd.f32 v14, v4;
	_ =	sdelay $0x1  }
0x270: {  	v53 =	vmul.f32 v50, v3;
	v14 =	vadd.f32 v14, v52;
	_ =	sdelay $0x1  }
0x271: {  	v14 =	vadd.f32 v14, v53;
	_ =	sdelay $0x1  }
0x272: {  	[tilespmem:s23+$0x50] =	vst v14  }
0x273: {  	v14 =	vld [tilespmem:s16+$0x1A2E0];
	_ =	sdelay $0x4  }
0x274: {  	v54 =	vmul.f32 v48, v8;
	v14 =	vadd.f32 v14, v7;
	_ =	sdelay $0x1  }
0x275: {  	v55 =	vmul.f32 v50, v6;
	v14 =	vadd.f32 v14, v54;
	_ =	sdelay $0x1  }
0x276: {  	v14 =	vadd.f32 v14, v55;
	_ =	sdelay $0x1  }
0x277: {  	[tilespmem:s23+$0x60] =	vst v14  }
0x278: {  	v14 =	vld [tilespmem:s16+$0x1A2F0]  }
0x279: {  	s19 =	sadd.s32 $0xA, s20  }
0x27a: {  	s24 =	sand.u32 $0xFFF8, s19  }
0x27b: {  	s17 =	sshrl.u32 s24, $0x3  }
0x27c: {  	s17 =	smul.u32 $0x147B, s17  }
0x27d: {  	v15 =	vmul.f32 v48, v11;
	v14 =	vadd.f32 v14, v10  }
0x27e: {  	s17 =	sshrl.u32 s17, $0x11  }
0x27f: {  	v56 =	vmul.f32 v50, v9;
	s17 =	smul.u32 $0xC8, s17;
	v14 =	vadd.f32 v14, v15;
	_ =	sdelay $0x1  }
0x280: {  	s16 =	ssub.s32 s19, s17;
	v14 =	vadd.f32 v14, v56  }
0x281: {  	s16 =	sshll.u32 s16, $0x6  }
0x282: {  	s16 =	sand.u32 $0xFFC0, s16;
	[tilespmem:s23+$0x70] =	vst v14  }
0x283: {  	v14 =	vld [tilespmem:s16+$0x1A2C0];
	_ =	sdelay $0x2  }
0x284: {  	v57 =	vbroadcast v13, $0xA;
	_ =	sdelay $0x1  }
0x285: {  	v58 =	vmul.f32 v57, v2;
	v59 =	vbroadcast v12, $0xA;
	v14 =	vadd.f32 v14, v1;
	_ =	sdelay $0x1  }
0x286: {  	v60 =	vmul.f32 v59, v0;
	v14 =	vadd.f32 v14, v58;
	_ =	sdelay $0x1  }
0x287: {  	v14 =	vadd.f32 v14, v60;
	_ =	sdelay $0x1  }
0x288: {  	[tilespmem:s23+$0x80] =	vst v14  }
0x289: {  	v14 =	vld [tilespmem:s16+$0x1A2D0];
	_ =	sdelay $0x4  }
0x28a: {  	v61 =	vmul.f32 v57, v5;
	v14 =	vadd.f32 v14, v4;
	_ =	sdelay $0x1  }
0x28b: {  	v62 =	vmul.f32 v59, v3;
	v14 =	vadd.f32 v14, v61;
	_ =	sdelay $0x1  }
0x28c: {  	v14 =	vadd.f32 v14, v62;
	_ =	sdelay $0x1  }
0x28d: {  	[tilespmem:s23+$0x90] =	vst v14  }
0x28e: {  	v14 =	vld [tilespmem:s16+$0x1A2E0];
	_ =	sdelay $0x4  }
0x28f: {  	v63 =	vmul.f32 v57, v8;
	v14 =	vadd.f32 v14, v7;
	_ =	sdelay $0x1  }
0x290: {  	v20 =	vmul.f32 v59, v6;
	v14 =	vadd.f32 v14, v63;
	_ =	sdelay $0x1  }
0x291: {  	v14 =	vadd.f32 v14, v20;
	_ =	sdelay $0x1  }
0x292: {  	[tilespmem:s23+$0xA0] =	vst v14  }
0x293: {  	v14 =	vld [tilespmem:s16+$0x1A2F0]  }
0x294: {  	s19 =	sadd.s32 $0xB, s20  }
0x295: {  	s24 =	sand.u32 $0xFFF8, s19  }
0x296: {  	s17 =	sshrl.u32 s24, $0x3  }
0x297: {  	s17 =	smul.u32 $0x147B, s17  }
0x298: {  	v15 =	vmul.f32 v57, v11;
	v14 =	vadd.f32 v14, v10  }
0x299: {  	s17 =	sshrl.u32 s17, $0x11  }
0x29a: {  	v21 =	vmul.f32 v59, v9;
	s17 =	smul.u32 $0xC8, s17;
	v14 =	vadd.f32 v14, v15;
	_ =	sdelay $0x1  }
0x29b: {  	s16 =	ssub.s32 s19, s17;
	v14 =	vadd.f32 v14, v21  }
0x29c: {  	s16 =	sshll.u32 s16, $0x6  }
0x29d: {  	s16 =	sand.u32 $0xFFC0, s16;
	[tilespmem:s23+$0xB0] =	vst v14  }
0x29e: {  	v14 =	vld [tilespmem:s16+$0x1A2C0];
	_ =	sdelay $0x2  }
0x29f: {  	v22 =	vbroadcast v13, $0xB;
	_ =	sdelay $0x1  }
0x2a0: {  	v23 =	vmul.f32 v22, v2;
	v24 =	vbroadcast v12, $0xB;
	v14 =	vadd.f32 v14, v1;
	_ =	sdelay $0x1  }
0x2a1: {  	v25 =	vmul.f32 v24, v0;
	v14 =	vadd.f32 v14, v23;
	_ =	sdelay $0x1  }
0x2a2: {  	v14 =	vadd.f32 v14, v25;
	_ =	sdelay $0x1  }
0x2a3: {  	[tilespmem:s23+$0xC0] =	vst v14  }
0x2a4: {  	v14 =	vld [tilespmem:s16+$0x1A2D0];
	_ =	sdelay $0x4  }
0x2a5: {  	v26 =	vmul.f32 v22, v5;
	v14 =	vadd.f32 v14, v4;
	_ =	sdelay $0x1  }
0x2a6: {  	v27 =	vmul.f32 v24, v3;
	v14 =	vadd.f32 v14, v26;
	_ =	sdelay $0x1  }
0x2a7: {  	v14 =	vadd.f32 v14, v27;
	_ =	sdelay $0x1  }
0x2a8: {  	[tilespmem:s23+$0xD0] =	vst v14  }
0x2a9: {  	v14 =	vld [tilespmem:s16+$0x1A2E0];
	_ =	sdelay $0x4  }
0x2aa: {  	v28 =	vmul.f32 v22, v8;
	v14 =	vadd.f32 v14, v7;
	_ =	sdelay $0x1  }
0x2ab: {  	v29 =	vmul.f32 v24, v6;
	v14 =	vadd.f32 v14, v28;
	_ =	sdelay $0x1  }
0x2ac: {  	v14 =	vadd.f32 v14, v29;
	_ =	sdelay $0x1  }
0x2ad: {  	[tilespmem:s23+$0xE0] =	vst v14  }
0x2ae: {  	v14 =	vld [tilespmem:s16+$0x1A2F0]  }
0x2af: {  	s19 =	sadd.s32 $0xC, s20  }
0x2b0: {  	s24 =	sand.u32 $0xFFF8, s19  }
0x2b1: {  	s17 =	sshrl.u32 s24, $0x3  }
0x2b2: {  	s17 =	smul.u32 $0x147B, s17  }
0x2b3: {  	v15 =	vmul.f32 v22, v11;
	v14 =	vadd.f32 v14, v10  }
0x2b4: {  	s17 =	sshrl.u32 s17, $0x11  }
0x2b5: {  	v30 =	vmul.f32 v24, v9;
	s17 =	smul.u32 $0xC8, s17;
	v14 =	vadd.f32 v14, v15;
	_ =	sdelay $0x1  }
0x2b6: {  	s16 =	ssub.s32 s19, s17;
	v14 =	vadd.f32 v14, v30  }
0x2b7: {  	s16 =	sshll.u32 s16, $0x6  }
0x2b8: {  	s16 =	sand.u32 $0xFFC0, s16;
	[tilespmem:s23+$0xF0] =	vst v14  }
0x2b9: {  	v14 =	vld [tilespmem:s16+$0x1A2C0];
	_ =	sdelay $0x2  }
0x2ba: {  	v31 =	vbroadcast v13, $0xC;
	_ =	sdelay $0x1  }
0x2bb: {  	v32 =	vmul.f32 v31, v2;
	v33 =	vbroadcast v12, $0xC;
	v14 =	vadd.f32 v14, v1;
	_ =	sdelay $0x1  }
0x2bc: {  	v34 =	vmul.f32 v33, v0;
	v14 =	vadd.f32 v14, v32;
	_ =	sdelay $0x1  }
0x2bd: {  	v14 =	vadd.f32 v14, v34;
	_ =	sdelay $0x1  }
0x2be: {  	[tilespmem:s23+$0x100] =	vst v14  }
0x2bf: {  	v14 =	vld [tilespmem:s16+$0x1A2D0];
	_ =	sdelay $0x4  }
0x2c0: {  	v35 =	vmul.f32 v31, v5;
	v14 =	vadd.f32 v14, v4;
	_ =	sdelay $0x1  }
0x2c1: {  	v36 =	vmul.f32 v33, v3;
	v14 =	vadd.f32 v14, v35;
	_ =	sdelay $0x1  }
0x2c2: {  	v14 =	vadd.f32 v14, v36;
	_ =	sdelay $0x1  }
0x2c3: {  	[tilespmem:s23+$0x110] =	vst v14  }
0x2c4: {  	v14 =	vld [tilespmem:s16+$0x1A2E0];
	_ =	sdelay $0x4  }
0x2c5: {  	v37 =	vmul.f32 v31, v8;
	v14 =	vadd.f32 v14, v7;
	_ =	sdelay $0x1  }
0x2c6: {  	v38 =	vmul.f32 v33, v6;
	v14 =	vadd.f32 v14, v37;
	_ =	sdelay $0x1  }
0x2c7: {  	v14 =	vadd.f32 v14, v38;
	_ =	sdelay $0x1  }
0x2c8: {  	[tilespmem:s23+$0x120] =	vst v14  }
0x2c9: {  	v14 =	vld [tilespmem:s16+$0x1A2F0]  }
0x2ca: {  	s19 =	sadd.s32 $0xD, s20  }
0x2cb: {  	s24 =	sand.u32 $0xFFF8, s19  }
0x2cc: {  	s17 =	sshrl.u32 s24, $0x3  }
0x2cd: {  	s17 =	smul.u32 $0x147B, s17  }
0x2ce: {  	v15 =	vmul.f32 v31, v11;
	v14 =	vadd.f32 v14, v10  }
0x2cf: {  	s17 =	sshrl.u32 s17, $0x11  }
0x2d0: {  	v39 =	vmul.f32 v33, v9;
	s17 =	smul.u32 $0xC8, s17;
	v14 =	vadd.f32 v14, v15;
	_ =	sdelay $0x1  }
0x2d1: {  	s16 =	ssub.s32 s19, s17;
	v14 =	vadd.f32 v14, v39  }
0x2d2: {  	s16 =	sshll.u32 s16, $0x6  }
0x2d3: {  	s16 =	sand.u32 $0xFFC0, s16;
	[tilespmem:s23+$0x130] =	vst v14  }
0x2d4: {  	v14 =	vld [tilespmem:s16+$0x1A2C0];
	_ =	sdelay $0x2  }
0x2d5: {  	v40 =	vbroadcast v13, $0xD;
	_ =	sdelay $0x1  }
0x2d6: {  	v41 =	vmul.f32 v40, v2;
	v42 =	vbroadcast v12, $0xD;
	v14 =	vadd.f32 v14, v1;
	_ =	sdelay $0x1  }
0x2d7: {  	v43 =	vmul.f32 v42, v0;
	v14 =	vadd.f32 v14, v41;
	_ =	sdelay $0x1  }
0x2d8: {  	v14 =	vadd.f32 v14, v43;
	_ =	sdelay $0x1  }
0x2d9: {  	[tilespmem:s23+$0x140] =	vst v14  }
0x2da: {  	v14 =	vld [tilespmem:s16+$0x1A2D0];
	_ =	sdelay $0x4  }
0x2db: {  	v44 =	vmul.f32 v40, v5;
	v14 =	vadd.f32 v14, v4;
	_ =	sdelay $0x1  }
0x2dc: {  	v45 =	vmul.f32 v42, v3;
	v14 =	vadd.f32 v14, v44;
	_ =	sdelay $0x1  }
0x2dd: {  	v14 =	vadd.f32 v14, v45;
	_ =	sdelay $0x1  }
0x2de: {  	[tilespmem:s23+$0x150] =	vst v14  }
0x2df: {  	v14 =	vld [tilespmem:s16+$0x1A2E0];
	_ =	sdelay $0x4  }
0x2e0: {  	v46 =	vmul.f32 v40, v8;
	v14 =	vadd.f32 v14, v7;
	_ =	sdelay $0x1  }
0x2e1: {  	v47 =	vmul.f32 v42, v6;
	v14 =	vadd.f32 v14, v46;
	_ =	sdelay $0x1  }
0x2e2: {  	v14 =	vadd.f32 v14, v47;
	_ =	sdelay $0x1  }
0x2e3: {  	[tilespmem:s23+$0x160] =	vst v14  }
0x2e4: {  	v14 =	vld [tilespmem:s16+$0x1A2F0]  }
0x2e5: {  	s19 =	sadd.s32 $0xE, s20  }
0x2e6: {  	s24 =	sand.u32 $0xFFF8, s19  }
0x2e7: {  	s17 =	sshrl.u32 s24, $0x3  }
0x2e8: {  	s17 =	smul.u32 $0x147B, s17  }
0x2e9: {  	v15 =	vmul.f32 v40, v11;
	v14 =	vadd.f32 v14, v10  }
0x2ea: {  	s17 =	sshrl.u32 s17, $0x11  }
0x2eb: {  	v48 =	vmul.f32 v42, v9;
	s17 =	smul.u32 $0xC8, s17;
	v14 =	vadd.f32 v14, v15;
	_ =	sdelay $0x1  }
0x2ec: {  	s16 =	ssub.s32 s19, s17;
	v14 =	vadd.f32 v14, v48  }
0x2ed: {  	s16 =	sshll.u32 s16, $0x6  }
0x2ee: {  	s16 =	sand.u32 $0xFFC0, s16;
	[tilespmem:s23+$0x170] =	vst v14  }
0x2ef: {  	v14 =	vld [tilespmem:s16+$0x1A2C0];
	_ =	sdelay $0x2  }
0x2f0: {  	v49 =	vbroadcast v13, $0xE;
	_ =	sdelay $0x1  }
0x2f1: {  	v50 =	vmul.f32 v49, v2;
	v51 =	vbroadcast v12, $0xE;
	v14 =	vadd.f32 v14, v1;
	_ =	sdelay $0x1  }
0x2f2: {  	v52 =	vmul.f32 v51, v0;
	v14 =	vadd.f32 v14, v50;
	_ =	sdelay $0x1  }
0x2f3: {  	v14 =	vadd.f32 v14, v52;
	_ =	sdelay $0x1  }
0x2f4: {  	[tilespmem:s23+$0x180] =	vst v14  }
0x2f5: {  	v14 =	vld [tilespmem:s16+$0x1A2D0];
	_ =	sdelay $0x4  }
0x2f6: {  	v53 =	vmul.f32 v49, v5;
	v14 =	vadd.f32 v14, v4;
	_ =	sdelay $0x1  }
0x2f7: {  	v54 =	vmul.f32 v51, v3;
	v14 =	vadd.f32 v14, v53;
	_ =	sdelay $0x1  }
0x2f8: {  	v14 =	vadd.f32 v14, v54;
	_ =	sdelay $0x1  }
0x2f9: {  	[tilespmem:s23+$0x190] =	vst v14  }
0x2fa: {  	v14 =	vld [tilespmem:s16+$0x1A2E0];
	_ =	sdelay $0x4  }
0x2fb: {  	v55 =	vmul.f32 v49, v8;
	v14 =	vadd.f32 v14, v7;
	_ =	sdelay $0x1  }
0x2fc: {  	v56 =	vmul.f32 v51, v6;
	v14 =	vadd.f32 v14, v55;
	_ =	sdelay $0x1  }
0x2fd: {  	v14 =	vadd.f32 v14, v56;
	_ =	sdelay $0x1  }
0x2fe: {  	[tilespmem:s23+$0x1A0] =	vst v14  }
0x2ff: {  	v14 =	vld [tilespmem:s16+$0x1A2F0]  }
0x300: {  	s19 =	sadd.s32 $0xF, s20  }
0x301: {  	s24 =	sand.u32 $0xFFF8, s19  }
0x302: {  	s17 =	sshrl.u32 s24, $0x3  }
0x303: {  	s17 =	smul.u32 $0x147B, s17  }
0x304: {  	v15 =	vmul.f32 v49, v11;
	v14 =	vadd.f32 v14, v10  }
0x305: {  	s17 =	sshrl.u32 s17, $0x11  }
0x306: {  	v57 =	vmul.f32 v51, v9;
	s17 =	smul.u32 $0xC8, s17;
	v14 =	vadd.f32 v14, v15;
	_ =	sdelay $0x1  }
0x307: {  	s16 =	ssub.s32 s19, s17;
	v14 =	vadd.f32 v14, v57  }
0x308: {  	s16 =	sshll.u32 s16, $0x6  }
0x309: {  	s16 =	sand.u32 $0xFFC0, s16;
	[tilespmem:s23+$0x1B0] =	vst v14  }
0x30a: {  	v14 =	vld [tilespmem:s16+$0x1A2C0];
	_ =	sdelay $0x2  }
0x30b: {  	v13 =	vbroadcast v13, $0xF;
	_ =	sdelay $0x1  }
0x30c: {  	v12 =	vbroadcast v12, $0xF;
	v58 =	vmul.f32 v13, v2;
	v14 =	vadd.f32 v14, v1;
	_ =	sdelay $0x1  }
0x30d: {  	v59 =	vmul.f32 v12, v0;
	v14 =	vadd.f32 v14, v58;
	_ =	sdelay $0x1  }
0x30e: {  	v14 =	vadd.f32 v14, v59;
	_ =	sdelay $0x1  }
0x30f: {  	[tilespmem:s23+$0x1C0] =	vst v14  }
0x310: {  	v14 =	vld [tilespmem:s16+$0x1A2D0];
	_ =	sdelay $0x4  }
0x311: {  	v60 =	vmul.f32 v13, v5;
	v14 =	vadd.f32 v14, v4;
	_ =	sdelay $0x1  }
0x312: {  	v61 =	vmul.f32 v12, v3;
	v14 =	vadd.f32 v14, v60;
	_ =	sdelay $0x1  }
0x313: {  	v14 =	vadd.f32 v14, v61;
	_ =	sdelay $0x1  }
0x314: {  	[tilespmem:s23+$0x1D0] =	vst v14  }
0x315: {  	v14 =	vld [tilespmem:s16+$0x1A2E0];
	_ =	sdelay $0x4  }
0x316: {  	v62 =	vmul.f32 v13, v8;
	v14 =	vadd.f32 v14, v7;
	_ =	sdelay $0x1  }
0x317: {  	v63 =	vmul.f32 v12, v6;
	v14 =	vadd.f32 v14, v62;
	_ =	sdelay $0x1  }
0x318: {  	v14 =	vadd.f32 v14, v63;
	_ =	sdelay $0x1  }
0x319: {  	[tilespmem:s23+$0x1E0] =	vst v14  }
0x31a: {  	v14 =	vld [tilespmem:s16+$0x1A2F0];
	_ =	sdelay $0x4  }
0x31b: {  	v13 =	vmul.f32 v13, v11;
	v14 =	vadd.f32 v14, v10  }
0x31c: {  	p0 =	sne.s32 s20, $0x310  }
.Ltmp1:
0x31d: {  	v12 =	vmul.f32 v12, v9;
	v13 =	vadd.f32 v14, v13;
	(pc) =	sbr.rel @p0 .LBB2_5-.Ltmp1, $4  }
0x31e: {  	_ = 	snop  }
0x31f: {  	v12 =	vadd.f32 v13, v12  }
0x320: {  	s7 =	sadd.s32 $0x10, s7  }
0x321: {  	s22 =	sadd.s32 $0x10, s22;
	s20 =	sadd.s32 $0x10, s20;
	[tilespmem:s23+$0x1F0] =	vst v12;
	s23 =	sadd.s32 $0x400, s23  }
0x322: {  	s13 =	sadd.s32 $0x1, s13  }
0x323: {  	p0 =	sne.s32 s13, $0x8  }
.Ltmp2:
0x324: {  	s7 =	sadd.s32 s10, s8;
	(pc) =	sbr.rel @p0 .LBB2_2-.Ltmp2, $4  }
0x325: {  	[hbm4b:s7+s12] =	stream.linear.scatter [tilespmem:s31], [sflag:$0x2], $0xC800, $0x38;
	[tilespmem:$0x1D5C0] =	vst v63  }
0x326: {  	_ =	swait.ge [sflag:s21], $0xC800  }
0x327: {  	[sflag:s21] =	ssyncset.done $0x0  }
0x328: {  	[sflag:s21] =	ssyncadd.s32 $0xFFFF3800  }
0x329: {  	s6 =	sadd.s32 $0x1, s6;
	s7 =	rddreg [dreg:$0xf]  }
0x32a: {  	p0 =	sne.s32 s6, s7  }
.Ltmp3:
0x32b: {  	_ = 	snop;
	(pc) =	sbr.rel @p0 .LBB2_1-.Ltmp3, $1  }
0x32c: {  	_ =	sdelay $0x3  }
0x32d: {  	_ =	sfence.sel $0x180000  }
0x32e: {  	[bflag:$0x0] =	sbarrier.arrive $0xFFFF  }
0x32f: {  	_ =	strace $0x90000047  }
0x330: {  	s0 =	stileid.u32;
	[bflag:$0x2] =	sbarrier.arrive $0xFFFF  }
0x331: {  	p0 =	sne.s32 s0, $0x0;
	s0 =	rddreg [dreg:$0xc]  }
0x332: {  	s0 =	sadd.s32 @!p0 $0x100000, s0  }
0x333: {  	[sflag:s0] =	ssyncadd.tile.s32 @!p0 $0x1;
	_ =	shalt  }
.Lfunc_end2:
_tile_overlayer_lowered:
.L_overlay_start_2:
0x334: {  	(tag) =	ssettag $0x2  }
0x335: {  	s0 =	rddreg [dreg:$0x0];
	s2 =	stileid.u32  }
0x336: {  	s1 =	rddreg [dreg:$0x1];
	p0 =	sne.s32 s2, $0x0  }
0x337: {  	s3 =	rddreg [dreg:$0x2];
	[bflag:$0x3] =	sbarrier.arrive $0xFFFF;
	s2 =	simm.s32 @!p0 $0x1C02  }
0x338: {  	[timem:s3], [sflag:s2] =	dma.local @!p0 [hbm:s0], s1  }
0x339: {  	s0 =	simm.s32 @!p0 $0x2  }
0x33a: {  	_ =	swait.ge @!p0 [sflag:s0], s1  }
0x33b: {  	s1 =	ssub.s32 @!p0 $0x0, s1;
	[sflag:s0] =	ssyncset.done @!p0 $0x0  }
0x33c: {  	[sflag:s0] =	ssyncadd.s32 @!p0 s1  }
0x33d: {  	[bflag:$0x3] =	sbarrier.arrive $0xFFFF  }
0x33e: {  	_ =	shalt  }

// kernel: sparse-core-data-format-call.1.cloned.1.call-start
scs
called_computation.1_lowered:
.L_overlay_start_0:
0x0: {  	s2 =	sld [smem:$0x3FD9]  }
0x1: {  	s3 =	sld [smem:$0x3FFE];
	_ =	sdelay $0x1  }
0x2: {  	s1 =	srdreg.scid  }
0x3: {  	s0 =	sand.u32 $0x1, s1  }
0x4: {  	s15 =	sshll.u32 s0, $0xA;
	s2 =	sadd.s32 s3, s2  }
0x5: {  	s2 =	sadd.s32 s2, s15  }
0x6: {  	[smem:$0x3FBC] =	sst s2  }
0x7: {  	_ = 	snop  }
0x8: {  	s2 =	sld [smem:$0x3FD0];
	_ =	sdelay $0x2  }
0x9: {  	s16 =	simm.s32 $0xC;
	s4 =	simm.s32 $0x10  }
0xa: {  	[smem:s4], [sflag:s16] =	dma.local [hbm:s2], $0x1  }
0xb: {  	_ =	swait.eq [sflag:s16], $0x1  }
0xc: {  	[sflag:s16] =	ssyncset.done $0x0  }
0xd: {  	[sflag:s16] =	ssyncadd.s32 $0xFFFFFFFF  }
0xe: {  	s17 =	sld [smem:$0x11];
	(tm) =	ssettm $0x1  }
0xf: {  	s18 =	sld [smem:$0x3FFB];
	_ =	sdelay $0x3  }
0x10: {  	_ =	strace s18  }
0x11: {  	s3 =	sld [smem:$0x3FFC];
	_ =	sdelay $0x3  }
0x12: {  	_ =	strace s3  }
0x13: {  	s3 =	sld [smem:$0x3FFD];
	_ =	sdelay $0x3  }
0x14: {  	_ =	strace s3  }
0x15: {  	_ =	strace $0x8FFFFFFF  }
0x16: {  	s19 =	sld [smem:$0x3FDB];
	_ =	sdelay $0x1  }
0x17: {  	s20 =	simm.s32 $_scs_section_size  }
0x18: {  	s5 =	simm.s32 $_size__tile_overlayer_lowered;
	s6 =	simm.s32 $_tile_overlayer_lowered  }
0x19: {  	s23 =	simm.s32 $0x1BFF;
	s22 =	sshll.u32 s6, $0x1;
	s3 =	sadd.s32 s20, s19  }
0x1a: {  	s7 =	simm.s32 $0x0;
	s21 =	sshll.u32 s5, $0x1;
	s5 =	sadd.s32 s22, s3  }
0x1b: {  	[timem:s7], [sflag:s23] =	dma.local [hbm:s5], s21  }
0x1c: {  	_ =	swait.ge [sflag:s23], s21  }
0x1d: {  	s4 =	ssub.s32 $0x0, s21;
	[sflag:s23] =	ssyncset.done $0x0  }
0x1e: {  	[sflag:s23] =	ssyncadd.s32 s4;
	_ =	sdelay $0x1  }
0x1f: {  	s24 =	simm.s32 $0x1B8B  }
0x20: {  	_ =	swait.ge [sflag:s24], $0x1  }
0x21: {  	[sflag:s24] =	ssyncset.done $0x0  }
0x22: {  	s26 =	simm.s32 $0x1B8E;
	s25 =	sld [smem:$0x3FFE];
	[sflag:s24] =	ssyncadd.s32 $0xFFFFFFFF  }
0x23: {  	s27 =	simm.s32 $execute0_lowered;
	[smem:$0x3FD2] =	sst s26  }
0x24: {  	s5 =	sshll.u32 s27, $0x1;
	_ =	strace $0x80000049;
	[dreg:$0x1] =	wrdreg $0xFFFFFFFF  }
0x25: {  	s28 =	simm.s32 $_size_execute0_lowered;
	s3 =	sadd.s32 s3, s5;
	[dreg:$0x0] =	wrdreg $0x0  }
0x26: {  	s5 =	sshll.u32 s28, $0x1;
	[dreg:$0x2] =	wrdreg s3  }
0x27: {  	[dreg:$0x3] =	wrdreg s5  }
0x28: {  	[dreg:$0x4] =	wrdreg $0xC0  }
0x29: {  	_ =	task [dreg:s7], $0x5FFFF  }
0x2a: {  	[dreg:$0x1] =	wrdreg $0xFFFFFFFF  }
0x2b: {  	[dreg:$0x0] =	wrdreg $0x60  }
0x2c: {  	[dreg:$0x2] =	wrdreg s25  }
0x2d: {  	[dreg:$0x3] =	wrdreg s17  }
0x2e: {  	[dreg:$0x4] =	wrdreg $0xA  }
0x2f: {  	_ =	task.clear_ibuf [dreg:s7], $0x5FFFF;
	_ =	strace $0x90000049  }
0x30: {  	s29 =	simm.s32 $0xA;
	_ =	strace $0x8000004B  }
0x31: {  	_ =	swait.ge [sflag:s29], $0x1  }
0x32: {  	[sflag:s29] =	ssyncadd.s32 $0xFFFFFFFF  }
0x33: {  	_ =	strace $0x9000004B  }
0x34: {  	_ =	sfence  }
0x35: {  	s30 =	sld [smem:$0x0];
	_ =	sdelay $0x2  }
0x36: {  	s31 =	sshll.u32 s1, $0xD;
	s1 =	sshrl.u32 s1, $0x2  }
0x37: {  	s3 =	sand.u32 $0x4000, s31;
	s1 =	sadd.s32 s1, s30  }
0x38: {  	s0 =	sor.u32 s3, s0;
	s1 =	sshll.u32 s1, $0x11  }
0x39: {  	s0 =	sor.u32 s1, s0  }
0x3a: {  	s0 =	sadd.s32 $0x8F2B, s0  }
0x3b: {  	[sflag:s0] =	ssyncadd.remote.s32 $0x1  }
0x3c: {  	_ =	sfence.sel $0xFFFF  }
0x3d: {  	[dreg:$0x0] =	wrdreg $0xFFFFFFFF;
	(pc) =	sbr.abs _section_cstart, $3  }
0x3e: {  	[dreg:$0x1] =	wrdreg $0xFFFFFFFF  }
0x3f: {  	_ =	task.clear_ibuf [dreg:s7], $0x2FFFF;
	_ =	strace $0x9FFFFFFF  }
0x40: {  	(tm) =	ssettm $0x7FFFFFFF  }
0x41: {  	_ =	shalt  }
tec
execute0_lowered:
.L_overlay_start_1:
0x0: {  	(tag) =	ssettag $0x1  }
0x1: {  	s0 =	srdreg.scid  }
0x2: {  	s1 =	sshll.u32 s0, $0x4  }
0x3: {  	s4 =	rddreg [dreg:$0x0];
	s0 =	stileid.u32;
	s1 =	sand.u32 $0x10, s1  }
0x4: {  	s2 =	rddreg [dreg:$0x1];
	s7 =	simm.s32 $0x1;
	s1 =	sor.u32 s0, s1  }
0x5: {  	s8 =	simm.s32 $0x2;
	s11 =	simm.s32 $0x0;
	s3 =	sshll.u32 s1, $0x7  }
0x6: {  	s10 =	simm.s32 $0x0;
	s4 =	sadd.s32 $0x1A00, s4;
	s6 =	ssub.s32 $0x32000, s3  }
.Ltmp0:
0x7: {  	s1 =	rddreg [dreg:$0x2];
	s5 =	sand.u32 $0xF80, s6;
	(pc) =	sbr.rel .LBB1_1-.Ltmp0, $4  }
0x8: {  	_ =	strace $0x8000004A;
	s9 =	smov.u32 s3;
	p0 =	sne.s32 s5, $0x0  }
0x9: {  	s6 =	sshrl.u32 s6, $0xC;
	s5 =	simm.s32 $0x1;
	s7 =	simm.s32 @!p0 $0x0  }
0xa: {  	[sflag:s5] =	ssyncpa.u1 $0x0;
	p0 =	por $0x0, $0x0;
	s6 =	sadd.s32 s7, s6  }
0xb: {  	[sflag:s8] =	ssyncpa.u1 $0x0;
	s8 =	simm.s32 $0x190000;
	s7 =	sadd.s32 $0x1, s6  }
.LBB1_4:
0xc: {  	s14 =	sshll.u32 s11, $0x3  }
0xd: {  	s30 =	sand.u32 $0x7F, s11;
	s15 =	sand.u32 $0xFFFFFC00, s14  }
0xe: {  	s11 =	sor.u32 s30, s15  }
0xf: {  	s15 =	smulhi.u32 $0x51EB851F, s11  }
0x10: {  	s14 =	smulhi.u32 $0x51EB851F, s14  }
0x11: {  	s15 =	sshrl.u32 s15, $0x10  }
0x12: {  	s14 =	sshrl.u32 s14, $0x10;
	s15 =	smul.u32 $0x32000, s15  }
0x13: {  	s14 =	sand.u32 $0x3F, s14  }
0x14: {  	s14 =	smul.u32 $0x6400, s14;
	s11 =	ssub.s32 s11, s15  }
0x15: {  	[tilespmem:s13+$0x810 ss:$0x81] =	vst.msk $0xffff, v2;
	s15 =	sand.u32 $0x7, s11  }
0x16: {  	[tilespmem:s13+$0x1020 ss:$0x81] =	vst.msk $0xffff, v0;
	s14 =	sadd.s32 s2, s14;
	s11 =	sshrl.u32 s11, $0x3;
	s15 =	sshll.u32 s15, $0x12  }
0x17: {  	[tilespmem:s13+$0x0 ss:$0x81] =	vst.msk $0xffff, v1;
	s11 =	sadd.s32 s11, s14;
	s31 =	sor.u32 $0x400, s15  }
0x18: {  	[hbm4b:s11+s31] =	stream.strided.scatter [tilespmem:s12], [sflag:$0x2], $0x2000, s8, s31, $0x20;
	[tilespmem:$0x8080] =	vst v63  }
.LBB1_5:
0x19: {  	s13 =	sadd.s32 $0x1000, s9  }
0x1a: {  	p2 =	sgt.s32 s13, $0x31FFF  }
0x1b: {  	s13 =	smov.u32 @p2 s3;
	p2 =	sne.s32 s10, s7  }
.Ltmp1:
0x1c: {  	p1 =	slt.u32 s10, $0x2;
	(pc) =	sbr.rel @!p2 .LBB1_6-.Ltmp1, $4  }
0x1d: {  	s12 =	simm.s32 @!p1 $0x2  }
0x1e: {  	s14 =	sadd.s32 $0x1, s10;
	_ =	swait.ge @!p1 [sflag:s12], $0x2000  }
0x1f: {  	s11 =	smov.u32 s9;
	p0 =	por !p0, !p0;
	[sflag:s12] =	ssyncset.done @!p1 $0x0  }
0x20: {  	s10 =	smov.u32 s14;
	s9 =	smov.u32 s13;
	[sflag:s12] =	ssyncadd.s32 @!p1 $0xFFFFE000  }
.LBB1_1:
0x21: {  	p1 =	sge.u32 s10, s6  }
0x22: {  	s12 =	sand.u32 @!p1 $0x1FFFFFF, s9  }
0x23: {  	s13 =	smulhi.u32 @!p1 $0x147AE15, s12;
	_ =	sdelay $0x1  }
0x24: {  	s13 =	sshrl.u32 @!p1 s13, $0xA  }
0x25: {  	s13 =	smul.u32 @!p1 $0x32000, s13;
	_ =	sdelay $0x1  }
0x26: {  	s31 =	sadd.s32 $0xFFFFFFFF, s10;
	s14 =	sxor.u32 @!p1 $0xFFFFFFFF, s10;
	s12 =	ssub.s32 @!p1 s12, s13  }
0x27: {  	s15 =	simm.s32 @!p1 $0x80;
	s14 =	sshll.u32 @!p1 s14, $0xD;
	s12 =	sshll.u32 @!p1 s12, $0x4  }
0x28: {  	s13 =	sand.u32 @!p1 $0x2000, s14;
	s14 =	simm.s32 @!p1 $0x40;
	s12 =	sadd.s32 @!p1 s4, s12  }
0x29: {  	[tilespmem:s13], [sflag:$0x1] =	stream.strided.gather @!p1 [hbm4b:s12+s14], $0x2000, s15, s14, $0x38;
	[tilespmem:$0x8080] =	vst v63  }
0x2a: {  	p1 =	sge.u32 s31, s6  }
.Ltmp2:
0x2b: {  	_ = 	snop;
	(pc) =	sbr.rel @p1 .LBB1_5-.Ltmp2, $1  }
0x2c: {  	_ =	sdelay $0x3  }
0x2d: {  	s12 =	simm.s32 $0x1  }
0x2e: {  	_ =	swait.ge [sflag:s5], $0x2000;
	s12 =	simm.s32 @!p0 $0x0  }
0x2f: {  	[sflag:s5] =	ssyncset.done $0x0;
	s13 =	sshll.u32 s12, $0xD  }
0x30: {  	[sflag:s5] =	ssyncadd.s32 $0xFFFFE000;
	s16 =	sor.u32 $0x20, s13  }
0x31: {  	s12 =	smul.u32 $0x8100, s12;
	v3 =	vld [tilespmem:s16+$0x10]  }
0x32: {  	s30 =	sand.u32 $0x1, s10;
	v2 =	vld [tilespmem:s16+$0xFFFFFFF0]  }
0x33: {  	s13 =	smul.u32 $0x8100, s30;
	s12 =	sshrl.u32 s12, $0x2;
	v0 =	vld [tilespmem:s16+$0x0]  }
0x34: {  	v1 =	vld [tilespmem:s16+$0xFFFFFFE0];
	s14 =	sor.u32 $0x4000, s12  }
0x35: {  	s31 =	sshrl.u32 s13, $0x2;
	s13 =	sadd.s32 $0x0, s14  }
0x36: {  	s15 =	simm.s32 $0x4;
	s16 =	sadd.s32 $0x40, s16;
	s12 =	sor.u32 $0x4000, s31;
	[tilespmem:s13+$0x1830 ss:$0x81] =	vst.msk $0xffff, v3  }
.LBB1_3:
0x37: {  	v3 =	vld [tilespmem:s16+$0x10];
	p1 =	sne.s32 s15, $0x1FC;
	[tilespmem:s13+$0x810 ss:$0x81] =	vst.msk $0xffff, v2;
	s17 =	smov.u32 s15;
	s15 =	sadd.s32 $0x4, s15  }
.Ltmp3:
0x38: {  	v2 =	vld [tilespmem:s16+$0xFFFFFFF0];
	[tilespmem:s13+$0x1020 ss:$0x81] =	vst.msk $0xffff, v0;
	(pc) =	sbr.rel @p1 .LBB1_3-.Ltmp3, $4  }
0x39: {  	v0 =	vld [tilespmem:s16+$0x0];
	[tilespmem:s13+$0x0 ss:$0x81] =	vst.msk $0xffff, v1  }
0x3a: {  	s13 =	sshra.s32 s17, $0x2;
	v1 =	vld [tilespmem:s16+$0xFFFFFFE0]  }
0x3b: {  	s13 =	sadd.s32 s13, s14  }
0x3c: {  	s16 =	sadd.s32 $0x40, s16;
	[tilespmem:s13+$0x1830 ss:$0x81] =	vst.msk $0xffff, v3  }
.Ltmp4:
0x3d: {  	_ = 	snop;
	(pc) =	sbr.rel .LBB1_4-.Ltmp4, $1  }
0x3e: {  	_ =	sdelay $0x3  }
.LBB1_6:
0x3f: {  	_ =	sfence.sel $0x180000  }
0x40: {  	s2 =	simm.s32 $0x1;
	[bflag:$0x0] =	sbarrier.arrive $0xFFFF  }
0x41: {  	s31 =	simm.s32 $0x2;
	[sflag:s2] =	ssyncpa.u1 $0x1  }
0x42: {  	[sflag:s31] =	ssyncpa.u1 $0x1  }
0x43: {  	p0 =	sne.s32 s0, $0x0;
	_ =	strace $0x9000004A  }
0x44: {  	s0 =	sadd.s32 @!p0 $0x100000, s1;
	[bflag:$0x2] =	sbarrier.arrive $0xFFFF  }
0x45: {  	[sflag:s0] =	ssyncadd.tile.s32 @!p0 $0x1;
	_ =	shalt  }
.Lfunc_end1:
_tile_overlayer_lowered:
.L_overlay_start_2:
0x46: {  	(tag) =	ssettag $0x2  }
0x47: {  	s0 =	rddreg [dreg:$0x0];
	s2 =	stileid.u32  }
0x48: {  	s1 =	rddreg [dreg:$0x1];
	p0 =	sne.s32 s2, $0x0  }
0x49: {  	s3 =	rddreg [dreg:$0x2];
	[bflag:$0x3] =	sbarrier.arrive $0xFFFF;
	s2 =	simm.s32 @!p0 $0x1C01  }
0x4a: {  	[timem:s3], [sflag:s2] =	dma.local @!p0 [hbm:s0], s1  }
0x4b: {  	s0 =	simm.s32 @!p0 $0x1  }
0x4c: {  	_ =	swait.ge @!p0 [sflag:s0], s1  }
0x4d: {  	s1 =	ssub.s32 @!p0 $0x0, s1;
	[sflag:s0] =	ssyncset.done @!p0 $0x0  }
0x4e: {  	[sflag:s0] =	ssyncadd.s32 @!p0 s1  }
0x4f: {  	[bflag:$0x3] =	sbarrier.arrive $0xFFFF  }
0x50: {  	_ =	shalt  }

// kernel: sparse-core-data-format-call.2.cloned.1.call-start
scs
called_computation.2_lowered:
.L_overlay_start_0:
0x0: {  	s2 =	sld [smem:$0x3FD9]  }
0x1: {  	s3 =	sld [smem:$0x3FFE];
	_ =	sdelay $0x1  }
0x2: {  	s1 =	srdreg.scid  }
0x3: {  	s0 =	sand.u32 $0x1, s1  }
0x4: {  	s16 =	sshll.u32 s0, $0xA;
	s2 =	sadd.s32 s3, s2  }
0x5: {  	s2 =	sadd.s32 s2, s16  }
0x6: {  	[smem:$0x3FBC] =	sst s2  }
0x7: {  	_ = 	snop  }
0x8: {  	s2 =	sld [smem:$0x3FD0];
	_ =	sdelay $0x2  }
0x9: {  	s17 =	simm.s32 $0xC;
	s4 =	simm.s32 $0x10  }
0xa: {  	[smem:s4], [sflag:s17] =	dma.local [hbm:s2], $0x1  }
0xb: {  	_ =	swait.eq [sflag:s17], $0x1  }
0xc: {  	[sflag:s17] =	ssyncset.done $0x0  }
0xd: {  	[sflag:s17] =	ssyncadd.s32 $0xFFFFFFFF  }
0xe: {  	s18 =	sld [smem:$0x10];
	(tm) =	ssettm $0x1  }
0xf: {  	s19 =	sld [smem:$0x3FFB];
	_ =	sdelay $0x3  }
0x10: {  	_ =	strace s19  }
0x11: {  	s2 =	sld [smem:$0x3FFC];
	_ =	sdelay $0x3  }
0x12: {  	_ =	strace s2  }
0x13: {  	s2 =	sld [smem:$0x3FFD];
	_ =	sdelay $0x3  }
0x14: {  	_ =	strace s2  }
0x15: {  	_ =	strace $0x8FFFFFFF  }
0x16: {  	s20 =	sld [smem:$0x3FDB];
	_ =	sdelay $0x1  }
0x17: {  	s21 =	simm.s32 $_scs_section_size  }
0x18: {  	s5 =	simm.s32 $_size__tile_overlayer_lowered;
	s6 =	simm.s32 $_tile_overlayer_lowered  }
0x19: {  	s7 =	simm.s32 $0x1BFF;
	s22 =	sshll.u32 s6, $0x1;
	s4 =	sadd.s32 s21, s20  }
0x1a: {  	s23 =	simm.s32 $0x0;
	s5 =	sshll.u32 s5, $0x1;
	s6 =	sadd.s32 s22, s4  }
0x1b: {  	[timem:s23], [sflag:s7] =	dma.local [hbm:s6], s5  }
0x1c: {  	_ =	swait.ge [sflag:s7], s5  }
0x1d: {  	s5 =	ssub.s32 $0x0, s5;
	[sflag:s7] =	ssyncset.done $0x0  }
0x1e: {  	[sflag:s7] =	ssyncadd.s32 s5;
	_ =	sdelay $0x1  }
0x1f: {  	s24 =	simm.s32 $0x1B8B  }
0x20: {  	_ =	swait.ge [sflag:s24], $0x1  }
0x21: {  	[sflag:s24] =	ssyncset.done $0x0  }
0x22: {  	[sflag:s24] =	ssyncadd.s32 $0xFFFFFFFF  }
0x23: {  	s5 =	sld [smem:$0x0]  }
0x24: {  	s6 =	sand.u32 $0xFFFFFFFE, s1  }
0x25: {  	p0 =	sne.s32 s1, s6  }
0x26: {  	s6 =	sshll.u32 @p0 s6, $0xE  }
0x27: {  	s6 =	sadd.s32 @p0 $0x11B8D, s6;
	s7 =	sshll.u32 @p0 s5, $0x11  }
0x28: {  	s6 =	sor.u32 @p0 s7, s6  }
0x29: {  	[sflag:s6] =	ssyncadd.remote.s32 @p0 $0x1;
	_ =	sdelay $0x1  }
0x2a: {  	s6 =	simm.s32 @p0 $0x1B8D  }
0x2b: {  	_ =	swait.eq @p0 [sflag:s6], $0x1  }
0x2c: {  	[sflag:s6] =	ssyncadd.s32 @p0 $0xFFFFFFFF  }
0x2d: {  	s7 =	sshll.u32 @!p0 s1, $0xE  }
0x2e: {  	s7 =	sor.u32 @!p0 $0x4000, s7;
	s6 =	simm.s32 @!p0 $0x1B8D  }
0x2f: {  	s5 =	sshll.u32 @!p0 s5, $0x11;
	s7 =	sadd.s32 @!p0 $0x11B8D, s7;
	_ =	swait.eq @!p0 [sflag:s6], $0x1  }
0x30: {  	s5 =	sor.u32 @!p0 s5, s7;
	[sflag:s6] =	ssyncadd.s32 @!p0 $0xFFFFFFFF  }
0x31: {  	s26 =	simm.s32 $0x1B8E;
	s25 =	sld [smem:$0x3FFE];
	[sflag:s5] =	ssyncadd.remote.s32 @!p0 $0x1  }
0x32: {  	s27 =	simm.s32 $execute0_lowered;
	[smem:$0x3FD2] =	sst s26  }
0x33: {  	s6 =	sshll.u32 s27, $0x1;
	_ =	strace $0x8000004C;
	[dreg:$0x1] =	wrdreg $0xFFFFFFFF  }
0x34: {  	s28 =	simm.s32 $_size_execute0_lowered;
	s4 =	sadd.s32 s4, s6;
	[dreg:$0x0] =	wrdreg $0x0  }
0x35: {  	s6 =	sshll.u32 s28, $0x1;
	[dreg:$0x2] =	wrdreg s4  }
0x36: {  	[dreg:$0x3] =	wrdreg s6  }
0x37: {  	[dreg:$0x4] =	wrdreg $0xC0  }
0x38: {  	_ =	task [dreg:s23], $0x5FFFF  }
0x39: {  	[dreg:$0x1] =	wrdreg $0xFFFFFFFF  }
0x3a: {  	[dreg:$0x0] =	wrdreg $0x60  }
0x3b: {  	[dreg:$0x2] =	wrdreg s25  }
0x3c: {  	[dreg:$0x3] =	wrdreg s18  }
0x3d: {  	[dreg:$0x4] =	wrdreg $0xB  }
0x3e: {  	_ =	task.clear_ibuf [dreg:s23], $0x5FFFF;
	_ =	strace $0x9000004C  }
0x3f: {  	s29 =	simm.s32 $0xB;
	_ =	strace $0x8000004E  }
0x40: {  	_ =	swait.ge [sflag:s29], $0x1  }
0x41: {  	[sflag:s29] =	ssyncadd.s32 $0xFFFFFFFF  }
0x42: {  	_ =	strace $0x9000004E  }
0x43: {  	_ =	sfence  }
0x44: {  	s30 =	sld [smem:$0x0];
	_ =	sdelay $0x2  }
0x45: {  	s31 =	sshll.u32 s1, $0xD;
	s1 =	sshrl.u32 s1, $0x2  }
0x46: {  	s4 =	sand.u32 $0x4000, s31;
	s1 =	sadd.s32 s1, s30  }
0x47: {  	s0 =	sor.u32 s4, s0;
	s1 =	sshll.u32 s1, $0x11  }
0x48: {  	s0 =	sor.u32 s1, s0  }
0x49: {  	s0 =	sadd.s32 $0x8F2B, s0  }
0x4a: {  	[sflag:s0] =	ssyncadd.remote.s32 $0x1  }
0x4b: {  	_ =	sfence.sel $0xFFFF  }
0x4c: {  	[dreg:$0x0] =	wrdreg $0xFFFFFFFF;
	(pc) =	sbr.abs _section_cstart, $3  }
0x4d: {  	[dreg:$0x1] =	wrdreg $0xFFFFFFFF  }
0x4e: {  	_ =	task.clear_ibuf [dreg:s23], $0x2FFFF;
	_ =	strace $0x9FFFFFFF  }
0x4f: {  	(tm) =	ssettm $0x7FFFFFFF  }
tec
execute0_lowered:
.L_overlay_start_1:
0x0: {  	(tag) =	ssettag $0x1  }
0x1: {  	s0 =	srdreg.scid  }
0x2: {  	s1 =	sshll.u32 s0, $0x4  }
0x3: {  	s4 =	rddreg [dreg:$0x0];
	s0 =	stileid.u32;
	s1 =	sand.u32 $0x10, s1  }
0x4: {  	s2 =	rddreg [dreg:$0x1];
	s7 =	simm.s32 $0x1;
	s1 =	sor.u32 s0, s1  }
0x5: {  	s8 =	simm.s32 $0x2;
	s11 =	simm.s32 $0x0;
	s3 =	sshll.u32 s1, $0x7  }
0x6: {  	s10 =	simm.s32 $0x0;
	s4 =	sadd.s32 $0x321A00, s4;
	s6 =	ssub.s32 $0x32000, s3  }
.Ltmp0:
0x7: {  	s1 =	rddreg [dreg:$0x2];
	s5 =	sand.u32 $0xF80, s6;
	(pc) =	sbr.rel .LBB1_1-.Ltmp0, $4  }
0x8: {  	_ =	strace $0x8000004D;
	s9 =	smov.u32 s3;
	p0 =	sne.s32 s5, $0x0  }
0x9: {  	s6 =	sshrl.u32 s6, $0xC;
	s5 =	simm.s32 $0x1;
	s7 =	simm.s32 @!p0 $0x0  }
0xa: {  	[sflag:s5] =	ssyncpa.u1 $0x0;
	p0 =	por $0x0, $0x0;
	s6 =	sadd.s32 s7, s6  }
0xb: {  	[sflag:s8] =	ssyncpa.u1 $0x0;
	s8 =	simm.s32 $0x190000;
	s7 =	sadd.s32 $0x1, s6  }
.LBB1_4:
0xc: {  	s14 =	sshll.u32 s11, $0x3  }
0xd: {  	s30 =	sand.u32 $0x7F, s11;
	s15 =	sand.u32 $0xFFFFFC00, s14  }
0xe: {  	s11 =	sor.u32 s30, s15  }
0xf: {  	s15 =	smulhi.u32 $0x51EB851F, s11  }
0x10: {  	s14 =	smulhi.u32 $0x51EB851F, s14  }
0x11: {  	s15 =	sshrl.u32 s15, $0x10  }
0x12: {  	s14 =	sshrl.u32 s14, $0x10;
	s15 =	smul.u32 $0x32000, s15  }
0x13: {  	s14 =	sand.u32 $0x3F, s14  }
0x14: {  	s14 =	smul.u32 $0x6400, s14;
	s11 =	ssub.s32 s11, s15  }
0x15: {  	[tilespmem:s13+$0x810 ss:$0x81] =	vst.msk $0xffff, v2;
	s15 =	sand.u32 $0x7, s11  }
0x16: {  	[tilespmem:s13+$0x1020 ss:$0x81] =	vst.msk $0xffff, v0;
	s14 =	sadd.s32 s2, s14;
	s11 =	sshrl.u32 s11, $0x3;
	s15 =	sshll.u32 s15, $0x12  }
0x17: {  	[tilespmem:s13+$0x0 ss:$0x81] =	vst.msk $0xffff, v1;
	s11 =	sadd.s32 s11, s14;
	s31 =	sor.u32 $0x400, s15  }
0x18: {  	[hbm4b:s11+s31] =	stream.strided.scatter [tilespmem:s12], [sflag:$0x2], $0x2000, s8, s31, $0x20;
	[tilespmem:$0x8080] =	vst v63  }
.LBB1_5:
0x19: {  	s13 =	sadd.s32 $0x1000, s9  }
0x1a: {  	p2 =	sgt.s32 s13, $0x31FFF  }
0x1b: {  	s13 =	smov.u32 @p2 s3;
	p2 =	sne.s32 s10, s7  }
.Ltmp1:
0x1c: {  	p1 =	slt.u32 s10, $0x2;
	(pc) =	sbr.rel @!p2 .LBB1_6-.Ltmp1, $4  }
0x1d: {  	s12 =	simm.s32 @!p1 $0x2  }
0x1e: {  	s14 =	sadd.s32 $0x1, s10;
	_ =	swait.ge @!p1 [sflag:s12], $0x2000  }
0x1f: {  	s11 =	smov.u32 s9;
	p0 =	por !p0, !p0;
	[sflag:s12] =	ssyncset.done @!p1 $0x0  }
0x20: {  	s10 =	smov.u32 s14;
	s9 =	smov.u32 s13;
	[sflag:s12] =	ssyncadd.s32 @!p1 $0xFFFFE000  }
.LBB1_1:
0x21: {  	p1 =	sge.u32 s10, s6  }
0x22: {  	s12 =	sand.u32 @!p1 $0x1FFFFFF, s9  }
0x23: {  	s13 =	smulhi.u32 @!p1 $0x147AE15, s12;
	_ =	sdelay $0x1  }
0x24: {  	s13 =	sshrl.u32 @!p1 s13, $0xA  }
0x25: {  	s13 =	smul.u32 @!p1 $0x32000, s13;
	_ =	sdelay $0x1  }
0x26: {  	s31 =	sadd.s32 $0xFFFFFFFF, s10;
	s14 =	sxor.u32 @!p1 $0xFFFFFFFF, s10;
	s12 =	ssub.s32 @!p1 s12, s13  }
0x27: {  	s15 =	simm.s32 @!p1 $0x80;
	s14 =	sshll.u32 @!p1 s14, $0xD;
	s12 =	sshll.u32 @!p1 s12, $0x4  }
0x28: {  	s13 =	sand.u32 @!p1 $0x2000, s14;
	s14 =	simm.s32 @!p1 $0x40;
	s12 =	sadd.s32 @!p1 s4, s12  }
0x29: {  	[tilespmem:s13], [sflag:$0x1] =	stream.strided.gather @!p1 [hbm4b:s12+s14], $0x2000, s15, s14, $0x38;
	[tilespmem:$0x8080] =	vst v63  }
0x2a: {  	p1 =	sge.u32 s31, s6  }
.Ltmp2:
0x2b: {  	_ = 	snop;
	(pc) =	sbr.rel @p1 .LBB1_5-.Ltmp2, $1  }
0x2c: {  	_ =	sdelay $0x3  }
0x2d: {  	s12 =	simm.s32 $0x1  }
0x2e: {  	_ =	swait.ge [sflag:s5], $0x2000;
	s12 =	simm.s32 @!p0 $0x0  }
0x2f: {  	[sflag:s5] =	ssyncset.done $0x0;
	s13 =	sshll.u32 s12, $0xD  }
0x30: {  	[sflag:s5] =	ssyncadd.s32 $0xFFFFE000;
	s16 =	sor.u32 $0x20, s13  }
0x31: {  	s12 =	smul.u32 $0x8100, s12;
	v3 =	vld [tilespmem:s16+$0x10]  }
0x32: {  	s30 =	sand.u32 $0x1, s10;
	v2 =	vld [tilespmem:s16+$0xFFFFFFF0]  }
0x33: {  	s13 =	smul.u32 $0x8100, s30;
	s12 =	sshrl.u32 s12, $0x2;
	v0 =	vld [tilespmem:s16+$0x0]  }
0x34: {  	v1 =	vld [tilespmem:s16+$0xFFFFFFE0];
	s14 =	sor.u32 $0x4000, s12  }
0x35: {  	s31 =	sshrl.u32 s13, $0x2;
	s13 =	sadd.s32 $0x0, s14  }
0x36: {  	s15 =	simm.s32 $0x4;
	s16 =	sadd.s32 $0x40, s16;
	s12 =	sor.u32 $0x4000, s31;
	[tilespmem:s13+$0x1830 ss:$0x81] =	vst.msk $0xffff, v3  }
.LBB1_3:
0x37: {  	v3 =	vld [tilespmem:s16+$0x10];
	p1 =	sne.s32 s15, $0x1FC;
	[tilespmem:s13+$0x810 ss:$0x81] =	vst.msk $0xffff, v2;
	s17 =	smov.u32 s15;
	s15 =	sadd.s32 $0x4, s15  }
.Ltmp3:
0x38: {  	v2 =	vld [tilespmem:s16+$0xFFFFFFF0];
	[tilespmem:s13+$0x1020 ss:$0x81] =	vst.msk $0xffff, v0;
	(pc) =	sbr.rel @p1 .LBB1_3-.Ltmp3, $4  }
0x39: {  	v0 =	vld [tilespmem:s16+$0x0];
	[tilespmem:s13+$0x0 ss:$0x81] =	vst.msk $0xffff, v1  }
0x3a: {  	s13 =	sshra.s32 s17, $0x2;
	v1 =	vld [tilespmem:s16+$0xFFFFFFE0]  }
0x3b: {  	s13 =	sadd.s32 s13, s14  }
0x3c: {  	s16 =	sadd.s32 $0x40, s16;
	[tilespmem:s13+$0x1830 ss:$0x81] =	vst.msk $0xffff, v3  }
.Ltmp4:
0x3d: {  	_ = 	snop;
	(pc) =	sbr.rel .LBB1_4-.Ltmp4, $1  }
0x3e: {  	_ =	sdelay $0x3  }
.LBB1_6:
0x3f: {  	_ =	sfence.sel $0x180000  }
0x40: {  	s2 =	simm.s32 $0x1;
	[bflag:$0x0] =	sbarrier.arrive $0xFFFF  }
0x41: {  	s31 =	simm.s32 $0x2;
	[sflag:s2] =	ssyncpa.u1 $0x1  }
0x42: {  	[sflag:s31] =	ssyncpa.u1 $0x1  }
0x43: {  	p0 =	sne.s32 s0, $0x0;
	_ =	strace $0x9000004D  }
0x44: {  	s0 =	sadd.s32 @!p0 $0x100000, s1;
	[bflag:$0x2] =	sbarrier.arrive $0xFFFF  }
0x45: {  	[sflag:s0] =	ssyncadd.tile.s32 @!p0 $0x1;
	_ =	shalt  }
.Lfunc_end1:
_tile_overlayer_lowered:
.L_overlay_start_2:
0x46: {  	(tag) =	ssettag $0x2  }
0x47: {  	s0 =	rddreg [dreg:$0x0];
	s2 =	stileid.u32  }
0x48: {  	s1 =	rddreg [dreg:$0x1];
	p0 =	sne.s32 s2, $0x0  }
0x49: {  	s3 =	rddreg [dreg:$0x2];
	[bflag:$0x3] =	sbarrier.arrive $0xFFFF;
	s2 =	simm.s32 @!p0 $0x1C01  }
0x4a: {  	[timem:s3], [sflag:s2] =	dma.local @!p0 [hbm:s0], s1  }
0x4b: {  	s0 =	simm.s32 @!p0 $0x1  }
0x4c: {  	_ =	swait.ge @!p0 [sflag:s0], s1  }
0x4d: {  	s1 =	ssub.s32 @!p0 $0x0, s1;
	[sflag:s0] =	ssyncset.done @!p0 $0x0  }
0x4e: {  	[sflag:s0] =	ssyncadd.s32 @!p0 s1  }
0x4f: {  	[bflag:$0x3] =	sbarrier.arrive $0xFFFF  }
0x50: {  	_ =	shalt  }

// kernel: sparse-core-data-format-call.cloned.1.call-start
scs
called_computation_lowered:
.L_overlay_start_0:
0x0: {  	s2 =	sld [smem:$0x3FD9]  }
0x1: {  	s3 =	sld [smem:$0x3FFE];
	_ =	sdelay $0x1  }
0x2: {  	s1 =	srdreg.scid  }
0x3: {  	s0 =	sand.u32 $0x1, s1  }
0x4: {  	s16 =	sshll.u32 s0, $0xA;
	s2 =	sadd.s32 s3, s2  }
0x5: {  	s2 =	sadd.s32 s2, s16  }
0x6: {  	[smem:$0x3FBC] =	sst s2  }
0x7: {  	_ = 	snop  }
0x8: {  	s2 =	sld [smem:$0x3FD0];
	_ =	sdelay $0x2  }
0x9: {  	s17 =	simm.s32 $0xC;
	s4 =	simm.s32 $0x10  }
0xa: {  	[smem:s4], [sflag:s17] =	dma.local [hbm:s2], $0x1  }
0xb: {  	_ =	swait.eq [sflag:s17], $0x1  }
0xc: {  	[sflag:s17] =	ssyncset.done $0x0  }
0xd: {  	[sflag:s17] =	ssyncadd.s32 $0xFFFFFFFF  }
0xe: {  	s18 =	sld [smem:$0x12];
	(tm) =	ssettm $0x1  }
0xf: {  	s19 =	sld [smem:$0x3FFB];
	_ =	sdelay $0x3  }
0x10: {  	_ =	strace s19  }
0x11: {  	s2 =	sld [smem:$0x3FFC];
	_ =	sdelay $0x3  }
0x12: {  	_ =	strace s2  }
0x13: {  	s2 =	sld [smem:$0x3FFD];
	_ =	sdelay $0x3  }
0x14: {  	_ =	strace s2  }
0x15: {  	_ =	strace $0x8FFFFFFF  }
0x16: {  	s20 =	sld [smem:$0x3FDB];
	_ =	sdelay $0x1  }
0x17: {  	s21 =	simm.s32 $_scs_section_size  }
0x18: {  	s5 =	simm.s32 $_size__tile_overlayer_lowered;
	s6 =	simm.s32 $_tile_overlayer_lowered  }
0x19: {  	s7 =	simm.s32 $0x1BFF;
	s22 =	sshll.u32 s6, $0x1;
	s4 =	sadd.s32 s21, s20  }
0x1a: {  	s23 =	simm.s32 $0x0;
	s5 =	sshll.u32 s5, $0x1;
	s6 =	sadd.s32 s22, s4  }
0x1b: {  	[timem:s23], [sflag:s7] =	dma.local [hbm:s6], s5  }
0x1c: {  	_ =	swait.ge [sflag:s7], s5  }
0x1d: {  	s5 =	ssub.s32 $0x0, s5;
	[sflag:s7] =	ssyncset.done $0x0  }
0x1e: {  	[sflag:s7] =	ssyncadd.s32 s5;
	_ =	sdelay $0x1  }
0x1f: {  	s24 =	simm.s32 $0x1B8B  }
0x20: {  	_ =	swait.ge [sflag:s24], $0x1  }
0x21: {  	[sflag:s24] =	ssyncset.done $0x0  }
0x22: {  	[sflag:s24] =	ssyncadd.s32 $0xFFFFFFFF  }
0x23: {  	s5 =	sld [smem:$0x0]  }
0x24: {  	s6 =	sand.u32 $0xFFFFFFFE, s1  }
0x25: {  	p0 =	sne.s32 s1, s6  }
0x26: {  	s6 =	sshll.u32 @p0 s6, $0xE  }
0x27: {  	s6 =	sadd.s32 @p0 $0x11B8D, s6;
	s7 =	sshll.u32 @p0 s5, $0x11  }
0x28: {  	s6 =	sor.u32 @p0 s7, s6  }
0x29: {  	[sflag:s6] =	ssyncadd.remote.s32 @p0 $0x1;
	_ =	sdelay $0x1  }
0x2a: {  	s6 =	simm.s32 @p0 $0x1B8D  }
0x2b: {  	_ =	swait.eq @p0 [sflag:s6], $0x1  }
0x2c: {  	[sflag:s6] =	ssyncadd.s32 @p0 $0xFFFFFFFF  }
0x2d: {  	s7 =	sshll.u32 @!p0 s1, $0xE  }
0x2e: {  	s7 =	sor.u32 @!p0 $0x4000, s7;
	s6 =	simm.s32 @!p0 $0x1B8D  }
0x2f: {  	s5 =	sshll.u32 @!p0 s5, $0x11;
	s7 =	sadd.s32 @!p0 $0x11B8D, s7;
	_ =	swait.eq @!p0 [sflag:s6], $0x1  }
0x30: {  	s5 =	sor.u32 @!p0 s5, s7;
	[sflag:s6] =	ssyncadd.s32 @!p0 $0xFFFFFFFF  }
0x31: {  	s26 =	simm.s32 $0x1B8E;
	s25 =	sld [smem:$0x3FFE];
	[sflag:s5] =	ssyncadd.remote.s32 @!p0 $0x1  }
0x32: {  	s27 =	simm.s32 $execute0_lowered;
	[smem:$0x3FD2] =	sst s26  }
0x33: {  	s6 =	sshll.u32 s27, $0x1;
	_ =	strace $0x8000004F;
	[dreg:$0x1] =	wrdreg $0xFFFFFFFF  }
0x34: {  	s28 =	simm.s32 $_size_execute0_lowered;
	s4 =	sadd.s32 s4, s6;
	[dreg:$0x0] =	wrdreg $0x0  }
0x35: {  	s6 =	sshll.u32 s28, $0x1;
	[dreg:$0x2] =	wrdreg s4  }
0x36: {  	[dreg:$0x3] =	wrdreg s6  }
0x37: {  	[dreg:$0x4] =	wrdreg $0xC0  }
0x38: {  	_ =	task [dreg:s23], $0x5FFFF  }
0x39: {  	[dreg:$0x1] =	wrdreg $0xFFFFFFFF  }
0x3a: {  	[dreg:$0x0] =	wrdreg $0x60  }
0x3b: {  	[dreg:$0x2] =	wrdreg s25  }
0x3c: {  	[dreg:$0x3] =	wrdreg s18  }
0x3d: {  	[dreg:$0x4] =	wrdreg $0x9  }
0x3e: {  	_ =	task.clear_ibuf [dreg:s23], $0x5FFFF;
	_ =	strace $0x9000004F  }
0x3f: {  	s29 =	simm.s32 $0x9;
	_ =	strace $0x80000051  }
0x40: {  	_ =	swait.ge [sflag:s29], $0x1  }
0x41: {  	[sflag:s29] =	ssyncadd.s32 $0xFFFFFFFF  }
0x42: {  	_ =	strace $0x90000051  }
0x43: {  	_ =	sfence  }
0x44: {  	s30 =	sld [smem:$0x0];
	_ =	sdelay $0x2  }
0x45: {  	s31 =	sshll.u32 s1, $0xD;
	s1 =	sshrl.u32 s1, $0x2  }
0x46: {  	s4 =	sand.u32 $0x4000, s31;
	s1 =	sadd.s32 s1, s30  }
0x47: {  	s0 =	sor.u32 s4, s0;
	s1 =	sshll.u32 s1, $0x11  }
0x48: {  	s0 =	sor.u32 s1, s0  }
0x49: {  	s0 =	sadd.s32 $0x8F2B, s0  }
0x4a: {  	[sflag:s0] =	ssyncadd.remote.s32 $0x1  }
0x4b: {  	_ =	sfence.sel $0xFFFF  }
0x4c: {  	[dreg:$0x0] =	wrdreg $0xFFFFFFFF;
	(pc) =	sbr.abs _section_cstart, $3  }
0x4d: {  	[dreg:$0x1] =	wrdreg $0xFFFFFFFF  }
0x4e: {  	_ =	task.clear_ibuf [dreg:s23], $0x2FFFF;
	_ =	strace $0x9FFFFFFF  }
0x4f: {  	(tm) =	ssettm $0x7FFFFFFF  }
tec
execute0_lowered:
.L_overlay_start_1:
0x0: {  	(tag) =	ssettag $0x1  }
0x1: {  	s0 =	srdreg.scid  }
0x2: {  	s1 =	sshll.u32 s0, $0x4  }
0x3: {  	s4 =	rddreg [dreg:$0x0];
	s0 =	stileid.u32;
	s1 =	sand.u32 $0x10, s1  }
0x4: {  	s2 =	rddreg [dreg:$0x1];
	s7 =	simm.s32 $0x1;
	s1 =	sor.u32 s0, s1  }
0x5: {  	s8 =	simm.s32 $0x2;
	s11 =	simm.s32 $0x0;
	s3 =	sshll.u32 s1, $0x7  }
0x6: {  	s10 =	simm.s32 $0x0;
	s4 =	sadd.s32 $0x641A00, s4;
	s6 =	ssub.s32 $0x32000, s3  }
.Ltmp0:
0x7: {  	s1 =	rddreg [dreg:$0x2];
	s5 =	sand.u32 $0xF80, s6;
	(pc) =	sbr.rel .LBB1_1-.Ltmp0, $4  }
0x8: {  	_ =	strace $0x80000050;
	s9 =	smov.u32 s3;
	p0 =	sne.s32 s5, $0x0  }
0x9: {  	s6 =	sshrl.u32 s6, $0xC;
	s5 =	simm.s32 $0x1;
	s7 =	simm.s32 @!p0 $0x0  }
0xa: {  	[sflag:s5] =	ssyncpa.u1 $0x0;
	p0 =	por $0x0, $0x0;
	s6 =	sadd.s32 s7, s6  }
0xb: {  	[sflag:s8] =	ssyncpa.u1 $0x0;
	s8 =	simm.s32 $0x190000;
	s7 =	sadd.s32 $0x1, s6  }
.LBB1_4:
0xc: {  	s14 =	sshll.u32 s11, $0x3  }
0xd: {  	s30 =	sand.u32 $0x7F, s11;
	s15 =	sand.u32 $0xFFFFFC00, s14  }
0xe: {  	s11 =	sor.u32 s30, s15  }
0xf: {  	s15 =	smulhi.u32 $0x51EB851F, s11  }
0x10: {  	s14 =	smulhi.u32 $0x51EB851F, s14  }
0x11: {  	s15 =	sshrl.u32 s15, $0x10  }
0x12: {  	s14 =	sshrl.u32 s14, $0x10;
	s15 =	smul.u32 $0x32000, s15  }
0x13: {  	s14 =	sand.u32 $0x3F, s14  }
0x14: {  	s14 =	smul.u32 $0x6400, s14;
	s11 =	ssub.s32 s11, s15  }
0x15: {  	[tilespmem:s13+$0x810 ss:$0x81] =	vst.msk $0xffff, v2;
	s15 =	sand.u32 $0x7, s11  }
0x16: {  	[tilespmem:s13+$0x1020 ss:$0x81] =	vst.msk $0xffff, v0;
	s14 =	sadd.s32 s2, s14;
	s11 =	sshrl.u32 s11, $0x3;
	s15 =	sshll.u32 s15, $0x12  }
0x17: {  	[tilespmem:s13+$0x0 ss:$0x81] =	vst.msk $0xffff, v1;
	s11 =	sadd.s32 s11, s14;
	s31 =	sor.u32 $0x400, s15  }
0x18: {  	[hbm4b:s11+s31] =	stream.strided.scatter [tilespmem:s12], [sflag:$0x2], $0x2000, s8, s31, $0x20;
	[tilespmem:$0x8080] =	vst v63  }
.LBB1_5:
0x19: {  	s13 =	sadd.s32 $0x1000, s9  }
0x1a: {  	p2 =	sgt.s32 s13, $0x31FFF  }
0x1b: {  	s13 =	smov.u32 @p2 s3;
	p2 =	sne.s32 s10, s7  }
.Ltmp1:
0x1c: {  	p1 =	slt.u32 s10, $0x2;
	(pc) =	sbr.rel @!p2 .LBB1_6-.Ltmp1, $4  }
0x1d: {  	s12 =	simm.s32 @!p1 $0x2  }
0x1e: {  	s14 =	sadd.s32 $0x1, s10;
	_ =	swait.ge @!p1 [sflag:s12], $0x2000  }
0x1f: {  	s11 =	smov.u32 s9;
	p0 =	por !p0, !p0;
	[sflag:s12] =	ssyncset.done @!p1 $0x0  }
0x20: {  	s10 =	smov.u32 s14;
	s9 =	smov.u32 s13;
	[sflag:s12] =	ssyncadd.s32 @!p1 $0xFFFFE000  }
.LBB1_1:
0x21: {  	p1 =	sge.u32 s10, s6  }
0x22: {  	s12 =	sand.u32 @!p1 $0x1FFFFFF, s9  }
0x23: {  	s13 =	smulhi.u32 @!p1 $0x147AE15, s12;
	_ =	sdelay $0x1  }
0x24: {  	s13 =	sshrl.u32 @!p1 s13, $0xA  }
0x25: {  	s13 =	smul.u32 @!p1 $0x32000, s13;
	_ =	sdelay $0x1  }
0x26: {  	s31 =	sadd.s32 $0xFFFFFFFF, s10;
	s14 =	sxor.u32 @!p1 $0xFFFFFFFF, s10;
	s12 =	ssub.s32 @!p1 s12, s13  }
0x27: {  	s15 =	simm.s32 @!p1 $0x80;
	s14 =	sshll.u32 @!p1 s14, $0xD;
	s12 =	sshll.u32 @!p1 s12, $0x4  }
0x28: {  	s13 =	sand.u32 @!p1 $0x2000, s14;
	s14 =	simm.s32 @!p1 $0x40;
	s12 =	sadd.s32 @!p1 s4, s12  }
0x29: {  	[tilespmem:s13], [sflag:$0x1] =	stream.strided.gather @!p1 [hbm4b:s12+s14], $0x2000, s15, s14, $0x38;
	[tilespmem:$0x8080] =	vst v63  }
0x2a: {  	p1 =	sge.u32 s31, s6  }
.Ltmp2:
0x2b: {  	_ = 	snop;
	(pc) =	sbr.rel @p1 .LBB1_5-.Ltmp2, $1  }
0x2c: {  	_ =	sdelay $0x3  }
0x2d: {  	s12 =	simm.s32 $0x1  }
0x2e: {  	_ =	swait.ge [sflag:s5], $0x2000;
	s12 =	simm.s32 @!p0 $0x0  }
0x2f: {  	[sflag:s5] =	ssyncset.done $0x0;
	s13 =	sshll.u32 s12, $0xD  }
0x30: {  	[sflag:s5] =	ssyncadd.s32 $0xFFFFE000;
	s16 =	sor.u32 $0x20, s13  }
0x31: {  	s12 =	smul.u32 $0x8100, s12;
	v3 =	vld [tilespmem:s16+$0x10]  }
0x32: {  	s30 =	sand.u32 $0x1, s10;
	v2 =	vld [tilespmem:s16+$0xFFFFFFF0]  }
0x33: {  	s13 =	smul.u32 $0x8100, s30;
	s12 =	sshrl.u32 s12, $0x2;
	v0 =	vld [tilespmem:s16+$0x0]  }
0x34: {  	v1 =	vld [tilespmem:s16+$0xFFFFFFE0];
	s14 =	sor.u32 $0x4000, s12  }
0x35: {  	s31 =	sshrl.u32 s13, $0x2;
	s13 =	sadd.s32 $0x0, s14  }
0x36: {  	s15 =	simm.s32 $0x4;
	s16 =	sadd.s32 $0x40, s16;
	s12 =	sor.u32 $0x4000, s31;
	[tilespmem:s13+$0x1830 ss:$0x81] =	vst.msk $0xffff, v3  }
.LBB1_3:
0x37: {  	v3 =	vld [tilespmem:s16+$0x10];
	p1 =	sne.s32 s15, $0x1FC;
	[tilespmem:s13+$0x810 ss:$0x81] =	vst.msk $0xffff, v2;
	s17 =	smov.u32 s15;
	s15 =	sadd.s32 $0x4, s15  }
.Ltmp3:
0x38: {  	v2 =	vld [tilespmem:s16+$0xFFFFFFF0];
	[tilespmem:s13+$0x1020 ss:$0x81] =	vst.msk $0xffff, v0;
	(pc) =	sbr.rel @p1 .LBB1_3-.Ltmp3, $4  }
0x39: {  	v0 =	vld [tilespmem:s16+$0x0];
	[tilespmem:s13+$0x0 ss:$0x81] =	vst.msk $0xffff, v1  }
0x3a: {  	s13 =	sshra.s32 s17, $0x2;
	v1 =	vld [tilespmem:s16+$0xFFFFFFE0]  }
0x3b: {  	s13 =	sadd.s32 s13, s14  }
0x3c: {  	s16 =	sadd.s32 $0x40, s16;
	[tilespmem:s13+$0x1830 ss:$0x81] =	vst.msk $0xffff, v3  }
.Ltmp4:
0x3d: {  	_ = 	snop;
	(pc) =	sbr.rel .LBB1_4-.Ltmp4, $1  }
0x3e: {  	_ =	sdelay $0x3  }
.LBB1_6:
0x3f: {  	_ =	sfence.sel $0x180000  }
0x40: {  	s2 =	simm.s32 $0x1;
	[bflag:$0x0] =	sbarrier.arrive $0xFFFF  }
0x41: {  	s31 =	simm.s32 $0x2;
	[sflag:s2] =	ssyncpa.u1 $0x1  }
0x42: {  	[sflag:s31] =	ssyncpa.u1 $0x1  }
0x43: {  	p0 =	sne.s32 s0, $0x0;
	_ =	strace $0x90000050  }
0x44: {  	s0 =	sadd.s32 @!p0 $0x100000, s1;
	[bflag:$0x2] =	sbarrier.arrive $0xFFFF  }
0x45: {  	[sflag:s0] =	ssyncadd.tile.s32 @!p0 $0x1;
	_ =	shalt  }
.Lfunc_end1:
_tile_overlayer_lowered:
.L_overlay_start_2:
0x46: {  	(tag) =	ssettag $0x2  }
0x47: {  	s0 =	rddreg [dreg:$0x0];
	s2 =	stileid.u32  }
0x48: {  	s1 =	rddreg [dreg:$0x1];
	p0 =	sne.s32 s2, $0x0  }
0x49: {  	s3 =	rddreg [dreg:$0x2];
	[bflag:$0x3] =	sbarrier.arrive $0xFFFF;
	s2 =	simm.s32 @!p0 $0x1C01  }
0x4a: {  	[timem:s3], [sflag:s2] =	dma.local @!p0 [hbm:s0], s1  }
0x4b: {  	s0 =	simm.s32 @!p0 $0x1  }
0x4c: {  	_ =	swait.ge @!p0 [sflag:s0], s1  }
0x4d: {  	s1 =	ssub.s32 @!p0 $0x0, s1;
	[sflag:s0] =	ssyncset.done @!p0 $0x0  }
0x4e: {  	[sflag:s0] =	ssyncadd.s32 @!p0 s1  }
0x4f: {  	[bflag:$0x3] =	sbarrier.arrive $0xFFFF  }
0x50: {  	_ =	shalt  }

</sc_bundles>
